<compile_context>
chip_gen: v7x
topology: tpu7x:2x2x1
jax: 0.10.2.dev20260603
libtpu: 0.0.44.dev20260713+nightly
codegen_flags: <defaults>
</compile_context>

<pallas_src>
import functools

import jax
import jax.numpy as jnp
from jax import lax
from jax.experimental import pallas as pl
from jax.experimental.pallas import tpu as pltpu
from jax.experimental.pallas import tpu_sc as plsc

NC = 2
NS = 16
NW = NC * NS
L = 16
CHUNK = 128

_f32 = jnp.float32


def _sds(shape):
    return jax.ShapeDtypeStruct(shape, _f32)


def _rsqrt_sc(d):
    i = lax.bitcast_convert_type(d, jnp.int32)
    i = jnp.full((L,), 0x5F3759DF, jnp.int32) - (i >> 1)
    y = lax.bitcast_convert_type(i, _f32)
    for _ in range(3):
        y = y * (1.5 - 0.5 * d * y * y)
    return y



def _sc_degree(col3, npad):
    nch = col3.shape[1]
    rpt = npad // NS
    mesh = plsc.VectorSubcoreMesh(core_axis_name="c", subcore_axis_name="s")

    @functools.partial(
        pl.kernel,
        out_type=_sds((NC, npad, L)),
        mesh=mesh,
        scratch_types=[
            pltpu.VMEM((nch, CHUNK), jnp.int32),
            pltpu.VMEM((CHUNK, L), _f32),
            pltpu.VMEM((rpt, L), _f32),
            pltpu.VMEM_SHARED((npad, L), _f32),
            pltpu.SemaphoreType.DMA,
        ],
        compiler_params=pltpu.CompilerParams(use_tc_tiling_on_sc=False),
    )
    def deg(col_hbm, out_hbm, col_v, one_v, z_v, acc_sh, sem):
        cid = lax.axis_index("c")
        sid = lax.axis_index("s")
        wid = sid * NC + cid

        pltpu.sync_copy(col_hbm.at[wid], col_v)

        zero = jnp.zeros((L,), _f32)
        one = jnp.ones((L,), _f32)

        @pl.loop(0, CHUNK)
        def _(i):
            one_v[i] = one

        @pl.loop(0, rpt)
        def _(i):
            z_v[i] = zero

        pltpu.sync_copy(z_v, acc_sh.at[pl.ds(sid * rpt, rpt)])
        plsc.subcore_barrier()

        @pl.loop(0, nch)
        def _(j):
            pltpu.async_copy(one_v, acc_sh.at[col_v.at[j]], sem, add=True)

        @pl.loop(0, nch)
        def _(j):
            pltpu.make_async_copy(one_v, acc_sh.at[col_v.at[j]], sem).wait()

        plsc.subcore_barrier()
        pltpu.sync_copy(acc_sh.at[pl.ds(sid * rpt, rpt)],
                        out_hbm.at[cid, pl.ds(sid * rpt, rpt)])

    return deg(col3)


def _sc_hop(xw, degp, s_prev, row3, col3, npad):
    nch = row3.shape[1]
    rpt = npad // NS
    hop2 = s_prev is not None
    mesh = plsc.VectorSubcoreMesh(core_axis_name="c", subcore_axis_name="s")

    scratch = [
        pltpu.VMEM((nch, CHUNK), jnp.int32),
        pltpu.VMEM((nch, CHUNK), jnp.int32),
        [pltpu.VMEM((CHUNK, L), _f32)] * 4,
        pltpu.VMEM((rpt, L), _f32),
        pltpu.VMEM((rpt, L), _f32),
        pltpu.VMEM((rpt, L), _f32),
        pltpu.VMEM((rpt, L), _f32),
        pltpu.VMEM_SHARED((npad, L), _f32),
        pltpu.VMEM_SHARED((npad, L), _f32),
        [pltpu.SemaphoreType.DMA] * 4,
        [pltpu.SemaphoreType.DMA] * 4,
    ]
    if hop2:
        scratch.insert(7, pltpu.VMEM((rpt, L), _f32))
        scratch.insert(8, pltpu.VMEM((rpt, L), _f32))

    def body(refs):
        if hop2:
            (xw_hbm, dp_hbm, sp_hbm, row_hbm, col_hbm, out_hbm, row_v,
             col_v, msg, a_v, p0_v, p1_v, g_v, q0_v, q1_v, g_sh, acc_sh,
             gsem, ssem) = refs
        else:
            (xw_hbm, dp_hbm, row_hbm, col_hbm, out_hbm, row_v, col_v,
             msg, a_v, p0_v, p1_v, g_v, g_sh, acc_sh, gsem, ssem) = refs

        cid = lax.axis_index("c")
        sid = lax.axis_index("s")
        wid = sid * NC + cid
        base = sid * rpt

        pltpu.sync_copy(row_hbm.at[wid], row_v)
        pltpu.sync_copy(col_hbm.at[wid], col_v)
        pltpu.sync_copy(xw_hbm.at[pl.ds(base, rpt)], a_v)
        pltpu.sync_copy(dp_hbm.at[0, pl.ds(base, rpt)], p0_v)
        pltpu.sync_copy(dp_hbm.at[1, pl.ds(base, rpt)], p1_v)
        if hop2:
            pltpu.sync_copy(sp_hbm.at[0, pl.ds(base, rpt)], q0_v)
            pltpu.sync_copy(sp_hbm.at[1, pl.ds(base, rpt)], q1_v)

        @pl.loop(0, rpt)
        def _(i):
            dv = _rsqrt_sc(1.0 + p0_v[i] + p1_v[i])
            g = dv * a_v[i]
            if hop2:
                g = dv * dv * (q0_v[i] + q1_v[i] + g)
            g_v[i] = g

        pltpu.sync_copy(g_v, g_sh.at[pl.ds(base, rpt)])

        zero = jnp.zeros((L,), _f32)

        @pl.loop(0, rpt)
        def _(i):
            g_v[i] = zero

        pltpu.sync_copy(g_v, acc_sh.at[pl.ds(base, rpt)])
        plsc.subcore_barrier()

        def g_issue(b, j):
            pltpu.async_copy(g_sh.at[row_v.at[j]], msg[b], gsem[b])

        def g_wait(b, j):
            pltpu.make_async_copy(g_sh.at[row_v.at[j]], msg[b],
                                  gsem[b]).wait()

        def s_issue(b, j):
            pltpu.async_copy(msg[b], acc_sh.at[col_v.at[j]], ssem[b],
                             add=True)

        def s_wait(b, j):
            pltpu.make_async_copy(msg[b], acc_sh.at[col_v.at[j]],
                                  ssem[b]).wait()

        last = nch - 1
        g_issue(0, 0)
        g_issue(1, 1)
        g_wait(0, 0); s_issue(0, 0); g_issue(2, 2)
        g_wait(1, 1); s_issue(1, 1); g_issue(3, 3)
        g_wait(2, 2); s_issue(2, 2); s_wait(0, 0); g_issue(0, 4)
        g_wait(3, 3); s_issue(3, 3); s_wait(1, 1); g_issue(1, 5)

        @pl.loop(1, nch // 4)
        def _(jo):
            j0 = 4 * jo
            for b in range(4):
                j = j0 + b
                g_wait(b, j)
                s_issue(b, j)
                s_wait((b + 2) % 4, j - 2)
                g_issue((b + 2) % 4, jnp.minimum(j + 2, last))

        s_wait(2, nch - 2)
        s_wait(3, nch - 1)
        g_wait(0, last)
        g_wait(1, last)
        plsc.subcore_barrier()
        pltpu.sync_copy(acc_sh.at[pl.ds(base, rpt)],
                        out_hbm.at[cid, pl.ds(base, rpt)])

    kern = functools.partial(
        pl.kernel,
        out_type=_sds((NC, npad, L)),
        mesh=mesh,
        scratch_types=scratch,
        compiler_params=pltpu.CompilerParams(use_tc_tiling_on_sc=False),
    )

    if hop2:
        @kern
        def hop(*refs):
            body(refs)
        return hop(xw, degp, s_prev, row3, col3)

    @kern
    def hop(*refs):
        body(refs)
    return hop(xw, degp, row3, col3)



def _tc_project(x, w, npad):
    n = x.shape[0]

    def f(x_ref, w_ref, o_ref):
        o_ref[:n] = lax.dot_general(
            x_ref[...], w_ref[...], (((1,), (1,)), ((), ())),
            preferred_element_type=_f32)
        o_ref[n:] = jnp.zeros((npad - n, L), _f32)

    return pl.pallas_call(f, out_shape=_sds((npad, L)))(x, w)


def _tc_final(degp, xw, s1, s2, b2):
    def f(dp_ref, xw_ref, s1_ref, s2_ref, b_ref, o_ref):
        dv = lax.rsqrt(1.0 + dp_ref[0] + dp_ref[1])
        g0 = dv * xw_ref[...]
        g1 = dv * dv * (s1_ref[0] + s1_ref[1] + g0)
        h2 = dv * (s2_ref[0] + s2_ref[1] + g1)
        logits = h2 + b_ref[...]
        m = jnp.max(logits, axis=1, keepdims=True)
        e = jnp.exp(logits - m)
        z = jnp.sum(e, axis=1, keepdims=True)
        o_ref[...] = logits - m - jnp.log(z)

    return pl.pallas_call(
        f, out_shape=_sds(xw.shape))(degp, xw, s1, s2, b2)



def kernel(x, edge_index, W, b):
    n, d = x.shape
    c = W.shape[0]
    e = edge_index.shape[1]
    assert c == L

    npad = ((n + CHUNK - 1) // CHUNK) * CHUNK
    nch = (e + NW * CHUNK - 1) // (NW * CHUNK)
    nch = max(8, ((nch + 3) // 4) * 4)
    epad = NW * nch * CHUNK

    row3 = jnp.pad(edge_index[0], (0, epad - e)).reshape(NW, nch, CHUNK)
    col3 = jnp.pad(edge_index[1], (0, epad - e),
                   constant_values=n).reshape(NW, nch, CHUNK)

    degp = _sc_degree(col3, npad)
    xw = _tc_project(x, W, npad)
    s1 = _sc_hop(xw, degp, None, row3, col3, npad)
    s2 = _sc_hop(xw, degp, s1, row3, col3, npad)
    out = _tc_final(degp, xw, s1, s2, b.reshape(1, L))
    return out[:n]

# --- scband reference (transcript-rebuilt; emitter-appended) ---
"""Pipeline reference for scband-sgc-29386166239464 (READ-ONLY COPY).

The authoritative reference and input builder live on the scoring server;
editing this copy changes nothing except your own understanding.
"""

import jax, jax.numpy as jnp
import numpy as np

N = 10000
E = 320000
D = 128
C = 16
K = 2


def setup_inputs(seed: int = 0) -> dict:
    key = jax.random.key(seed)
    k1, k2, k3, k4 = jax.random.split(key, 4)
    x = jax.random.normal(k1, (N, D), dtype=jnp.float32)
    edge_index = jax.random.randint(k2, (2, E), 0, N, dtype=jnp.int32)
    # SGConv's internal linear layer: weight [C, D], bias [C]
    W = jax.random.normal(k3, (C, D), dtype=jnp.float32) * (1.0 / np.sqrt(D))
    b = jnp.zeros((C,), dtype=jnp.float32)
    return {"x": x, "edge_index": edge_index, "W": W, "b": b}


def reference(x, edge_index, W, b):
    # F.dropout with training=self.training -> identity in eval mode
    n = x.shape[0]
    # gcn_norm with add_self_loops=True (PyG SGConv default)
    loop = jnp.arange(n, dtype=edge_index.dtype)
    row = jnp.concatenate([edge_index[0], loop])
    col = jnp.concatenate([edge_index[1], loop])
    ones = jnp.ones(row.shape[0], dtype=x.dtype)
    deg = jnp.zeros((n,), dtype=x.dtype).at[col].add(ones)
    deg_inv_sqrt = jnp.where(deg > 0, 1.0 / jnp.sqrt(deg), 0.0)
    norm = deg_inv_sqrt[row] * deg_inv_sqrt[col]
    # K=2 propagation steps: out[col] += norm * h[row]
    h = x
    for _ in range(K):
        msg = h[row] * norm[:, None]
        h = jnp.zeros_like(h).at[col].add(msg)
    # final linear layer
    out = h @ W.T + b
    return jax.nn.log_softmax(out, axis=1)

if __name__ == "__main__":
    import jax
    _d = setup_inputs()
    print(jax.jit(kernel)(*tuple(_d.values())))

</pallas_src>

<mosaic_0001>
#map = affine_map<(d0, d1) -> (0, 0)>
#map1 = affine_map<(d0, d1) -> (0, 0, 0)>
module attributes {stable_mosaic.version = 14 : i64} {
  func.func @hop(%arg0: i32, %arg1: i32, %arg2: memref<10112x16xf32, #tpu.memory_space<hbm>>, %arg3: memref<2x10112x16xf32, #tpu.memory_space<hbm>>, %arg4: memref<2x10112x16xf32, #tpu.memory_space<hbm>>, %arg5: memref<32x80x128xi32, #tpu.memory_space<hbm>>, %arg6: memref<32x80x128xi32, #tpu.memory_space<hbm>>, %arg7: memref<2x10112x16xf32, #tpu.memory_space<hbm>>, %arg8: memref<80x128xi32, #tpu.memory_space<vmem>>, %arg9: memref<80x128xi32, #tpu.memory_space<vmem>>, %arg10: memref<128x16xf32, #tpu.memory_space<vmem>>, %arg11: memref<128x16xf32, #tpu.memory_space<vmem>>, %arg12: memref<128x16xf32, #tpu.memory_space<vmem>>, %arg13: memref<128x16xf32, #tpu.memory_space<vmem>>, %arg14: memref<632x16xf32, #tpu.memory_space<vmem>>, %arg15: memref<632x16xf32, #tpu.memory_space<vmem>>, %arg16: memref<632x16xf32, #tpu.memory_space<vmem>>, %arg17: memref<632x16xf32, #tpu.memory_space<vmem>>, %arg18: memref<632x16xf32, #tpu.memory_space<vmem>>, %arg19: memref<632x16xf32, #tpu.memory_space<vmem>>, %arg20: memref<10112x16xf32, #tpu.memory_space<vmem_shared>>, %arg21: memref<10112x16xf32, #tpu.memory_space<vmem_shared>>, %arg22: memref<!tpu.dma_semaphore, #tpu.memory_space<semaphore_mem>>, %arg23: memref<!tpu.dma_semaphore, #tpu.memory_space<semaphore_mem>>, %arg24: memref<!tpu.dma_semaphore, #tpu.memory_space<semaphore_mem>>, %arg25: memref<!tpu.dma_semaphore, #tpu.memory_space<semaphore_mem>>, %arg26: memref<!tpu.dma_semaphore, #tpu.memory_space<semaphore_mem>>, %arg27: memref<!tpu.dma_semaphore, #tpu.memory_space<semaphore_mem>>, %arg28: memref<!tpu.dma_semaphore, #tpu.memory_space<semaphore_mem>>, %arg29: memref<!tpu.dma_semaphore, #tpu.memory_space<semaphore_mem>>) attributes {dimension_semantics = [#tpu.dimension_semantics<core_parallel>, #tpu.dimension_semantics<subcore_parallel>], iteration_bounds = array<i64: 2, 16>, scalar_prefetch = 0 : i64, scratch_operands = 22 : i64, tpu.core_type = #tpu.core_type<sc_vector_subcore>, window_params = [{transform_indices = #map}, {transform_indices = #map1}, {transform_indices = #map1}, {transform_indices = #map1}, {transform_indices = #map1}, {transform_indices = #map1}]} {
    %mul3A = arith.constant 2 : i32
    %mul3A_0 = arith.muli %arg1, %mul3A : i32
    %add3A = arith.addi %mul3A_0, %arg0 : i32
    %mul3A_1 = arith.constant 632 : i32
    %mul3A_2 = arith.muli %arg1, %mul3A_1 : i32
    "tpu.region"() ({
      %run_scoped3A_160 = tpu.sem_alloc : memref<!tpu.dma_semaphore, #tpu.memory_space<semaphore_mem>>
      %dma_start3A_161 = arith.constant 0 : i32
      %dma_start3A_162 = arith.constant 0 : i32
      %dma_start3A_163 = tpu.memref_slice %arg5[%add3A, %dma_start3A_161, %dma_start3A_162] : memref<32x80x128xi32, #tpu.memory_space<hbm>> -> memref<1x80x128xi32, #tpu.memory_space<hbm>>
      %dma_start3A_164 = tpu.memref_squeeze %dma_start3A_163 : memref<1x80x128xi32, #tpu.memory_space<hbm>> -> memref<80x128xi32, #tpu.memory_space<hbm>>
      %dma_start3A_165 = arith.constant 0 : i32
      %dma_start3A_166 = arith.constant 0 : i32
      %dma_start3A_167 = tpu.memref_slice %arg5[%add3A, %dma_start3A_165, %dma_start3A_166] : memref<32x80x128xi32, #tpu.memory_space<hbm>> -> memref<1x80x128xi32, #tpu.memory_space<hbm>>
      %dma_start3A_168 = tpu.memref_squeeze %dma_start3A_167 : memref<1x80x128xi32, #tpu.memory_space<hbm>> -> memref<80x128xi32, #tpu.memory_space<hbm>>
      tpu.enqueue_dma source(%dma_start3A_168 : memref<80x128xi32, #tpu.memory_space<hbm>>) target(%arg8 : memref<80x128xi32, #tpu.memory_space<vmem>>) target_semaphore(%run_scoped3A_160 : memref<!tpu.dma_semaphore, #tpu.memory_space<semaphore_mem>>)
      %dma_wait3A_169 = arith.constant 0 : i32
      %dma_wait3A_170 = arith.constant 0 : i32
      %dma_wait3A_171 = tpu.memref_slice %arg5[%add3A, %dma_wait3A_169, %dma_wait3A_170] : memref<32x80x128xi32, #tpu.memory_space<hbm>> -> memref<1x80x128xi32, #tpu.memory_space<hbm>>
      %dma_wait3A_172 = tpu.memref_squeeze %dma_wait3A_171 : memref<1x80x128xi32, #tpu.memory_space<hbm>> -> memref<80x128xi32, #tpu.memory_space<hbm>>
      %dma_wait3A_173 = arith.constant 0 : i32
      %dma_wait3A_174 = arith.constant 0 : i32
      %dma_wait3A_175 = tpu.memref_slice %arg5[%add3A, %dma_wait3A_173, %dma_wait3A_174] : memref<32x80x128xi32, #tpu.memory_space<hbm>> -> memref<1x80x128xi32, #tpu.memory_space<hbm>>
      %dma_wait3A_176 = tpu.memref_squeeze %dma_wait3A_175 : memref<1x80x128xi32, #tpu.memory_space<hbm>> -> memref<80x128xi32, #tpu.memory_space<hbm>>
      tpu.wait_dma2 semaphore(%run_scoped3A_160 : memref<!tpu.dma_semaphore, #tpu.memory_space<semaphore_mem>>) src(%dma_wait3A_176 : memref<80x128xi32, #tpu.memory_space<hbm>>) dst(%arg8 : memref<80x128xi32, #tpu.memory_space<vmem>>)
      tpu.yield
    }) : () -> ()
    "tpu.region"() ({
      %run_scoped3A_160 = tpu.sem_alloc : memref<!tpu.dma_semaphore, #tpu.memory_space<semaphore_mem>>
      %dma_start3A_161 = arith.constant 0 : i32
      %dma_start3A_162 = arith.constant 0 : i32
      %dma_start3A_163 = tpu.memref_slice %arg6[%add3A, %dma_start3A_161, %dma_start3A_162] : memref<32x80x128xi32, #tpu.memory_space<hbm>> -> memref<1x80x128xi32, #tpu.memory_space<hbm>>
      %dma_start3A_164 = tpu.memref_squeeze %dma_start3A_163 : memref<1x80x128xi32, #tpu.memory_space<hbm>> -> memref<80x128xi32, #tpu.memory_space<hbm>>
      %dma_start3A_165 = arith.constant 0 : i32
      %dma_start3A_166 = arith.constant 0 : i32
      %dma_start3A_167 = tpu.memref_slice %arg6[%add3A, %dma_start3A_165, %dma_start3A_166] : memref<32x80x128xi32, #tpu.memory_space<hbm>> -> memref<1x80x128xi32, #tpu.memory_space<hbm>>
      %dma_start3A_168 = tpu.memref_squeeze %dma_start3A_167 : memref<1x80x128xi32, #tpu.memory_space<hbm>> -> memref<80x128xi32, #tpu.memory_space<hbm>>
      tpu.enqueue_dma source(%dma_start3A_168 : memref<80x128xi32, #tpu.memory_space<hbm>>) target(%arg9 : memref<80x128xi32, #tpu.memory_space<vmem>>) target_semaphore(%run_scoped3A_160 : memref<!tpu.dma_semaphore, #tpu.memory_space<semaphore_mem>>)
      %dma_wait3A_169 = arith.constant 0 : i32
      %dma_wait3A_170 = arith.constant 0 : i32
      %dma_wait3A_171 = tpu.memref_slice %arg6[%add3A, %dma_wait3A_169, %dma_wait3A_170] : memref<32x80x128xi32, #tpu.memory_space<hbm>> -> memref<1x80x128xi32, #tpu.memory_space<hbm>>
      %dma_wait3A_172 = tpu.memref_squeeze %dma_wait3A_171 : memref<1x80x128xi32, #tpu.memory_space<hbm>> -> memref<80x128xi32, #tpu.memory_space<hbm>>
      %dma_wait3A_173 = arith.constant 0 : i32
      %dma_wait3A_174 = arith.constant 0 : i32
      %dma_wait3A_175 = tpu.memref_slice %arg6[%add3A, %dma_wait3A_173, %dma_wait3A_174] : memref<32x80x128xi32, #tpu.memory_space<hbm>> -> memref<1x80x128xi32, #tpu.memory_space<hbm>>
      %dma_wait3A_176 = tpu.memref_squeeze %dma_wait3A_175 : memref<1x80x128xi32, #tpu.memory_space<hbm>> -> memref<80x128xi32, #tpu.memory_space<hbm>>
      tpu.wait_dma2 semaphore(%run_scoped3A_160 : memref<!tpu.dma_semaphore, #tpu.memory_space<semaphore_mem>>) src(%dma_wait3A_176 : memref<80x128xi32, #tpu.memory_space<hbm>>) dst(%arg9 : memref<80x128xi32, #tpu.memory_space<vmem>>)
      tpu.yield
    }) : () -> ()
    "tpu.region"() ({
      %run_scoped3A_160 = tpu.sem_alloc : memref<!tpu.dma_semaphore, #tpu.memory_space<semaphore_mem>>
      %dma_start3A_161 = arith.constant 0 : i32
      %dma_start3A_162 = tpu.memref_slice %arg2[%mul3A_2, %dma_start3A_161] : memref<10112x16xf32, #tpu.memory_space<hbm>> -> memref<632x16xf32, #tpu.memory_space<hbm>>
      %dma_start3A_163 = arith.constant 0 : i32
      %dma_start3A_164 = tpu.memref_slice %arg2[%mul3A_2, %dma_start3A_163] : memref<10112x16xf32, #tpu.memory_space<hbm>> -> memref<632x16xf32, #tpu.memory_space<hbm>>
      tpu.enqueue_dma source(%dma_start3A_164 : memref<632x16xf32, #tpu.memory_space<hbm>>) target(%arg14 : memref<632x16xf32, #tpu.memory_space<vmem>>) target_semaphore(%run_scoped3A_160 : memref<!tpu.dma_semaphore, #tpu.memory_space<semaphore_mem>>)
      %dma_wait3A_165 = arith.constant 0 : i32
      %dma_wait3A_166 = tpu.memref_slice %arg2[%mul3A_2, %dma_wait3A_165] : memref<10112x16xf32, #tpu.memory_space<hbm>> -> memref<632x16xf32, #tpu.memory_space<hbm>>
      %dma_wait3A_167 = arith.constant 0 : i32
      %dma_wait3A_168 = tpu.memref_slice %arg2[%mul3A_2, %dma_wait3A_167] : memref<10112x16xf32, #tpu.memory_space<hbm>> -> memref<632x16xf32, #tpu.memory_space<hbm>>
      tpu.wait_dma2 semaphore(%run_scoped3A_160 : memref<!tpu.dma_semaphore, #tpu.memory_space<semaphore_mem>>) src(%dma_wait3A_168 : memref<632x16xf32, #tpu.memory_space<hbm>>) dst(%arg14 : memref<632x16xf32, #tpu.memory_space<vmem>>)
      tpu.yield
    }) : () -> ()
    %run_scoped3A = arith.constant 0 : i32
    "tpu.region"() ({
      %run_scoped3A_160 = tpu.sem_alloc : memref<!tpu.dma_semaphore, #tpu.memory_space<semaphore_mem>>
      %dma_start3A_161 = arith.constant 0 : i32
      %dma_start3A_162 = tpu.memref_slice %arg3[%run_scoped3A, %mul3A_2, %dma_start3A_161] : memref<2x10112x16xf32, #tpu.memory_space<hbm>> -> memref<1x632x16xf32, #tpu.memory_space<hbm>>
      %dma_start3A_163 = tpu.memref_squeeze %dma_start3A_162 : memref<1x632x16xf32, #tpu.memory_space<hbm>> -> memref<632x16xf32, #tpu.memory_space<hbm>>
      %dma_start3A_164 = arith.constant 0 : i32
      %dma_start3A_165 = tpu.memref_slice %arg3[%run_scoped3A, %mul3A_2, %dma_start3A_164] : memref<2x10112x16xf32, #tpu.memory_space<hbm>> -> memref<1x632x16xf32, #tpu.memory_space<hbm>>
      %dma_start3A_166 = tpu.memref_squeeze %dma_start3A_165 : memref<1x632x16xf32, #tpu.memory_space<hbm>> -> memref<632x16xf32, #tpu.memory_space<hbm>>
      tpu.enqueue_dma source(%dma_start3A_166 : memref<632x16xf32, #tpu.memory_space<hbm>>) target(%arg15 : memref<632x16xf32, #tpu.memory_space<vmem>>) target_semaphore(%run_scoped3A_160 : memref<!tpu.dma_semaphore, #tpu.memory_space<semaphore_mem>>)
      %dma_wait3A_167 = arith.constant 0 : i32
      %dma_wait3A_168 = tpu.memref_slice %arg3[%run_scoped3A, %mul3A_2, %dma_wait3A_167] : memref<2x10112x16xf32, #tpu.memory_space<hbm>> -> memref<1x632x16xf32, #tpu.memory_space<hbm>>
      %dma_wait3A_169 = tpu.memref_squeeze %dma_wait3A_168 : memref<1x632x16xf32, #tpu.memory_space<hbm>> -> memref<632x16xf32, #tpu.memory_space<hbm>>
      %dma_wait3A_170 = arith.constant 0 : i32
      %dma_wait3A_171 = tpu.memref_slice %arg3[%run_scoped3A, %mul3A_2, %dma_wait3A_170] : memref<2x10112x16xf32, #tpu.memory_space<hbm>> -> memref<1x632x16xf32, #tpu.memory_space<hbm>>
      %dma_wait3A_172 = tpu.memref_squeeze %dma_wait3A_171 : memref<1x632x16xf32, #tpu.memory_space<hbm>> -> memref<632x16xf32, #tpu.memory_space<hbm>>
      tpu.wait_dma2 semaphore(%run_scoped3A_160 : memref<!tpu.dma_semaphore, #tpu.memory_space<semaphore_mem>>) src(%dma_wait3A_172 : memref<632x16xf32, #tpu.memory_space<hbm>>) dst(%arg15 : memref<632x16xf32, #tpu.memory_space<vmem>>)
      tpu.yield
    }) : () -> ()
    %run_scoped3A_3 = arith.constant 1 : i32
    "tpu.region"() ({
      %run_scoped3A_160 = tpu.sem_alloc : memref<!tpu.dma_semaphore, #tpu.memory_space<semaphore_mem>>
      %dma_start3A_161 = arith.constant 0 : i32
      %dma_start3A_162 = tpu.memref_slice %arg3[%run_scoped3A_3, %mul3A_2, %dma_start3A_161] : memref<2x10112x16xf32, #tpu.memory_space<hbm>> -> memref<1x632x16xf32, #tpu.memory_space<hbm>>
      %dma_start3A_163 = tpu.memref_squeeze %dma_start3A_162 : memref<1x632x16xf32, #tpu.memory_space<hbm>> -> memref<632x16xf32, #tpu.memory_space<hbm>>
      %dma_start3A_164 = arith.constant 0 : i32
      %dma_start3A_165 = tpu.memref_slice %arg3[%run_scoped3A_3, %mul3A_2, %dma_start3A_164] : memref<2x10112x16xf32, #tpu.memory_space<hbm>> -> memref<1x632x16xf32, #tpu.memory_space<hbm>>
      %dma_start3A_166 = tpu.memref_squeeze %dma_start3A_165 : memref<1x632x16xf32, #tpu.memory_space<hbm>> -> memref<632x16xf32, #tpu.memory_space<hbm>>
      tpu.enqueue_dma source(%dma_start3A_166 : memref<632x16xf32, #tpu.memory_space<hbm>>) target(%arg16 : memref<632x16xf32, #tpu.memory_space<vmem>>) target_semaphore(%run_scoped3A_160 : memref<!tpu.dma_semaphore, #tpu.memory_space<semaphore_mem>>)
      %dma_wait3A_167 = arith.constant 0 : i32
      %dma_wait3A_168 = tpu.memref_slice %arg3[%run_scoped3A_3, %mul3A_2, %dma_wait3A_167] : memref<2x10112x16xf32, #tpu.memory_space<hbm>> -> memref<1x632x16xf32, #tpu.memory_space<hbm>>
      %dma_wait3A_169 = tpu.memref_squeeze %dma_wait3A_168 : memref<1x632x16xf32, #tpu.memory_space<hbm>> -> memref<632x16xf32, #tpu.memory_space<hbm>>
      %dma_wait3A_170 = arith.constant 0 : i32
      %dma_wait3A_171 = tpu.memref_slice %arg3[%run_scoped3A_3, %mul3A_2, %dma_wait3A_170] : memref<2x10112x16xf32, #tpu.memory_space<hbm>> -> memref<1x632x16xf32, #tpu.memory_space<hbm>>
      %dma_wait3A_172 = tpu.memref_squeeze %dma_wait3A_171 : memref<1x632x16xf32, #tpu.memory_space<hbm>> -> memref<632x16xf32, #tpu.memory_space<hbm>>
      tpu.wait_dma2 semaphore(%run_scoped3A_160 : memref<!tpu.dma_semaphore, #tpu.memory_space<semaphore_mem>>) src(%dma_wait3A_172 : memref<632x16xf32, #tpu.memory_space<hbm>>) dst(%arg16 : memref<632x16xf32, #tpu.memory_space<vmem>>)
      tpu.yield
    }) : () -> ()
    %run_scoped3A_4 = arith.constant 0 : i32
    "tpu.region"() ({
      %run_scoped3A_160 = tpu.sem_alloc : memref<!tpu.dma_semaphore, #tpu.memory_space<semaphore_mem>>
      %dma_start3A_161 = arith.constant 0 : i32
      %dma_start3A_162 = tpu.memref_slice %arg4[%run_scoped3A_4, %mul3A_2, %dma_start3A_161] : memref<2x10112x16xf32, #tpu.memory_space<hbm>> -> memref<1x632x16xf32, #tpu.memory_space<hbm>>
      %dma_start3A_163 = tpu.memref_squeeze %dma_start3A_162 : memref<1x632x16xf32, #tpu.memory_space<hbm>> -> memref<632x16xf32, #tpu.memory_space<hbm>>
      %dma_start3A_164 = arith.constant 0 : i32
      %dma_start3A_165 = tpu.memref_slice %arg4[%run_scoped3A_4, %mul3A_2, %dma_start3A_164] : memref<2x10112x16xf32, #tpu.memory_space<hbm>> -> memref<1x632x16xf32, #tpu.memory_space<hbm>>
      %dma_start3A_166 = tpu.memref_squeeze %dma_start3A_165 : memref<1x632x16xf32, #tpu.memory_space<hbm>> -> memref<632x16xf32, #tpu.memory_space<hbm>>
      tpu.enqueue_dma source(%dma_start3A_166 : memref<632x16xf32, #tpu.memory_space<hbm>>) target(%arg18 : memref<632x16xf32, #tpu.memory_space<vmem>>) target_semaphore(%run_scoped3A_160 : memref<!tpu.dma_semaphore, #tpu.memory_space<semaphore_mem>>)
      %dma_wait3A_167 = arith.constant 0 : i32
      %dma_wait3A_168 = tpu.memref_slice %arg4[%run_scoped3A_4, %mul3A_2, %dma_wait3A_167] : memref<2x10112x16xf32, #tpu.memory_space<hbm>> -> memref<1x632x16xf32, #tpu.memory_space<hbm>>
      %dma_wait3A_169 = tpu.memref_squeeze %dma_wait3A_168 : memref<1x632x16xf32, #tpu.memory_space<hbm>> -> memref<632x16xf32, #tpu.memory_space<hbm>>
      %dma_wait3A_170 = arith.constant 0 : i32
      %dma_wait3A_171 = tpu.memref_slice %arg4[%run_scoped3A_4, %mul3A_2, %dma_wait3A_170] : memref<2x10112x16xf32, #tpu.memory_space<hbm>> -> memref<1x632x16xf32, #tpu.memory_space<hbm>>
      %dma_wait3A_172 = tpu.memref_squeeze %dma_wait3A_171 : memref<1x632x16xf32, #tpu.memory_space<hbm>> -> memref<632x16xf32, #tpu.memory_space<hbm>>
      tpu.wait_dma2 semaphore(%run_scoped3A_160 : memref<!tpu.dma_semaphore, #tpu.memory_space<semaphore_mem>>) src(%dma_wait3A_172 : memref<632x16xf32, #tpu.memory_space<hbm>>) dst(%arg18 : memref<632x16xf32, #tpu.memory_space<vmem>>)
      tpu.yield
    }) : () -> ()
    %run_scoped3A_5 = arith.constant 1 : i32
    "tpu.region"() ({
      %run_scoped3A_160 = tpu.sem_alloc : memref<!tpu.dma_semaphore, #tpu.memory_space<semaphore_mem>>
      %dma_start3A_161 = arith.constant 0 : i32
      %dma_start3A_162 = tpu.memref_slice %arg4[%run_scoped3A_5, %mul3A_2, %dma_start3A_161] : memref<2x10112x16xf32, #tpu.memory_space<hbm>> -> memref<1x632x16xf32, #tpu.memory_space<hbm>>
      %dma_start3A_163 = tpu.memref_squeeze %dma_start3A_162 : memref<1x632x16xf32, #tpu.memory_space<hbm>> -> memref<632x16xf32, #tpu.memory_space<hbm>>
      %dma_start3A_164 = arith.constant 0 : i32
      %dma_start3A_165 = tpu.memref_slice %arg4[%run_scoped3A_5, %mul3A_2, %dma_start3A_164] : memref<2x10112x16xf32, #tpu.memory_space<hbm>> -> memref<1x632x16xf32, #tpu.memory_space<hbm>>
      %dma_start3A_166 = tpu.memref_squeeze %dma_start3A_165 : memref<1x632x16xf32, #tpu.memory_space<hbm>> -> memref<632x16xf32, #tpu.memory_space<hbm>>
      tpu.enqueue_dma source(%dma_start3A_166 : memref<632x16xf32, #tpu.memory_space<hbm>>) target(%arg19 : memref<632x16xf32, #tpu.memory_space<vmem>>) target_semaphore(%run_scoped3A_160 : memref<!tpu.dma_semaphore, #tpu.memory_space<semaphore_mem>>)
      %dma_wait3A_167 = arith.constant 0 : i32
      %dma_wait3A_168 = tpu.memref_slice %arg4[%run_scoped3A_5, %mul3A_2, %dma_wait3A_167] : memref<2x10112x16xf32, #tpu.memory_space<hbm>> -> memref<1x632x16xf32, #tpu.memory_space<hbm>>
      %dma_wait3A_169 = tpu.memref_squeeze %dma_wait3A_168 : memref<1x632x16xf32, #tpu.memory_space<hbm>> -> memref<632x16xf32, #tpu.memory_space<hbm>>
      %dma_wait3A_170 = arith.constant 0 : i32
      %dma_wait3A_171 = tpu.memref_slice %arg4[%run_scoped3A_5, %mul3A_2, %dma_wait3A_170] : memref<2x10112x16xf32, #tpu.memory_space<hbm>> -> memref<1x632x16xf32, #tpu.memory_space<hbm>>
      %dma_wait3A_172 = tpu.memref_squeeze %dma_wait3A_171 : memref<1x632x16xf32, #tpu.memory_space<hbm>> -> memref<632x16xf32, #tpu.memory_space<hbm>>
      tpu.wait_dma2 semaphore(%run_scoped3A_160 : memref<!tpu.dma_semaphore, #tpu.memory_space<semaphore_mem>>) src(%dma_wait3A_172 : memref<632x16xf32, #tpu.memory_space<hbm>>) dst(%arg19 : memref<632x16xf32, #tpu.memory_space<vmem>>)
      tpu.yield
    }) : () -> ()
    %scan3A = arith.constant 0 : i32
    %scan3A_6 = arith.constant 632 : i32
    %scan3A_7 = arith.addi %scan3A, %scan3A_6 : i32
    %scan3A_8 = arith.constant 1 : i32
    scf.for %scan3A_160 = %scan3A to %scan3A_7 step %scan3A_8  : i32 {
      %mul3A_161 = arith.constant 1 : i32
      %mul3A_162 = arith.muli %scan3A_160, %mul3A_161 : i32
      %add3A_163 = arith.constant 0 : i32
      %add3A_164 = arith.addi %add3A_163, %mul3A_162 : i32
      %get3A = arith.index_cast %add3A_164 : i32 to index
      %get3A_165 = arith.constant 0 : index
      %get3A_166 = tpu.vector_load %arg15[%get3A, %get3A_165] {strides = array<i32>} : memref<632x16xf32, #tpu.memory_space<vmem>>, vector<1x16xf32>,
      %get3A_167 = vector.shape_cast %get3A_166 : vector<1x16xf32> to vector<16xf32>
      %add3A_168 = arith.constant 1.000000e+00 : f32
      %add3A_169 = vector.broadcast %add3A_168 : f32 to vector<16xf32>
      %add3A_170 = arith.addf %add3A_169, %get3A_167 : vector<16xf32>
      %get3A_171 = arith.index_cast %add3A_164 : i32 to index
      %get3A_172 = arith.constant 0 : index
      %get3A_173 = tpu.vector_load %arg16[%get3A_171, %get3A_172] {strides = array<i32>} : memref<632x16xf32, #tpu.memory_space<vmem>>, vector<1x16xf32>,
      %get3A_174 = vector.shape_cast %get3A_173 : vector<1x16xf32> to vector<16xf32>
      %add3A_175 = arith.addf %add3A_170, %get3A_174 : vector<16xf32>
      %bitcast_convert_type3A = tpu.bitcast %add3A_175 : vector<16xf32> -> vector<16xi32>
      %broadcast_in_dim3A_176 = arith.constant 1597463007 : i32
      %broadcast_in_dim3A_177 = vector.broadcast %broadcast_in_dim3A_176 : i32 to vector<16xi32>
      %shift_right_arithmetic3A = arith.constant 1 : i32
      %shift_right_arithmetic3A_178 = vector.broadcast %shift_right_arithmetic3A : i32 to vector<16xi32>
      %shift_right_arithmetic3A_179 = arith.shrsi %bitcast_convert_type3A, %shift_right_arithmetic3A_178 : vector<16xi32>
      %sub3A = arith.subi %broadcast_in_dim3A_177, %shift_right_arithmetic3A_179 : vector<16xi32>
      %bitcast_convert_type3A_180 = tpu.bitcast %sub3A : vector<16xi32> -> vector<16xf32>
      %mul3A_181 = arith.constant 5.000000e-01 : f32
      %mul3A_182 = vector.broadcast %mul3A_181 : f32 to vector<16xf32>
      %mul3A_183 = arith.mulf %mul3A_182, %add3A_175 : vector<16xf32>
      %mul3A_184 = arith.mulf %mul3A_183, %bitcast_convert_type3A_180 : vector<16xf32>
      %mul3A_185 = arith.mulf %mul3A_184, %bitcast_convert_type3A_180 : vector<16xf32>
      %sub3A_186 = arith.constant 1.500000e+00 : f32
      %sub3A_187 = vector.broadcast %sub3A_186 : f32 to vector<16xf32>
      %sub3A_188 = arith.subf %sub3A_187, %mul3A_185 : vector<16xf32>
      %mul3A_189 = arith.mulf %bitcast_convert_type3A_180, %sub3A_188 : vector<16xf32>
      %mul3A_190 = arith.constant 5.000000e-01 : f32
      %mul3A_191 = vector.broadcast %mul3A_190 : f32 to vector<16xf32>
      %mul3A_192 = arith.mulf %mul3A_191, %add3A_175 : vector<16xf32>
      %mul3A_193 = arith.mulf %mul3A_192, %mul3A_189 : vector<16xf32>
      %mul3A_194 = arith.mulf %mul3A_193, %mul3A_189 : vector<16xf32>
      %sub3A_195 = arith.constant 1.500000e+00 : f32
      %sub3A_196 = vector.broadcast %sub3A_195 : f32 to vector<16xf32>
      %sub3A_197 = arith.subf %sub3A_196, %mul3A_194 : vector<16xf32>
      %mul3A_198 = arith.mulf %mul3A_189, %sub3A_197 : vector<16xf32>
      %mul3A_199 = arith.constant 5.000000e-01 : f32
      %mul3A_200 = vector.broadcast %mul3A_199 : f32 to vector<16xf32>
      %mul3A_201 = arith.mulf %mul3A_200, %add3A_175 : vector<16xf32>
      %mul3A_202 = arith.mulf %mul3A_201, %mul3A_198 : vector<16xf32>
      %mul3A_203 = arith.mulf %mul3A_202, %mul3A_198 : vector<16xf32>
      %sub3A_204 = arith.constant 1.500000e+00 : f32
      %sub3A_205 = vector.broadcast %sub3A_204 : f32 to vector<16xf32>
      %sub3A_206 = arith.subf %sub3A_205, %mul3A_203 : vector<16xf32>
      %mul3A_207 = arith.mulf %mul3A_198, %sub3A_206 : vector<16xf32>
      %get3A_208 = arith.index_cast %add3A_164 : i32 to index
      %get3A_209 = arith.constant 0 : index
      %get3A_210 = tpu.vector_load %arg14[%get3A_208, %get3A_209] {strides = array<i32>} : memref<632x16xf32, #tpu.memory_space<vmem>>, vector<1x16xf32>,
      %get3A_211 = vector.shape_cast %get3A_210 : vector<1x16xf32> to vector<16xf32>
      %mul3A_212 = arith.mulf %mul3A_207, %get3A_211 : vector<16xf32>
      %mul3A_213 = arith.mulf %mul3A_207, %mul3A_207 : vector<16xf32>
      %get3A_214 = arith.index_cast %add3A_164 : i32 to index
      %get3A_215 = arith.constant 0 : index
      %get3A_216 = tpu.vector_load %arg18[%get3A_214, %get3A_215] {strides = array<i32>} : memref<632x16xf32, #tpu.memory_space<vmem>>, vector<1x16xf32>,
      %get3A_217 = vector.shape_cast %get3A_216 : vector<1x16xf32> to vector<16xf32>
      %get3A_218 = arith.index_cast %add3A_164 : i32 to index
      %get3A_219 = arith.constant 0 : index
      %get3A_220 = tpu.vector_load %arg19[%get3A_218, %get3A_219] {strides = array<i32>} : memref<632x16xf32, #tpu.memory_space<vmem>>, vector<1x16xf32>,
      %get3A_221 = vector.shape_cast %get3A_220 : vector<1x16xf32> to vector<16xf32>
      %add3A_222 = arith.addf %get3A_217, %get3A_221 : vector<16xf32>
      %add3A_223 = arith.addf %add3A_222, %mul3A_212 : vector<16xf32>
      %mul3A_224 = arith.mulf %mul3A_213, %add3A_223 : vector<16xf32>
      %swap3A = arith.index_cast %add3A_164 : i32 to index
      %swap3A_225 = arith.constant 0 : index
      %swap3A_226 = tpu.vector_load %arg17[%swap3A, %swap3A_225] {strides = array<i32>} : memref<632x16xf32, #tpu.memory_space<vmem>>, vector<1x16xf32>,
      %swap3A_227 = vector.shape_cast %swap3A_226 : vector<1x16xf32> to vector<16xf32>
      %swap3A_228 = vector.shape_cast %mul3A_224 : vector<16xf32> to vector<1x16xf32>
      tpu.vector_store %arg17[%swap3A, %swap3A_225], %swap3A_228 {strides = array<i32>} : memref<632x16xf32, #tpu.memory_space<vmem>>, vector<1x16xf32>,
    }
    %scan3A_9 = arith.constant 632 : i32
    "tpu.region"() ({
      %run_scoped3A_160 = tpu.sem_alloc : memref<!tpu.dma_semaphore, #tpu.memory_space<semaphore_mem>>
      %dma_start3A_161 = arith.constant 0 : i32
      %dma_start3A_162 = tpu.memref_slice %arg20[%mul3A_2, %dma_start3A_161] : memref<10112x16xf32, #tpu.memory_space<vmem_shared>> -> memref<632x16xf32, #tpu.memory_space<vmem_shared>>
      %dma_start3A_163 = arith.constant 0 : i32
      %dma_start3A_164 = tpu.memref_slice %arg20[%mul3A_2, %dma_start3A_163] : memref<10112x16xf32, #tpu.memory_space<vmem_shared>> -> memref<632x16xf32, #tpu.memory_space<vmem_shared>>
      tpu.enqueue_dma source(%arg17 : memref<632x16xf32, #tpu.memory_space<vmem>>) target(%dma_start3A_164 : memref<632x16xf32, #tpu.memory_space<vmem_shared>>) target_semaphore(%run_scoped3A_160 : memref<!tpu.dma_semaphore, #tpu.memory_space<semaphore_mem>>)
      %dma_wait3A_165 = arith.constant 0 : i32
      %dma_wait3A_166 = tpu.memref_slice %arg20[%mul3A_2, %dma_wait3A_165] : memref<10112x16xf32, #tpu.memory_space<vmem_shared>> -> memref<632x16xf32, #tpu.memory_space<vmem_shared>>
      %dma_wait3A_167 = arith.constant 0 : i32
      %dma_wait3A_168 = tpu.memref_slice %arg20[%mul3A_2, %dma_wait3A_167] : memref<10112x16xf32, #tpu.memory_space<vmem_shared>> -> memref<632x16xf32, #tpu.memory_space<vmem_shared>>
      tpu.wait_dma2 semaphore(%run_scoped3A_160 : memref<!tpu.dma_semaphore, #tpu.memory_space<semaphore_mem>>) src(%arg17 : memref<632x16xf32, #tpu.memory_space<vmem>>) dst(%dma_wait3A_168 : memref<632x16xf32, #tpu.memory_space<vmem_shared>>)
      tpu.yield
    }) : () -> ()
    %broadcast_in_dim3A = arith.constant 0.000000e+00 : f32
    %broadcast_in_dim3A_10 = vector.broadcast %broadcast_in_dim3A : f32 to vector<16xf32>
    %scan3A_11 = arith.constant 0 : i32
    %scan3A_12 = arith.constant 632 : i32
    %scan3A_13 = arith.addi %scan3A_11, %scan3A_12 : i32
    %scan3A_14 = arith.constant 1 : i32
    scf.for %scan3A_160 = %scan3A_11 to %scan3A_13 step %scan3A_14  : i32 {
      %mul3A_161 = arith.constant 1 : i32
      %mul3A_162 = arith.muli %scan3A_160, %mul3A_161 : i32
      %add3A_163 = arith.constant 0 : i32
      %add3A_164 = arith.addi %add3A_163, %mul3A_162 : i32
      %swap3A = arith.index_cast %add3A_164 : i32 to index
      %swap3A_165 = arith.constant 0 : index
      %swap3A_166 = tpu.vector_load %arg17[%swap3A, %swap3A_165] {strides = array<i32>} : memref<632x16xf32, #tpu.memory_space<vmem>>, vector<1x16xf32>,
      %swap3A_167 = vector.shape_cast %swap3A_166 : vector<1x16xf32> to vector<16xf32>
      %swap3A_168 = vector.shape_cast %broadcast_in_dim3A_10 : vector<16xf32> to vector<1x16xf32>
      tpu.vector_store %arg17[%swap3A, %swap3A_165], %swap3A_168 {strides = array<i32>} : memref<632x16xf32, #tpu.memory_space<vmem>>, vector<1x16xf32>,
    }
    %scan3A_15 = arith.constant 632 : i32
    "tpu.region"() ({
      %run_scoped3A_160 = tpu.sem_alloc : memref<!tpu.dma_semaphore, #tpu.memory_space<semaphore_mem>>
      %dma_start3A_161 = arith.constant 0 : i32
      %dma_start3A_162 = tpu.memref_slice %arg21[%mul3A_2, %dma_start3A_161] : memref<10112x16xf32, #tpu.memory_space<vmem_shared>> -> memref<632x16xf32, #tpu.memory_space<vmem_shared>>
      %dma_start3A_163 = arith.constant 0 : i32
      %dma_start3A_164 = tpu.memref_slice %arg21[%mul3A_2, %dma_start3A_163] : memref<10112x16xf32, #tpu.memory_space<vmem_shared>> -> memref<632x16xf32, #tpu.memory_space<vmem_shared>>
      tpu.enqueue_dma source(%arg17 : memref<632x16xf32, #tpu.memory_space<vmem>>) target(%dma_start3A_164 : memref<632x16xf32, #tpu.memory_space<vmem_shared>>) target_semaphore(%run_scoped3A_160 : memref<!tpu.dma_semaphore, #tpu.memory_space<semaphore_mem>>)
      %dma_wait3A_165 = arith.constant 0 : i32
      %dma_wait3A_166 = tpu.memref_slice %arg21[%mul3A_2, %dma_wait3A_165] : memref<10112x16xf32, #tpu.memory_space<vmem_shared>> -> memref<632x16xf32, #tpu.memory_space<vmem_shared>>
      %dma_wait3A_167 = arith.constant 0 : i32
      %dma_wait3A_168 = tpu.memref_slice %arg21[%mul3A_2, %dma_wait3A_167] : memref<10112x16xf32, #tpu.memory_space<vmem_shared>> -> memref<632x16xf32, #tpu.memory_space<vmem_shared>>
      tpu.wait_dma2 semaphore(%run_scoped3A_160 : memref<!tpu.dma_semaphore, #tpu.memory_space<semaphore_mem>>) src(%arg17 : memref<632x16xf32, #tpu.memory_space<vmem>>) dst(%dma_wait3A_168 : memref<632x16xf32, #tpu.memory_space<vmem_shared>>)
      tpu.yield
    }) : () -> ()
    %barrier3A = arith.constant 0 : index
    tpu.barrier barrier_id(%barrier3A)
    %dma_start3A = arith.constant 0 : i32
    %dma_start3A_16 = arith.constant 0 : i32
    %dma_start3A_17 = tpu.memref_slice %arg8[%dma_start3A, %dma_start3A_16] : memref<80x128xi32, #tpu.memory_space<vmem>> -> memref<1x128xi32, #tpu.memory_space<vmem>>
    %dma_start3A_18 = tpu.memref_squeeze %dma_start3A_17 : memref<1x128xi32, #tpu.memory_space<vmem>> -> memref<128xi32, #tpu.memory_space<vmem>>
    %dma_start3A_19 = arith.constant 0 : i32
    %dma_start3A_20 = arith.constant 0 : i32
    %dma_start3A_21 = tpu.memref_slice %arg20[%dma_start3A_19, %dma_start3A_20] : memref<10112x16xf32, #tpu.memory_space<vmem_shared>> -> memref<10112x16xf32, #tpu.memory_space<vmem_shared>>
    tpu.enqueue_indirect_dma source(%dma_start3A_21 : memref<10112x16xf32, #tpu.memory_space<vmem_shared>>) target(%arg10 : memref<128x16xf32, #tpu.memory_space<vmem>>) offsets(%dma_start3A_18 : memref<128xi32, #tpu.memory_space<vmem>>) semaphore(%arg22 : memref<!tpu.dma_semaphore, #tpu.memory_space<semaphore_mem>>)
    %dma_start3A_22 = arith.constant 1 : i32
    %dma_start3A_23 = arith.constant 0 : i32
    %dma_start3A_24 = tpu.memref_slice %arg8[%dma_start3A_22, %dma_start3A_23] : memref<80x128xi32, #tpu.memory_space<vmem>> -> memref<1x128xi32, #tpu.memory_space<vmem>>
    %dma_start3A_25 = tpu.memref_squeeze %dma_start3A_24 : memref<1x128xi32, #tpu.memory_space<vmem>> -> memref<128xi32, #tpu.memory_space<vmem>>
    %dma_start3A_26 = arith.constant 0 : i32
    %dma_start3A_27 = arith.constant 0 : i32
    %dma_start3A_28 = tpu.memref_slice %arg20[%dma_start3A_26, %dma_start3A_27] : memref<10112x16xf32, #tpu.memory_space<vmem_shared>> -> memref<10112x16xf32, #tpu.memory_space<vmem_shared>>
    tpu.enqueue_indirect_dma source(%dma_start3A_28 : memref<10112x16xf32, #tpu.memory_space<vmem_shared>>) target(%arg11 : memref<128x16xf32, #tpu.memory_space<vmem>>) offsets(%dma_start3A_25 : memref<128xi32, #tpu.memory_space<vmem>>) semaphore(%arg23 : memref<!tpu.dma_semaphore, #tpu.memory_space<semaphore_mem>>)
    %dma_wait3A = arith.constant 0 : i32
    %dma_wait3A_29 = arith.constant 0 : i32
    %dma_wait3A_30 = tpu.memref_slice %arg8[%dma_wait3A, %dma_wait3A_29] : memref<80x128xi32, #tpu.memory_space<vmem>> -> memref<1x128xi32, #tpu.memory_space<vmem>>
    %dma_wait3A_31 = tpu.memref_squeeze %dma_wait3A_30 : memref<1x128xi32, #tpu.memory_space<vmem>> -> memref<128xi32, #tpu.memory_space<vmem>>
    %dma_wait3A_32 = arith.constant 0 : i32
    %dma_wait3A_33 = arith.constant 0 : i32
    %dma_wait3A_34 = tpu.memref_slice %arg20[%dma_wait3A_32, %dma_wait3A_33] : memref<10112x16xf32, #tpu.memory_space<vmem_shared>> -> memref<10112x16xf32, #tpu.memory_space<vmem_shared>>
    tpu.wait_indirect_dma semaphore(%arg22 : memref<!tpu.dma_semaphore, #tpu.memory_space<semaphore_mem>>) src(%dma_wait3A_34 : memref<10112x16xf32, #tpu.memory_space<vmem_shared>>) dst(%arg10 : memref<128x16xf32, #tpu.memory_space<vmem>>)
    %dma_start3A_35 = arith.constant 0 : i32
    %dma_start3A_36 = arith.constant 0 : i32
    %dma_start3A_37 = tpu.memref_slice %arg9[%dma_start3A_35, %dma_start3A_36] : memref<80x128xi32, #tpu.memory_space<vmem>> -> memref<1x128xi32, #tpu.memory_space<vmem>>
    %dma_start3A_38 = tpu.memref_squeeze %dma_start3A_37 : memref<1x128xi32, #tpu.memory_space<vmem>> -> memref<128xi32, #tpu.memory_space<vmem>>
    %dma_start3A_39 = arith.constant 0 : i32
    %dma_start3A_40 = arith.constant 0 : i32
    %dma_start3A_41 = tpu.memref_slice %arg21[%dma_start3A_39, %dma_start3A_40] : memref<10112x16xf32, #tpu.memory_space<vmem_shared>> -> memref<10112x16xf32, #tpu.memory_space<vmem_shared>>
    tpu.enqueue_indirect_dma source(%arg10 : memref<128x16xf32, #tpu.memory_space<vmem>>) target(%dma_start3A_41 : memref<10112x16xf32, #tpu.memory_space<vmem_shared>>) offsets(%dma_start3A_38 : memref<128xi32, #tpu.memory_space<vmem>>) semaphore(%arg26 : memref<!tpu.dma_semaphore, #tpu.memory_space<semaphore_mem>>) {add = true}
    %dma_start3A_42 = arith.constant 2 : i32
    %dma_start3A_43 = arith.constant 0 : i32
    %dma_start3A_44 = tpu.memref_slice %arg8[%dma_start3A_42, %dma_start3A_43] : memref<80x128xi32, #tpu.memory_space<vmem>> -> memref<1x128xi32, #tpu.memory_space<vmem>>
    %dma_start3A_45 = tpu.memref_squeeze %dma_start3A_44 : memref<1x128xi32, #tpu.memory_space<vmem>> -> memref<128xi32, #tpu.memory_space<vmem>>
    %dma_start3A_46 = arith.constant 0 : i32
    %dma_start3A_47 = arith.constant 0 : i32
    %dma_start3A_48 = tpu.memref_slice %arg20[%dma_start3A_46, %dma_start3A_47] : memref<10112x16xf32, #tpu.memory_space<vmem_shared>> -> memref<10112x16xf32, #tpu.memory_space<vmem_shared>>
    tpu.enqueue_indirect_dma source(%dma_start3A_48 : memref<10112x16xf32, #tpu.memory_space<vmem_shared>>) target(%arg12 : memref<128x16xf32, #tpu.memory_space<vmem>>) offsets(%dma_start3A_45 : memref<128xi32, #tpu.memory_space<vmem>>) semaphore(%arg24 : memref<!tpu.dma_semaphore, #tpu.memory_space<semaphore_mem>>)
    %dma_wait3A_49 = arith.constant 1 : i32
    %dma_wait3A_50 = arith.constant 0 : i32
    %dma_wait3A_51 = tpu.memref_slice %arg8[%dma_wait3A_49, %dma_wait3A_50] : memref<80x128xi32, #tpu.memory_space<vmem>> -> memref<1x128xi32, #tpu.memory_space<vmem>>
    %dma_wait3A_52 = tpu.memref_squeeze %dma_wait3A_51 : memref<1x128xi32, #tpu.memory_space<vmem>> -> memref<128xi32, #tpu.memory_space<vmem>>
    %dma_wait3A_53 = arith.constant 0 : i32
    %dma_wait3A_54 = arith.constant 0 : i32
    %dma_wait3A_55 = tpu.memref_slice %arg20[%dma_wait3A_53, %dma_wait3A_54] : memref<10112x16xf32, #tpu.memory_space<vmem_shared>> -> memref<10112x16xf32, #tpu.memory_space<vmem_shared>>
    tpu.wait_indirect_dma semaphore(%arg23 : memref<!tpu.dma_semaphore, #tpu.memory_space<semaphore_mem>>) src(%dma_wait3A_55 : memref<10112x16xf32, #tpu.memory_space<vmem_shared>>) dst(%arg11 : memref<128x16xf32, #tpu.memory_space<vmem>>)
    %dma_start3A_56 = arith.constant 1 : i32
    %dma_start3A_57 = arith.constant 0 : i32
    %dma_start3A_58 = tpu.memref_slice %arg9[%dma_start3A_56, %dma_start3A_57] : memref<80x128xi32, #tpu.memory_space<vmem>> -> memref<1x128xi32, #tpu.memory_space<vmem>>
    %dma_start3A_59 = tpu.memref_squeeze %dma_start3A_58 : memref<1x128xi32, #tpu.memory_space<vmem>> -> memref<128xi32, #tpu.memory_space<vmem>>
    %dma_start3A_60 = arith.constant 0 : i32
    %dma_start3A_61 = arith.constant 0 : i32
    %dma_start3A_62 = tpu.memref_slice %arg21[%dma_start3A_60, %dma_start3A_61] : memref<10112x16xf32, #tpu.memory_space<vmem_shared>> -> memref<10112x16xf32, #tpu.memory_space<vmem_shared>>
    tpu.enqueue_indirect_dma source(%arg11 : memref<128x16xf32, #tpu.memory_space<vmem>>) target(%dma_start3A_62 : memref<10112x16xf32, #tpu.memory_space<vmem_shared>>) offsets(%dma_start3A_59 : memref<128xi32, #tpu.memory_space<vmem>>) semaphore(%arg27 : memref<!tpu.dma_semaphore, #tpu.memory_space<semaphore_mem>>) {add = true}
    %dma_start3A_63 = arith.constant 3 : i32
    %dma_start3A_64 = arith.constant 0 : i32
    %dma_start3A_65 = tpu.memref_slice %arg8[%dma_start3A_63, %dma_start3A_64] : memref<80x128xi32, #tpu.memory_space<vmem>> -> memref<1x128xi32, #tpu.memory_space<vmem>>
    %dma_start3A_66 = tpu.memref_squeeze %dma_start3A_65 : memref<1x128xi32, #tpu.memory_space<vmem>> -> memref<128xi32, #tpu.memory_space<vmem>>
    %dma_start3A_67 = arith.constant 0 : i32
    %dma_start3A_68 = arith.constant 0 : i32
    %dma_start3A_69 = tpu.memref_slice %arg20[%dma_start3A_67, %dma_start3A_68] : memref<10112x16xf32, #tpu.memory_space<vmem_shared>> -> memref<10112x16xf32, #tpu.memory_space<vmem_shared>>
    tpu.enqueue_indirect_dma source(%dma_start3A_69 : memref<10112x16xf32, #tpu.memory_space<vmem_shared>>) target(%arg13 : memref<128x16xf32, #tpu.memory_space<vmem>>) offsets(%dma_start3A_66 : memref<128xi32, #tpu.memory_space<vmem>>) semaphore(%arg25 : memref<!tpu.dma_semaphore, #tpu.memory_space<semaphore_mem>>)
    %dma_wait3A_70 = arith.constant 2 : i32
    %dma_wait3A_71 = arith.constant 0 : i32
    %dma_wait3A_72 = tpu.memref_slice %arg8[%dma_wait3A_70, %dma_wait3A_71] : memref<80x128xi32, #tpu.memory_space<vmem>> -> memref<1x128xi32, #tpu.memory_space<vmem>>
    %dma_wait3A_73 = tpu.memref_squeeze %dma_wait3A_72 : memref<1x128xi32, #tpu.memory_space<vmem>> -> memref<128xi32, #tpu.memory_space<vmem>>
    %dma_wait3A_74 = arith.constant 0 : i32
    %dma_wait3A_75 = arith.constant 0 : i32
    %dma_wait3A_76 = tpu.memref_slice %arg20[%dma_wait3A_74, %dma_wait3A_75] : memref<10112x16xf32, #tpu.memory_space<vmem_shared>> -> memref<10112x16xf32, #tpu.memory_space<vmem_shared>>
    tpu.wait_indirect_dma semaphore(%arg24 : memref<!tpu.dma_semaphore, #tpu.memory_space<semaphore_mem>>) src(%dma_wait3A_76 : memref<10112x16xf32, #tpu.memory_space<vmem_shared>>) dst(%arg12 : memref<128x16xf32, #tpu.memory_space<vmem>>)
    %dma_start3A_77 = arith.constant 2 : i32
    %dma_start3A_78 = arith.constant 0 : i32
    %dma_start3A_79 = tpu.memref_slice %arg9[%dma_start3A_77, %dma_start3A_78] : memref<80x128xi32, #tpu.memory_space<vmem>> -> memref<1x128xi32, #tpu.memory_space<vmem>>
    %dma_start3A_80 = tpu.memref_squeeze %dma_start3A_79 : memref<1x128xi32, #tpu.memory_space<vmem>> -> memref<128xi32, #tpu.memory_space<vmem>>
    %dma_start3A_81 = arith.constant 0 : i32
    %dma_start3A_82 = arith.constant 0 : i32
    %dma_start3A_83 = tpu.memref_slice %arg21[%dma_start3A_81, %dma_start3A_82] : memref<10112x16xf32, #tpu.memory_space<vmem_shared>> -> memref<10112x16xf32, #tpu.memory_space<vmem_shared>>
    tpu.enqueue_indirect_dma source(%arg12 : memref<128x16xf32, #tpu.memory_space<vmem>>) target(%dma_start3A_83 : memref<10112x16xf32, #tpu.memory_space<vmem_shared>>) offsets(%dma_start3A_80 : memref<128xi32, #tpu.memory_space<vmem>>) semaphore(%arg28 : memref<!tpu.dma_semaphore, #tpu.memory_space<semaphore_mem>>) {add = true}
    %dma_wait3A_84 = arith.constant 0 : i32
    %dma_wait3A_85 = arith.constant 0 : i32
    %dma_wait3A_86 = tpu.memref_slice %arg9[%dma_wait3A_84, %dma_wait3A_85] : memref<80x128xi32, #tpu.memory_space<vmem>> -> memref<1x128xi32, #tpu.memory_space<vmem>>
    %dma_wait3A_87 = tpu.memref_squeeze %dma_wait3A_86 : memref<1x128xi32, #tpu.memory_space<vmem>> -> memref<128xi32, #tpu.memory_space<vmem>>
    %dma_wait3A_88 = arith.constant 0 : i32
    %dma_wait3A_89 = arith.constant 0 : i32
    %dma_wait3A_90 = tpu.memref_slice %arg21[%dma_wait3A_88, %dma_wait3A_89] : memref<10112x16xf32, #tpu.memory_space<vmem_shared>> -> memref<10112x16xf32, #tpu.memory_space<vmem_shared>>
    tpu.wait_indirect_dma semaphore(%arg26 : memref<!tpu.dma_semaphore, #tpu.memory_space<semaphore_mem>>) src(%arg10 : memref<128x16xf32, #tpu.memory_space<vmem>>) dst(%dma_wait3A_90 : memref<10112x16xf32, #tpu.memory_space<vmem_shared>>)
    %dma_start3A_91 = arith.constant 4 : i32
    %dma_start3A_92 = arith.constant 0 : i32
    %dma_start3A_93 = tpu.memref_slice %arg8[%dma_start3A_91, %dma_start3A_92] : memref<80x128xi32, #tpu.memory_space<vmem>> -> memref<1x128xi32, #tpu.memory_space<vmem>>
    %dma_start3A_94 = tpu.memref_squeeze %dma_start3A_93 : memref<1x128xi32, #tpu.memory_space<vmem>> -> memref<128xi32, #tpu.memory_space<vmem>>
    %dma_start3A_95 = arith.constant 0 : i32
    %dma_start3A_96 = arith.constant 0 : i32
    %dma_start3A_97 = tpu.memref_slice %arg20[%dma_start3A_95, %dma_start3A_96] : memref<10112x16xf32, #tpu.memory_space<vmem_shared>> -> memref<10112x16xf32, #tpu.memory_space<vmem_shared>>
    tpu.enqueue_indirect_dma source(%dma_start3A_97 : memref<10112x16xf32, #tpu.memory_space<vmem_shared>>) target(%arg10 : memref<128x16xf32, #tpu.memory_space<vmem>>) offsets(%dma_start3A_94 : memref<128xi32, #tpu.memory_space<vmem>>) semaphore(%arg22 : memref<!tpu.dma_semaphore, #tpu.memory_space<semaphore_mem>>)
    %dma_wait3A_98 = arith.constant 3 : i32
    %dma_wait3A_99 = arith.constant 0 : i32
    %dma_wait3A_100 = tpu.memref_slice %arg8[%dma_wait3A_98, %dma_wait3A_99] : memref<80x128xi32, #tpu.memory_space<vmem>> -> memref<1x128xi32, #tpu.memory_space<vmem>>
    %dma_wait3A_101 = tpu.memref_squeeze %dma_wait3A_100 : memref<1x128xi32, #tpu.memory_space<vmem>> -> memref<128xi32, #tpu.memory_space<vmem>>
    %dma_wait3A_102 = arith.constant 0 : i32
    %dma_wait3A_103 = arith.constant 0 : i32
    %dma_wait3A_104 = tpu.memref_slice %arg20[%dma_wait3A_102, %dma_wait3A_103] : memref<10112x16xf32, #tpu.memory_space<vmem_shared>> -> memref<10112x16xf32, #tpu.memory_space<vmem_shared>>
    tpu.wait_indirect_dma semaphore(%arg25 : memref<!tpu.dma_semaphore, #tpu.memory_space<semaphore_mem>>) src(%dma_wait3A_104 : memref<10112x16xf32, #tpu.memory_space<vmem_shared>>) dst(%arg13 : memref<128x16xf32, #tpu.memory_space<vmem>>)
    %dma_start3A_105 = arith.constant 3 : i32
    %dma_start3A_106 = arith.constant 0 : i32
    %dma_start3A_107 = tpu.memref_slice %arg9[%dma_start3A_105, %dma_start3A_106] : memref<80x128xi32, #tpu.memory_space<vmem>> -> memref<1x128xi32, #tpu.memory_space<vmem>>
    %dma_start3A_108 = tpu.memref_squeeze %dma_start3A_107 : memref<1x128xi32, #tpu.memory_space<vmem>> -> memref<128xi32, #tpu.memory_space<vmem>>
    %dma_start3A_109 = arith.constant 0 : i32
    %dma_start3A_110 = arith.constant 0 : i32
    %dma_start3A_111 = tpu.memref_slice %arg21[%dma_start3A_109, %dma_start3A_110] : memref<10112x16xf32, #tpu.memory_space<vmem_shared>> -> memref<10112x16xf32, #tpu.memory_space<vmem_shared>>
    tpu.enqueue_indirect_dma source(%arg13 : memref<128x16xf32, #tpu.memory_space<vmem>>) target(%dma_start3A_111 : memref<10112x16xf32, #tpu.memory_space<vmem_shared>>) offsets(%dma_start3A_108 : memref<128xi32, #tpu.memory_space<vmem>>) semaphore(%arg29 : memref<!tpu.dma_semaphore, #tpu.memory_space<semaphore_mem>>) {add = true}
    %dma_wait3A_112 = arith.constant 1 : i32
    %dma_wait3A_113 = arith.constant 0 : i32
    %dma_wait3A_114 = tpu.memref_slice %arg9[%dma_wait3A_112, %dma_wait3A_113] : memref<80x128xi32, #tpu.memory_space<vmem>> -> memref<1x128xi32, #tpu.memory_space<vmem>>
    %dma_wait3A_115 = tpu.memref_squeeze %dma_wait3A_114 : memref<1x128xi32, #tpu.memory_space<vmem>> -> memref<128xi32, #tpu.memory_space<vmem>>
    %dma_wait3A_116 = arith.constant 0 : i32
    %dma_wait3A_117 = arith.constant 0 : i32
    %dma_wait3A_118 = tpu.memref_slice %arg21[%dma_wait3A_116, %dma_wait3A_117] : memref<10112x16xf32, #tpu.memory_space<vmem_shared>> -> memref<10112x16xf32, #tpu.memory_space<vmem_shared>>
    tpu.wait_indirect_dma semaphore(%arg27 : memref<!tpu.dma_semaphore, #tpu.memory_space<semaphore_mem>>) src(%arg11 : memref<128x16xf32, #tpu.memory_space<vmem>>) dst(%dma_wait3A_118 : memref<10112x16xf32, #tpu.memory_space<vmem_shared>>)
    %dma_start3A_119 = arith.constant 5 : i32
    %dma_start3A_120 = arith.constant 0 : i32
    %dma_start3A_121 = tpu.memref_slice %arg8[%dma_start3A_119, %dma_start3A_120] : memref<80x128xi32, #tpu.memory_space<vmem>> -> memref<1x128xi32, #tpu.memory_space<vmem>>
    %dma_start3A_122 = tpu.memref_squeeze %dma_start3A_121 : memref<1x128xi32, #tpu.memory_space<vmem>> -> memref<128xi32, #tpu.memory_space<vmem>>
    %dma_start3A_123 = arith.constant 0 : i32
    %dma_start3A_124 = arith.constant 0 : i32
    %dma_start3A_125 = tpu.memref_slice %arg20[%dma_start3A_123, %dma_start3A_124] : memref<10112x16xf32, #tpu.memory_space<vmem_shared>> -> memref<10112x16xf32, #tpu.memory_space<vmem_shared>>
    tpu.enqueue_indirect_dma source(%dma_start3A_125 : memref<10112x16xf32, #tpu.memory_space<vmem_shared>>) target(%arg11 : memref<128x16xf32, #tpu.memory_space<vmem>>) offsets(%dma_start3A_122 : memref<128xi32, #tpu.memory_space<vmem>>) semaphore(%arg23 : memref<!tpu.dma_semaphore, #tpu.memory_space<semaphore_mem>>)
    %scan3A_126 = arith.constant 0 : i32
    %scan3A_127 = arith.constant 19 : i32
    %scan3A_128 = arith.addi %scan3A_126, %scan3A_127 : i32
    %scan3A_129 = arith.constant 1 : i32
    scf.for %scan3A_160 = %scan3A_126 to %scan3A_128 step %scan3A_129  : i32 {
      %mul3A_161 = arith.constant 1 : i32
      %mul3A_162 = arith.muli %scan3A_160, %mul3A_161 : i32
      %add3A_163 = arith.constant 1 : i32
      %add3A_164 = arith.addi %add3A_163, %mul3A_162 : i32
      %mul3A_165 = arith.constant 4 : i32
      %mul3A_166 = arith.muli %mul3A_165, %add3A_164 : i32
      %add3A_167 = arith.constant 0 : i32
      %add3A_168 = arith.addi %mul3A_166, %add3A_167 : i32
      %dma_wait3A_169 = arith.constant 0 : i32
      %dma_wait3A_170 = tpu.memref_slice %arg8[%add3A_168, %dma_wait3A_169] : memref<80x128xi32, #tpu.memory_space<vmem>> -> memref<1x128xi32, #tpu.memory_space<vmem>>
      %dma_wait3A_171 = tpu.memref_squeeze %dma_wait3A_170 : memref<1x128xi32, #tpu.memory_space<vmem>> -> memref<128xi32, #tpu.memory_space<vmem>>
      %dma_wait3A_172 = arith.constant 0 : i32
      %dma_wait3A_173 = arith.constant 0 : i32
      %dma_wait3A_174 = tpu.memref_slice %arg20[%dma_wait3A_172, %dma_wait3A_173] : memref<10112x16xf32, #tpu.memory_space<vmem_shared>> -> memref<10112x16xf32, #tpu.memory_space<vmem_shared>>
      tpu.wait_indirect_dma semaphore(%arg22 : memref<!tpu.dma_semaphore, #tpu.memory_space<semaphore_mem>>) src(%dma_wait3A_174 : memref<10112x16xf32, #tpu.memory_space<vmem_shared>>) dst(%arg10 : memref<128x16xf32, #tpu.memory_space<vmem>>)
      %dma_start3A_175 = arith.constant 0 : i32
      %dma_start3A_176 = tpu.memref_slice %arg9[%add3A_168, %dma_start3A_175] : memref<80x128xi32, #tpu.memory_space<vmem>> -> memref<1x128xi32, #tpu.memory_space<vmem>>
      %dma_start3A_177 = tpu.memref_squeeze %dma_start3A_176 : memref<1x128xi32, #tpu.memory_space<vmem>> -> memref<128xi32, #tpu.memory_space<vmem>>
      %dma_start3A_178 = arith.constant 0 : i32
      %dma_start3A_179 = arith.constant 0 : i32
      %dma_start3A_180 = tpu.memref_slice %arg21[%dma_start3A_178, %dma_start3A_179] : memref<10112x16xf32, #tpu.memory_space<vmem_shared>> -> memref<10112x16xf32, #tpu.memory_space<vmem_shared>>
      tpu.enqueue_indirect_dma source(%arg10 : memref<128x16xf32, #tpu.memory_space<vmem>>) target(%dma_start3A_180 : memref<10112x16xf32, #tpu.memory_space<vmem_shared>>) offsets(%dma_start3A_177 : memref<128xi32, #tpu.memory_space<vmem>>) semaphore(%arg26 : memref<!tpu.dma_semaphore, #tpu.memory_space<semaphore_mem>>) {add = true}
      %sub3A = arith.constant 2 : i32
      %sub3A_181 = arith.subi %add3A_168, %sub3A : i32
      %dma_wait3A_182 = arith.constant 0 : i32
      %dma_wait3A_183 = tpu.memref_slice %arg9[%sub3A_181, %dma_wait3A_182] : memref<80x128xi32, #tpu.memory_space<vmem>> -> memref<1x128xi32, #tpu.memory_space<vmem>>
      %dma_wait3A_184 = tpu.memref_squeeze %dma_wait3A_183 : memref<1x128xi32, #tpu.memory_space<vmem>> -> memref<128xi32, #tpu.memory_space<vmem>>
      %dma_wait3A_185 = arith.constant 0 : i32
      %dma_wait3A_186 = arith.constant 0 : i32
      %dma_wait3A_187 = tpu.memref_slice %arg21[%dma_wait3A_185, %dma_wait3A_186] : memref<10112x16xf32, #tpu.memory_space<vmem_shared>> -> memref<10112x16xf32, #tpu.memory_space<vmem_shared>>
      tpu.wait_indirect_dma semaphore(%arg28 : memref<!tpu.dma_semaphore, #tpu.memory_space<semaphore_mem>>) src(%arg12 : memref<128x16xf32, #tpu.memory_space<vmem>>) dst(%dma_wait3A_187 : memref<10112x16xf32, #tpu.memory_space<vmem_shared>>)
      %add3A_188 = arith.constant 2 : i32
      %add3A_189 = arith.addi %add3A_168, %add3A_188 : i32
      %min3A = arith.constant 79 : i32
      %min3A_190 = arith.minsi %add3A_189, %min3A : i32
      %dma_start3A_191 = arith.constant 0 : i32
      %dma_start3A_192 = tpu.memref_slice %arg8[%min3A_190, %dma_start3A_191] : memref<80x128xi32, #tpu.memory_space<vmem>> -> memref<1x128xi32, #tpu.memory_space<vmem>>
      %dma_start3A_193 = tpu.memref_squeeze %dma_start3A_192 : memref<1x128xi32, #tpu.memory_space<vmem>> -> memref<128xi32, #tpu.memory_space<vmem>>
      %dma_start3A_194 = arith.constant 0 : i32
      %dma_start3A_195 = arith.constant 0 : i32
      %dma_start3A_196 = tpu.memref_slice %arg20[%dma_start3A_194, %dma_start3A_195] : memref<10112x16xf32, #tpu.memory_space<vmem_shared>> -> memref<10112x16xf32, #tpu.memory_space<vmem_shared>>
      tpu.enqueue_indirect_dma source(%dma_start3A_196 : memref<10112x16xf32, #tpu.memory_space<vmem_shared>>) target(%arg12 : memref<128x16xf32, #tpu.memory_space<vmem>>) offsets(%dma_start3A_193 : memref<128xi32, #tpu.memory_space<vmem>>) semaphore(%arg24 : memref<!tpu.dma_semaphore, #tpu.memory_space<semaphore_mem>>)
      %add3A_197 = arith.constant 1 : i32
      %add3A_198 = arith.addi %mul3A_166, %add3A_197 : i32
      %dma_wait3A_199 = arith.constant 0 : i32
      %dma_wait3A_200 = tpu.memref_slice %arg8[%add3A_198, %dma_wait3A_199] : memref<80x128xi32, #tpu.memory_space<vmem>> -> memref<1x128xi32, #tpu.memory_space<vmem>>
      %dma_wait3A_201 = tpu.memref_squeeze %dma_wait3A_200 : memref<1x128xi32, #tpu.memory_space<vmem>> -> memref<128xi32, #tpu.memory_space<vmem>>
      %dma_wait3A_202 = arith.constant 0 : i32
      %dma_wait3A_203 = arith.constant 0 : i32
      %dma_wait3A_204 = tpu.memref_slice %arg20[%dma_wait3A_202, %dma_wait3A_203] : memref<10112x16xf32, #tpu.memory_space<vmem_shared>> -> memref<10112x16xf32, #tpu.memory_space<vmem_shared>>
      tpu.wait_indirect_dma semaphore(%arg23 : memref<!tpu.dma_semaphore, #tpu.memory_space<semaphore_mem>>) src(%dma_wait3A_204 : memref<10112x16xf32, #tpu.memory_space<vmem_shared>>) dst(%arg11 : memref<128x16xf32, #tpu.memory_space<vmem>>)
      %dma_start3A_205 = arith.constant 0 : i32
      %dma_start3A_206 = tpu.memref_slice %arg9[%add3A_198, %dma_start3A_205] : memref<80x128xi32, #tpu.memory_space<vmem>> -> memref<1x128xi32, #tpu.memory_space<vmem>>
      %dma_start3A_207 = tpu.memref_squeeze %dma_start3A_206 : memref<1x128xi32, #tpu.memory_space<vmem>> -> memref<128xi32, #tpu.memory_space<vmem>>
      %dma_start3A_208 = arith.constant 0 : i32
      %dma_start3A_209 = arith.constant 0 : i32
      %dma_start3A_210 = tpu.memref_slice %arg21[%dma_start3A_208, %dma_start3A_209] : memref<10112x16xf32, #tpu.memory_space<vmem_shared>> -> memref<10112x16xf32, #tpu.memory_space<vmem_shared>>
      tpu.enqueue_indirect_dma source(%arg11 : memref<128x16xf32, #tpu.memory_space<vmem>>) target(%dma_start3A_210 : memref<10112x16xf32, #tpu.memory_space<vmem_shared>>) offsets(%dma_start3A_207 : memref<128xi32, #tpu.memory_space<vmem>>) semaphore(%arg27 : memref<!tpu.dma_semaphore, #tpu.memory_space<semaphore_mem>>) {add = true}
      %sub3A_211 = arith.constant 2 : i32
      %sub3A_212 = arith.subi %add3A_198, %sub3A_211 : i32
      %dma_wait3A_213 = arith.constant 0 : i32
      %dma_wait3A_214 = tpu.memref_slice %arg9[%sub3A_212, %dma_wait3A_213] : memref<80x128xi32, #tpu.memory_space<vmem>> -> memref<1x128xi32, #tpu.memory_space<vmem>>
      %dma_wait3A_215 = tpu.memref_squeeze %dma_wait3A_214 : memref<1x128xi32, #tpu.memory_space<vmem>> -> memref<128xi32, #tpu.memory_space<vmem>>
      %dma_wait3A_216 = arith.constant 0 : i32
      %dma_wait3A_217 = arith.constant 0 : i32
      %dma_wait3A_218 = tpu.memref_slice %arg21[%dma_wait3A_216, %dma_wait3A_217] : memref<10112x16xf32, #tpu.memory_space<vmem_shared>> -> memref<10112x16xf32, #tpu.memory_space<vmem_shared>>
      tpu.wait_indirect_dma semaphore(%arg29 : memref<!tpu.dma_semaphore, #tpu.memory_space<semaphore_mem>>) src(%arg13 : memref<128x16xf32, #tpu.memory_space<vmem>>) dst(%dma_wait3A_218 : memref<10112x16xf32, #tpu.memory_space<vmem_shared>>)
      %add3A_219 = arith.constant 2 : i32
      %add3A_220 = arith.addi %add3A_198, %add3A_219 : i32
      %min3A_221 = arith.constant 79 : i32
      %min3A_222 = arith.minsi %add3A_220, %min3A_221 : i32
      %dma_start3A_223 = arith.constant 0 : i32
      %dma_start3A_224 = tpu.memref_slice %arg8[%min3A_222, %dma_start3A_223] : memref<80x128xi32, #tpu.memory_space<vmem>> -> memref<1x128xi32, #tpu.memory_space<vmem>>
      %dma_start3A_225 = tpu.memref_squeeze %dma_start3A_224 : memref<1x128xi32, #tpu.memory_space<vmem>> -> memref<128xi32, #tpu.memory_space<vmem>>
      %dma_start3A_226 = arith.constant 0 : i32
      %dma_start3A_227 = arith.constant 0 : i32
      %dma_start3A_228 = tpu.memref_slice %arg20[%dma_start3A_226, %dma_start3A_227] : memref<10112x16xf32, #tpu.memory_space<vmem_shared>> -> memref<10112x16xf32, #tpu.memory_space<vmem_shared>>
      tpu.enqueue_indirect_dma source(%dma_start3A_228 : memref<10112x16xf32, #tpu.memory_space<vmem_shared>>) target(%arg13 : memref<128x16xf32, #tpu.memory_space<vmem>>) offsets(%dma_start3A_225 : memref<128xi32, #tpu.memory_space<vmem>>) semaphore(%arg25 : memref<!tpu.dma_semaphore, #tpu.memory_space<semaphore_mem>>)
      %add3A_229 = arith.constant 2 : i32
      %add3A_230 = arith.addi %mul3A_166, %add3A_229 : i32
      %dma_wait3A_231 = arith.constant 0 : i32
      %dma_wait3A_232 = tpu.memref_slice %arg8[%add3A_230, %dma_wait3A_231] : memref<80x128xi32, #tpu.memory_space<vmem>> -> memref<1x128xi32, #tpu.memory_space<vmem>>
      %dma_wait3A_233 = tpu.memref_squeeze %dma_wait3A_232 : memref<1x128xi32, #tpu.memory_space<vmem>> -> memref<128xi32, #tpu.memory_space<vmem>>
      %dma_wait3A_234 = arith.constant 0 : i32
      %dma_wait3A_235 = arith.constant 0 : i32
      %dma_wait3A_236 = tpu.memref_slice %arg20[%dma_wait3A_234, %dma_wait3A_235] : memref<10112x16xf32, #tpu.memory_space<vmem_shared>> -> memref<10112x16xf32, #tpu.memory_space<vmem_shared>>
      tpu.wait_indirect_dma semaphore(%arg24 : memref<!tpu.dma_semaphore, #tpu.memory_space<semaphore_mem>>) src(%dma_wait3A_236 : memref<10112x16xf32, #tpu.memory_space<vmem_shared>>) dst(%arg12 : memref<128x16xf32, #tpu.memory_space<vmem>>)
      %dma_start3A_237 = arith.constant 0 : i32
      %dma_start3A_238 = tpu.memref_slice %arg9[%add3A_230, %dma_start3A_237] : memref<80x128xi32, #tpu.memory_space<vmem>> -> memref<1x128xi32, #tpu.memory_space<vmem>>
      %dma_start3A_239 = tpu.memref_squeeze %dma_start3A_238 : memref<1x128xi32, #tpu.memory_space<vmem>> -> memref<128xi32, #tpu.memory_space<vmem>>
      %dma_start3A_240 = arith.constant 0 : i32
      %dma_start3A_241 = arith.constant 0 : i32
      %dma_start3A_242 = tpu.memref_slice %arg21[%dma_start3A_240, %dma_start3A_241] : memref<10112x16xf32, #tpu.memory_space<vmem_shared>> -> memref<10112x16xf32, #tpu.memory_space<vmem_shared>>
      tpu.enqueue_indirect_dma source(%arg12 : memref<128x16xf32, #tpu.memory_space<vmem>>) target(%dma_start3A_242 : memref<10112x16xf32, #tpu.memory_space<vmem_shared>>) offsets(%dma_start3A_239 : memref<128xi32, #tpu.memory_space<vmem>>) semaphore(%arg28 : memref<!tpu.dma_semaphore, #tpu.memory_space<semaphore_mem>>) {add = true}
      %sub3A_243 = arith.constant 2 : i32
      %sub3A_244 = arith.subi %add3A_230, %sub3A_243 : i32
      %dma_wait3A_245 = arith.constant 0 : i32
      %dma_wait3A_246 = tpu.memref_slice %arg9[%sub3A_244, %dma_wait3A_245] : memref<80x128xi32, #tpu.memory_space<vmem>> -> memref<1x128xi32, #tpu.memory_space<vmem>>
      %dma_wait3A_247 = tpu.memref_squeeze %dma_wait3A_246 : memref<1x128xi32, #tpu.memory_space<vmem>> -> memref<128xi32, #tpu.memory_space<vmem>>
      %dma_wait3A_248 = arith.constant 0 : i32
      %dma_wait3A_249 = arith.constant 0 : i32
      %dma_wait3A_250 = tpu.memref_slice %arg21[%dma_wait3A_248, %dma_wait3A_249] : memref<10112x16xf32, #tpu.memory_space<vmem_shared>> -> memref<10112x16xf32, #tpu.memory_space<vmem_shared>>
      tpu.wait_indirect_dma semaphore(%arg26 : memref<!tpu.dma_semaphore, #tpu.memory_space<semaphore_mem>>) src(%arg10 : memref<128x16xf32, #tpu.memory_space<vmem>>) dst(%dma_wait3A_250 : memref<10112x16xf32, #tpu.memory_space<vmem_shared>>)
      %add3A_251 = arith.constant 2 : i32
      %add3A_252 = arith.addi %add3A_230, %add3A_251 : i32
      %min3A_253 = arith.constant 79 : i32
      %min3A_254 = arith.minsi %add3A_252, %min3A_253 : i32
      %dma_start3A_255 = arith.constant 0 : i32
      %dma_start3A_256 = tpu.memref_slice %arg8[%min3A_254, %dma_start3A_255] : memref<80x128xi32, #tpu.memory_space<vmem>> -> memref<1x128xi32, #tpu.memory_space<vmem>>
      %dma_start3A_257 = tpu.memref_squeeze %dma_start3A_256 : memref<1x128xi32, #tpu.memory_space<vmem>> -> memref<128xi32, #tpu.memory_space<vmem>>
      %dma_start3A_258 = arith.constant 0 : i32
      %dma_start3A_259 = arith.constant 0 : i32
      %dma_start3A_260 = tpu.memref_slice %arg20[%dma_start3A_258, %dma_start3A_259] : memref<10112x16xf32, #tpu.memory_space<vmem_shared>> -> memref<10112x16xf32, #tpu.memory_space<vmem_shared>>
      tpu.enqueue_indirect_dma source(%dma_start3A_260 : memref<10112x16xf32, #tpu.memory_space<vmem_shared>>) target(%arg10 : memref<128x16xf32, #tpu.memory_space<vmem>>) offsets(%dma_start3A_257 : memref<128xi32, #tpu.memory_space<vmem>>) semaphore(%arg22 : memref<!tpu.dma_semaphore, #tpu.memory_space<semaphore_mem>>)
      %add3A_261 = arith.constant 3 : i32
      %add3A_262 = arith.addi %mul3A_166, %add3A_261 : i32
      %dma_wait3A_263 = arith.constant 0 : i32
      %dma_wait3A_264 = tpu.memref_slice %arg8[%add3A_262, %dma_wait3A_263] : memref<80x128xi32, #tpu.memory_space<vmem>> -> memref<1x128xi32, #tpu.memory_space<vmem>>
      %dma_wait3A_265 = tpu.memref_squeeze %dma_wait3A_264 : memref<1x128xi32, #tpu.memory_space<vmem>> -> memref<128xi32, #tpu.memory_space<vmem>>
      %dma_wait3A_266 = arith.constant 0 : i32
      %dma_wait3A_267 = arith.constant 0 : i32
      %dma_wait3A_268 = tpu.memref_slice %arg20[%dma_wait3A_266, %dma_wait3A_267] : memref<10112x16xf32, #tpu.memory_space<vmem_shared>> -> memref<10112x16xf32, #tpu.memory_space<vmem_shared>>
      tpu.wait_indirect_dma semaphore(%arg25 : memref<!tpu.dma_semaphore, #tpu.memory_space<semaphore_mem>>) src(%dma_wait3A_268 : memref<10112x16xf32, #tpu.memory_space<vmem_shared>>) dst(%arg13 : memref<128x16xf32, #tpu.memory_space<vmem>>)
      %dma_start3A_269 = arith.constant 0 : i32
      %dma_start3A_270 = tpu.memref_slice %arg9[%add3A_262, %dma_start3A_269] : memref<80x128xi32, #tpu.memory_space<vmem>> -> memref<1x128xi32, #tpu.memory_space<vmem>>
      %dma_start3A_271 = tpu.memref_squeeze %dma_start3A_270 : memref<1x128xi32, #tpu.memory_space<vmem>> -> memref<128xi32, #tpu.memory_space<vmem>>
      %dma_start3A_272 = arith.constant 0 : i32
      %dma_start3A_273 = arith.constant 0 : i32
      %dma_start3A_274 = tpu.memref_slice %arg21[%dma_start3A_272, %dma_start3A_273] : memref<10112x16xf32, #tpu.memory_space<vmem_shared>> -> memref<10112x16xf32, #tpu.memory_space<vmem_shared>>
      tpu.enqueue_indirect_dma source(%arg13 : memref<128x16xf32, #tpu.memory_space<vmem>>) target(%dma_start3A_274 : memref<10112x16xf32, #tpu.memory_space<vmem_shared>>) offsets(%dma_start3A_271 : memref<128xi32, #tpu.memory_space<vmem>>) semaphore(%arg29 : memref<!tpu.dma_semaphore, #tpu.memory_space<semaphore_mem>>) {add = true}
      %sub3A_275 = arith.constant 2 : i32
      %sub3A_276 = arith.subi %add3A_262, %sub3A_275 : i32
      %dma_wait3A_277 = arith.constant 0 : i32
      %dma_wait3A_278 = tpu.memref_slice %arg9[%sub3A_276, %dma_wait3A_277] : memref<80x128xi32, #tpu.memory_space<vmem>> -> memref<1x128xi32, #tpu.memory_space<vmem>>
      %dma_wait3A_279 = tpu.memref_squeeze %dma_wait3A_278 : memref<1x128xi32, #tpu.memory_space<vmem>> -> memref<128xi32, #tpu.memory_space<vmem>>
      %dma_wait3A_280 = arith.constant 0 : i32
      %dma_wait3A_281 = arith.constant 0 : i32
      %dma_wait3A_282 = tpu.memref_slice %arg21[%dma_wait3A_280, %dma_wait3A_281] : memref<10112x16xf32, #tpu.memory_space<vmem_shared>> -> memref<10112x16xf32, #tpu.memory_space<vmem_shared>>
      tpu.wait_indirect_dma semaphore(%arg27 : memref<!tpu.dma_semaphore, #tpu.memory_space<semaphore_mem>>) src(%arg11 : memref<128x16xf32, #tpu.memory_space<vmem>>) dst(%dma_wait3A_282 : memref<10112x16xf32, #tpu.memory_space<vmem_shared>>)
      %add3A_283 = arith.constant 2 : i32
      %add3A_284 = arith.addi %add3A_262, %add3A_283 : i32
      %min3A_285 = arith.constant 79 : i32
      %min3A_286 = arith.minsi %add3A_284, %min3A_285 : i32
      %dma_start3A_287 = arith.constant 0 : i32
      %dma_start3A_288 = tpu.memref_slice %arg8[%min3A_286, %dma_start3A_287] : memref<80x128xi32, #tpu.memory_space<vmem>> -> memref<1x128xi32, #tpu.memory_space<vmem>>
      %dma_start3A_289 = tpu.memref_squeeze %dma_start3A_288 : memref<1x128xi32, #tpu.memory_space<vmem>> -> memref<128xi32, #tpu.memory_space<vmem>>
      %dma_start3A_290 = arith.constant 0 : i32
      %dma_start3A_291 = arith.constant 0 : i32
      %dma_start3A_292 = tpu.memref_slice %arg20[%dma_start3A_290, %dma_start3A_291] : memref<10112x16xf32, #tpu.memory_space<vmem_shared>> -> memref<10112x16xf32, #tpu.memory_space<vmem_shared>>
      tpu.enqueue_indirect_dma source(%dma_start3A_292 : memref<10112x16xf32, #tpu.memory_space<vmem_shared>>) target(%arg11 : memref<128x16xf32, #tpu.memory_space<vmem>>) offsets(%dma_start3A_289 : memref<128xi32, #tpu.memory_space<vmem>>) semaphore(%arg23 : memref<!tpu.dma_semaphore, #tpu.memory_space<semaphore_mem>>)
    }
    %scan3A_130 = arith.constant 19 : i32
    %dma_wait3A_131 = arith.constant 78 : i32
    %dma_wait3A_132 = arith.constant 0 : i32
    %dma_wait3A_133 = tpu.memref_slice %arg9[%dma_wait3A_131, %dma_wait3A_132] : memref<80x128xi32, #tpu.memory_space<vmem>> -> memref<1x128xi32, #tpu.memory_space<vmem>>
    %dma_wait3A_134 = tpu.memref_squeeze %dma_wait3A_133 : memref<1x128xi32, #tpu.memory_space<vmem>> -> memref<128xi32, #tpu.memory_space<vmem>>
    %dma_wait3A_135 = arith.constant 0 : i32
    %dma_wait3A_136 = arith.constant 0 : i32
    %dma_wait3A_137 = tpu.memref_slice %arg21[%dma_wait3A_135, %dma_wait3A_136] : memref<10112x16xf32, #tpu.memory_space<vmem_shared>> -> memref<10112x16xf32, #tpu.memory_space<vmem_shared>>
    tpu.wait_indirect_dma semaphore(%arg28 : memref<!tpu.dma_semaphore, #tpu.memory_space<semaphore_mem>>) src(%arg12 : memref<128x16xf32, #tpu.memory_space<vmem>>) dst(%dma_wait3A_137 : memref<10112x16xf32, #tpu.memory_space<vmem_shared>>)
    %dma_wait3A_138 = arith.constant 79 : i32
    %dma_wait3A_139 = arith.constant 0 : i32
    %dma_wait3A_140 = tpu.memref_slice %arg9[%dma_wait3A_138, %dma_wait3A_139] : memref<80x128xi32, #tpu.memory_space<vmem>> -> memref<1x128xi32, #tpu.memory_space<vmem>>
    %dma_wait3A_141 = tpu.memref_squeeze %dma_wait3A_140 : memref<1x128xi32, #tpu.memory_space<vmem>> -> memref<128xi32, #tpu.memory_space<vmem>>
    %dma_wait3A_142 = arith.constant 0 : i32
    %dma_wait3A_143 = arith.constant 0 : i32
    %dma_wait3A_144 = tpu.memref_slice %arg21[%dma_wait3A_142, %dma_wait3A_143] : memref<10112x16xf32, #tpu.memory_space<vmem_shared>> -> memref<10112x16xf32, #tpu.memory_space<vmem_shared>>
    tpu.wait_indirect_dma semaphore(%arg29 : memref<!tpu.dma_semaphore, #tpu.memory_space<semaphore_mem>>) src(%arg13 : memref<128x16xf32, #tpu.memory_space<vmem>>) dst(%dma_wait3A_144 : memref<10112x16xf32, #tpu.memory_space<vmem_shared>>)
    %dma_wait3A_145 = arith.constant 79 : i32
    %dma_wait3A_146 = arith.constant 0 : i32
    %dma_wait3A_147 = tpu.memref_slice %arg8[%dma_wait3A_145, %dma_wait3A_146] : memref<80x128xi32, #tpu.memory_space<vmem>> -> memref<1x128xi32, #tpu.memory_space<vmem>>
    %dma_wait3A_148 = tpu.memref_squeeze %dma_wait3A_147 : memref<1x128xi32, #tpu.memory_space<vmem>> -> memref<128xi32, #tpu.memory_space<vmem>>
    %dma_wait3A_149 = arith.constant 0 : i32
    %dma_wait3A_150 = arith.constant 0 : i32
    %dma_wait3A_151 = tpu.memref_slice %arg20[%dma_wait3A_149, %dma_wait3A_150] : memref<10112x16xf32, #tpu.memory_space<vmem_shared>> -> memref<10112x16xf32, #tpu.memory_space<vmem_shared>>
    tpu.wait_indirect_dma semaphore(%arg22 : memref<!tpu.dma_semaphore, #tpu.memory_space<semaphore_mem>>) src(%dma_wait3A_151 : memref<10112x16xf32, #tpu.memory_space<vmem_shared>>) dst(%arg10 : memref<128x16xf32, #tpu.memory_space<vmem>>)
    %dma_wait3A_152 = arith.constant 79 : i32
    %dma_wait3A_153 = arith.constant 0 : i32
    %dma_wait3A_154 = tpu.memref_slice %arg8[%dma_wait3A_152, %dma_wait3A_153] : memref<80x128xi32, #tpu.memory_space<vmem>> -> memref<1x128xi32, #tpu.memory_space<vmem>>
    %dma_wait3A_155 = tpu.memref_squeeze %dma_wait3A_154 : memref<1x128xi32, #tpu.memory_space<vmem>> -> memref<128xi32, #tpu.memory_space<vmem>>
    %dma_wait3A_156 = arith.constant 0 : i32
    %dma_wait3A_157 = arith.constant 0 : i32
    %dma_wait3A_158 = tpu.memref_slice %arg20[%dma_wait3A_156, %dma_wait3A_157] : memref<10112x16xf32, #tpu.memory_space<vmem_shared>> -> memref<10112x16xf32, #tpu.memory_space<vmem_shared>>
    tpu.wait_indirect_dma semaphore(%arg23 : memref<!tpu.dma_semaphore, #tpu.memory_space<semaphore_mem>>) src(%dma_wait3A_158 : memref<10112x16xf32, #tpu.memory_space<vmem_shared>>) dst(%arg11 : memref<128x16xf32, #tpu.memory_space<vmem>>)
    %barrier3A_159 = arith.constant 0 : index
    tpu.barrier barrier_id(%barrier3A_159)
    "tpu.region"() ({
      %run_scoped3A_160 = tpu.sem_alloc : memref<!tpu.dma_semaphore, #tpu.memory_space<semaphore_mem>>
      %dma_start3A_161 = arith.constant 0 : i32
      %dma_start3A_162 = tpu.memref_slice %arg7[%arg0, %mul3A_2, %dma_start3A_161] : memref<2x10112x16xf32, #tpu.memory_space<hbm>> -> memref<1x632x16xf32, #tpu.memory_space<hbm>>
      %dma_start3A_163 = tpu.memref_squeeze %dma_start3A_162 : memref<1x632x16xf32, #tpu.memory_space<hbm>> -> memref<632x16xf32, #tpu.memory_space<hbm>>
      %dma_start3A_164 = arith.constant 0 : i32
      %dma_start3A_165 = tpu.memref_slice %arg21[%mul3A_2, %dma_start3A_164] : memref<10112x16xf32, #tpu.memory_space<vmem_shared>> -> memref<632x16xf32, #tpu.memory_space<vmem_shared>>
      tpu.enqueue_dma source(%dma_start3A_165 : memref<632x16xf32, #tpu.memory_space<vmem_shared>>) target(%dma_start3A_163 : memref<632x16xf32, #tpu.memory_space<hbm>>) target_semaphore(%run_scoped3A_160 : memref<!tpu.dma_semaphore, #tpu.memory_space<semaphore_mem>>)
      %dma_wait3A_166 = arith.constant 0 : i32
      %dma_wait3A_167 = tpu.memref_slice %arg7[%arg0, %mul3A_2, %dma_wait3A_166] : memref<2x10112x16xf32, #tpu.memory_space<hbm>> -> memref<1x632x16xf32, #tpu.memory_space<hbm>>
      %dma_wait3A_168 = tpu.memref_squeeze %dma_wait3A_167 : memref<1x632x16xf32, #tpu.memory_space<hbm>> -> memref<632x16xf32, #tpu.memory_space<hbm>>
      %dma_wait3A_169 = arith.constant 0 : i32
      %dma_wait3A_170 = tpu.memref_slice %arg21[%mul3A_2, %dma_wait3A_169] : memref<10112x16xf32, #tpu.memory_space<vmem_shared>> -> memref<632x16xf32, #tpu.memory_space<vmem_shared>>
      tpu.wait_dma2 semaphore(%run_scoped3A_160 : memref<!tpu.dma_semaphore, #tpu.memory_space<semaphore_mem>>) src(%dma_wait3A_170 : memref<632x16xf32, #tpu.memory_space<vmem_shared>>) dst(%dma_wait3A_168 : memref<632x16xf32, #tpu.memory_space<hbm>>)
      tpu.yield
    }) : () -> ()
    return
  }
}

#map = affine_map<(d0, d1) -> (0, 0, 0)>
module attributes {stable_mosaic.version = 14 : i64} {
  func.func @deg(%arg0: i32, %arg1: i32, %arg2: memref<32x80x128xi32, #tpu.memory_space<hbm>>, %arg3: memref<2x10112x16xf32, #tpu.memory_space<hbm>>, %arg4: memref<80x128xi32, #tpu.memory_space<vmem>>, %arg5: memref<128x16xf32, #tpu.memory_space<vmem>>, %arg6: memref<632x16xf32, #tpu.memory_space<vmem>>, %arg7: memref<10112x16xf32, #tpu.memory_space<vmem_shared>>, %arg8: memref<!tpu.dma_semaphore, #tpu.memory_space<semaphore_mem>>) attributes {dimension_semantics = [#tpu.dimension_semantics<core_parallel>, #tpu.dimension_semantics<subcore_parallel>], iteration_bounds = array<i64: 2, 16>, scalar_prefetch = 0 : i64, scratch_operands = 5 : i64, tpu.core_type = #tpu.core_type<sc_vector_subcore>, window_params = [{transform_indices = #map}, {transform_indices = #map}]} {
    %mul3A = arith.constant 2 : i32
    %mul3A_0 = arith.muli %arg1, %mul3A : i32
    %add3A = arith.addi %mul3A_0, %arg0 : i32
    "tpu.region"() ({
      %run_scoped3A = tpu.sem_alloc : memref<!tpu.dma_semaphore, #tpu.memory_space<semaphore_mem>>
      %dma_start3A = arith.constant 0 : i32
      %dma_start3A_30 = arith.constant 0 : i32
      %dma_start3A_31 = tpu.memref_slice %arg2[%add3A, %dma_start3A, %dma_start3A_30] : memref<32x80x128xi32, #tpu.memory_space<hbm>> -> memref<1x80x128xi32, #tpu.memory_space<hbm>>
      %dma_start3A_32 = tpu.memref_squeeze %dma_start3A_31 : memref<1x80x128xi32, #tpu.memory_space<hbm>> -> memref<80x128xi32, #tpu.memory_space<hbm>>
      %dma_start3A_33 = arith.constant 0 : i32
      %dma_start3A_34 = arith.constant 0 : i32
      %dma_start3A_35 = tpu.memref_slice %arg2[%add3A, %dma_start3A_33, %dma_start3A_34] : memref<32x80x128xi32, #tpu.memory_space<hbm>> -> memref<1x80x128xi32, #tpu.memory_space<hbm>>
      %dma_start3A_36 = tpu.memref_squeeze %dma_start3A_35 : memref<1x80x128xi32, #tpu.memory_space<hbm>> -> memref<80x128xi32, #tpu.memory_space<hbm>>
      tpu.enqueue_dma source(%dma_start3A_36 : memref<80x128xi32, #tpu.memory_space<hbm>>) target(%arg4 : memref<80x128xi32, #tpu.memory_space<vmem>>) target_semaphore(%run_scoped3A : memref<!tpu.dma_semaphore, #tpu.memory_space<semaphore_mem>>)
      %dma_wait3A = arith.constant 0 : i32
      %dma_wait3A_37 = arith.constant 0 : i32
      %dma_wait3A_38 = tpu.memref_slice %arg2[%add3A, %dma_wait3A, %dma_wait3A_37] : memref<32x80x128xi32, #tpu.memory_space<hbm>> -> memref<1x80x128xi32, #tpu.memory_space<hbm>>
      %dma_wait3A_39 = tpu.memref_squeeze %dma_wait3A_38 : memref<1x80x128xi32, #tpu.memory_space<hbm>> -> memref<80x128xi32, #tpu.memory_space<hbm>>
      %dma_wait3A_40 = arith.constant 0 : i32
      %dma_wait3A_41 = arith.constant 0 : i32
      %dma_wait3A_42 = tpu.memref_slice %arg2[%add3A, %dma_wait3A_40, %dma_wait3A_41] : memref<32x80x128xi32, #tpu.memory_space<hbm>> -> memref<1x80x128xi32, #tpu.memory_space<hbm>>
      %dma_wait3A_43 = tpu.memref_squeeze %dma_wait3A_42 : memref<1x80x128xi32, #tpu.memory_space<hbm>> -> memref<80x128xi32, #tpu.memory_space<hbm>>
      tpu.wait_dma2 semaphore(%run_scoped3A : memref<!tpu.dma_semaphore, #tpu.memory_space<semaphore_mem>>) src(%dma_wait3A_43 : memref<80x128xi32, #tpu.memory_space<hbm>>) dst(%arg4 : memref<80x128xi32, #tpu.memory_space<vmem>>)
      tpu.yield
    }) : () -> ()
    %broadcast_in_dim3A = arith.constant 0.000000e+00 : f32
    %broadcast_in_dim3A_1 = vector.broadcast %broadcast_in_dim3A : f32 to vector<16xf32>
    %broadcast_in_dim3A_2 = arith.constant 1.000000e+00 : f32
    %broadcast_in_dim3A_3 = vector.broadcast %broadcast_in_dim3A_2 : f32 to vector<16xf32>
    %scan3A = arith.constant 0 : i32
    %scan3A_4 = arith.constant 128 : i32
    %scan3A_5 = arith.addi %scan3A, %scan3A_4 : i32
    %scan3A_6 = arith.constant 1 : i32
    scf.for %scan3A_30 = %scan3A to %scan3A_5 step %scan3A_6  : i32 {
      %mul3A_31 = arith.constant 1 : i32
      %mul3A_32 = arith.muli %scan3A_30, %mul3A_31 : i32
      %add3A_33 = arith.constant 0 : i32
      %add3A_34 = arith.addi %add3A_33, %mul3A_32 : i32
      %swap3A = arith.index_cast %add3A_34 : i32 to index
      %swap3A_35 = arith.constant 0 : index
      %swap3A_36 = tpu.vector_load %arg5[%swap3A, %swap3A_35] {strides = array<i32>} : memref<128x16xf32, #tpu.memory_space<vmem>>, vector<1x16xf32>,
      %swap3A_37 = vector.shape_cast %swap3A_36 : vector<1x16xf32> to vector<16xf32>
      %swap3A_38 = vector.shape_cast %broadcast_in_dim3A_3 : vector<16xf32> to vector<1x16xf32>
      tpu.vector_store %arg5[%swap3A, %swap3A_35], %swap3A_38 {strides = array<i32>} : memref<128x16xf32, #tpu.memory_space<vmem>>, vector<1x16xf32>,
    }
    %scan3A_7 = arith.constant 128 : i32
    %scan3A_8 = arith.constant 0 : i32
    %scan3A_9 = arith.constant 632 : i32
    %scan3A_10 = arith.addi %scan3A_8, %scan3A_9 : i32
    %scan3A_11 = arith.constant 1 : i32
    scf.for %scan3A_30 = %scan3A_8 to %scan3A_10 step %scan3A_11  : i32 {
      %mul3A_31 = arith.constant 1 : i32
      %mul3A_32 = arith.muli %scan3A_30, %mul3A_31 : i32
      %add3A_33 = arith.constant 0 : i32
      %add3A_34 = arith.addi %add3A_33, %mul3A_32 : i32
      %swap3A = arith.index_cast %add3A_34 : i32 to index
      %swap3A_35 = arith.constant 0 : index
      %swap3A_36 = tpu.vector_load %arg6[%swap3A, %swap3A_35] {strides = array<i32>} : memref<632x16xf32, #tpu.memory_space<vmem>>, vector<1x16xf32>,
      %swap3A_37 = vector.shape_cast %swap3A_36 : vector<1x16xf32> to vector<16xf32>
      %swap3A_38 = vector.shape_cast %broadcast_in_dim3A_1 : vector<16xf32> to vector<1x16xf32>
      tpu.vector_store %arg6[%swap3A, %swap3A_35], %swap3A_38 {strides = array<i32>} : memref<632x16xf32, #tpu.memory_space<vmem>>, vector<1x16xf32>,
    }
    %scan3A_12 = arith.constant 632 : i32
    %mul3A_13 = arith.constant 632 : i32
    %mul3A_14 = arith.muli %arg1, %mul3A_13 : i32
    "tpu.region"() ({
      %run_scoped3A = tpu.sem_alloc : memref<!tpu.dma_semaphore, #tpu.memory_space<semaphore_mem>>
      %dma_start3A = arith.constant 0 : i32
      %dma_start3A_30 = tpu.memref_slice %arg7[%mul3A_14, %dma_start3A] : memref<10112x16xf32, #tpu.memory_space<vmem_shared>> -> memref<632x16xf32, #tpu.memory_space<vmem_shared>>
      %dma_start3A_31 = arith.constant 0 : i32
      %dma_start3A_32 = tpu.memref_slice %arg7[%mul3A_14, %dma_start3A_31] : memref<10112x16xf32, #tpu.memory_space<vmem_shared>> -> memref<632x16xf32, #tpu.memory_space<vmem_shared>>
      tpu.enqueue_dma source(%arg6 : memref<632x16xf32, #tpu.memory_space<vmem>>) target(%dma_start3A_32 : memref<632x16xf32, #tpu.memory_space<vmem_shared>>) target_semaphore(%run_scoped3A : memref<!tpu.dma_semaphore, #tpu.memory_space<semaphore_mem>>)
      %dma_wait3A = arith.constant 0 : i32
      %dma_wait3A_33 = tpu.memref_slice %arg7[%mul3A_14, %dma_wait3A] : memref<10112x16xf32, #tpu.memory_space<vmem_shared>> -> memref<632x16xf32, #tpu.memory_space<vmem_shared>>
      %dma_wait3A_34 = arith.constant 0 : i32
      %dma_wait3A_35 = tpu.memref_slice %arg7[%mul3A_14, %dma_wait3A_34] : memref<10112x16xf32, #tpu.memory_space<vmem_shared>> -> memref<632x16xf32, #tpu.memory_space<vmem_shared>>
      tpu.wait_dma2 semaphore(%run_scoped3A : memref<!tpu.dma_semaphore, #tpu.memory_space<semaphore_mem>>) src(%arg6 : memref<632x16xf32, #tpu.memory_space<vmem>>) dst(%dma_wait3A_35 : memref<632x16xf32, #tpu.memory_space<vmem_shared>>)
      tpu.yield
    }) : () -> ()
    %barrier3A = arith.constant 0 : index
    tpu.barrier barrier_id(%barrier3A)
    %scan3A_15 = arith.constant 0 : i32
    %scan3A_16 = arith.constant 80 : i32
    %scan3A_17 = arith.addi %scan3A_15, %scan3A_16 : i32
    %scan3A_18 = arith.constant 1 : i32
    scf.for %scan3A_30 = %scan3A_15 to %scan3A_17 step %scan3A_18  : i32 {
      %mul3A_31 = arith.constant 1 : i32
      %mul3A_32 = arith.muli %scan3A_30, %mul3A_31 : i32
      %add3A_33 = arith.constant 0 : i32
      %add3A_34 = arith.addi %add3A_33, %mul3A_32 : i32
      %dma_start3A = arith.constant 0 : i32
      %dma_start3A_35 = tpu.memref_slice %arg4[%add3A_34, %dma_start3A] : memref<80x128xi32, #tpu.memory_space<vmem>> -> memref<1x128xi32, #tpu.memory_space<vmem>>
      %dma_start3A_36 = tpu.memref_squeeze %dma_start3A_35 : memref<1x128xi32, #tpu.memory_space<vmem>> -> memref<128xi32, #tpu.memory_space<vmem>>
      %dma_start3A_37 = arith.constant 0 : i32
      %dma_start3A_38 = arith.constant 0 : i32
      %dma_start3A_39 = tpu.memref_slice %arg7[%dma_start3A_37, %dma_start3A_38] : memref<10112x16xf32, #tpu.memory_space<vmem_shared>> -> memref<10112x16xf32, #tpu.memory_space<vmem_shared>>
      tpu.enqueue_indirect_dma source(%arg5 : memref<128x16xf32, #tpu.memory_space<vmem>>) target(%dma_start3A_39 : memref<10112x16xf32, #tpu.memory_space<vmem_shared>>) offsets(%dma_start3A_36 : memref<128xi32, #tpu.memory_space<vmem>>) semaphore(%arg8 : memref<!tpu.dma_semaphore, #tpu.memory_space<semaphore_mem>>) {add = true}
    }
    %scan3A_19 = arith.constant 80 : i32
    %scan3A_20 = arith.constant 0 : i32
    %scan3A_21 = arith.constant 80 : i32
    %scan3A_22 = arith.addi %scan3A_20, %scan3A_21 : i32
    %scan3A_23 = arith.constant 1 : i32
    scf.for %scan3A_30 = %scan3A_20 to %scan3A_22 step %scan3A_23  : i32 {
      %mul3A_31 = arith.constant 1 : i32
      %mul3A_32 = arith.muli %scan3A_30, %mul3A_31 : i32
      %add3A_33 = arith.constant 0 : i32
      %add3A_34 = arith.addi %add3A_33, %mul3A_32 : i32
      %dma_wait3A = arith.constant 0 : i32
      %dma_wait3A_35 = tpu.memref_slice %arg4[%add3A_34, %dma_wait3A] : memref<80x128xi32, #tpu.memory_space<vmem>> -> memref<1x128xi32, #tpu.memory_space<vmem>>
      %dma_wait3A_36 = tpu.memref_squeeze %dma_wait3A_35 : memref<1x128xi32, #tpu.memory_space<vmem>> -> memref<128xi32, #tpu.memory_space<vmem>>
      %dma_wait3A_37 = arith.constant 0 : i32
      %dma_wait3A_38 = arith.constant 0 : i32
      %dma_wait3A_39 = tpu.memref_slice %arg7[%dma_wait3A_37, %dma_wait3A_38] : memref<10112x16xf32, #tpu.memory_space<vmem_shared>> -> memref<10112x16xf32, #tpu.memory_space<vmem_shared>>
      tpu.wait_indirect_dma semaphore(%arg8 : memref<!tpu.dma_semaphore, #tpu.memory_space<semaphore_mem>>) src(%arg5 : memref<128x16xf32, #tpu.memory_space<vmem>>) dst(%dma_wait3A_39 : memref<10112x16xf32, #tpu.memory_space<vmem_shared>>)
    }
    %scan3A_24 = arith.constant 80 : i32
    %barrier3A_25 = arith.constant 0 : index
    tpu.barrier barrier_id(%barrier3A_25)
    %mul3A_26 = arith.constant 632 : i32
    %mul3A_27 = arith.muli %arg1, %mul3A_26 : i32
    %mul3A_28 = arith.constant 632 : i32
    %mul3A_29 = arith.muli %arg1, %mul3A_28 : i32
    "tpu.region"() ({
      %run_scoped3A = tpu.sem_alloc : memref<!tpu.dma_semaphore, #tpu.memory_space<semaphore_mem>>
      %dma_start3A = arith.constant 0 : i32
      %dma_start3A_30 = tpu.memref_slice %arg3[%arg0, %mul3A_29, %dma_start3A] : memref<2x10112x16xf32, #tpu.memory_space<hbm>> -> memref<1x632x16xf32, #tpu.memory_space<hbm>>
      %dma_start3A_31 = tpu.memref_squeeze %dma_start3A_30 : memref<1x632x16xf32, #tpu.memory_space<hbm>> -> memref<632x16xf32, #tpu.memory_space<hbm>>
      %dma_start3A_32 = arith.constant 0 : i32
      %dma_start3A_33 = tpu.memref_slice %arg7[%mul3A_27, %dma_start3A_32] : memref<10112x16xf32, #tpu.memory_space<vmem_shared>> -> memref<632x16xf32, #tpu.memory_space<vmem_shared>>
      tpu.enqueue_dma source(%dma_start3A_33 : memref<632x16xf32, #tpu.memory_space<vmem_shared>>) target(%dma_start3A_31 : memref<632x16xf32, #tpu.memory_space<hbm>>) target_semaphore(%run_scoped3A : memref<!tpu.dma_semaphore, #tpu.memory_space<semaphore_mem>>)
      %dma_wait3A = arith.constant 0 : i32
      %dma_wait3A_34 = tpu.memref_slice %arg3[%arg0, %mul3A_29, %dma_wait3A] : memref<2x10112x16xf32, #tpu.memory_space<hbm>> -> memref<1x632x16xf32, #tpu.memory_space<hbm>>
      %dma_wait3A_35 = tpu.memref_squeeze %dma_wait3A_34 : memref<1x632x16xf32, #tpu.memory_space<hbm>> -> memref<632x16xf32, #tpu.memory_space<hbm>>
      %dma_wait3A_36 = arith.constant 0 : i32
      %dma_wait3A_37 = tpu.memref_slice %arg7[%mul3A_27, %dma_wait3A_36] : memref<10112x16xf32, #tpu.memory_space<vmem_shared>> -> memref<632x16xf32, #tpu.memory_space<vmem_shared>>
      tpu.wait_dma2 semaphore(%run_scoped3A : memref<!tpu.dma_semaphore, #tpu.memory_space<semaphore_mem>>) src(%dma_wait3A_37 : memref<632x16xf32, #tpu.memory_space<vmem_shared>>) dst(%dma_wait3A_35 : memref<632x16xf32, #tpu.memory_space<hbm>>)
      tpu.yield
    }) : () -> ()
    return
  }
}

#map = affine_map<(d0, d1) -> (0, 0)>
#map1 = affine_map<(d0, d1) -> (0, 0, 0)>
module attributes {stable_mosaic.version = 14 : i64} {
  func.func @hop(%arg0: i32, %arg1: i32, %arg2: memref<10112x16xf32, #tpu.memory_space<hbm>>, %arg3: memref<2x10112x16xf32, #tpu.memory_space<hbm>>, %arg4: memref<32x80x128xi32, #tpu.memory_space<hbm>>, %arg5: memref<32x80x128xi32, #tpu.memory_space<hbm>>, %arg6: memref<2x10112x16xf32, #tpu.memory_space<hbm>>, %arg7: memref<80x128xi32, #tpu.memory_space<vmem>>, %arg8: memref<80x128xi32, #tpu.memory_space<vmem>>, %arg9: memref<128x16xf32, #tpu.memory_space<vmem>>, %arg10: memref<128x16xf32, #tpu.memory_space<vmem>>, %arg11: memref<128x16xf32, #tpu.memory_space<vmem>>, %arg12: memref<128x16xf32, #tpu.memory_space<vmem>>, %arg13: memref<632x16xf32, #tpu.memory_space<vmem>>, %arg14: memref<632x16xf32, #tpu.memory_space<vmem>>, %arg15: memref<632x16xf32, #tpu.memory_space<vmem>>, %arg16: memref<632x16xf32, #tpu.memory_space<vmem>>, %arg17: memref<10112x16xf32, #tpu.memory_space<vmem_shared>>, %arg18: memref<10112x16xf32, #tpu.memory_space<vmem_shared>>, %arg19: memref<!tpu.dma_semaphore, #tpu.memory_space<semaphore_mem>>, %arg20: memref<!tpu.dma_semaphore, #tpu.memory_space<semaphore_mem>>, %arg21: memref<!tpu.dma_semaphore, #tpu.memory_space<semaphore_mem>>, %arg22: memref<!tpu.dma_semaphore, #tpu.memory_space<semaphore_mem>>, %arg23: memref<!tpu.dma_semaphore, #tpu.memory_space<semaphore_mem>>, %arg24: memref<!tpu.dma_semaphore, #tpu.memory_space<semaphore_mem>>, %arg25: memref<!tpu.dma_semaphore, #tpu.memory_space<semaphore_mem>>, %arg26: memref<!tpu.dma_semaphore, #tpu.memory_space<semaphore_mem>>) attributes {dimension_semantics = [#tpu.dimension_semantics<core_parallel>, #tpu.dimension_semantics<subcore_parallel>], iteration_bounds = array<i64: 2, 16>, scalar_prefetch = 0 : i64, scratch_operands = 20 : i64, tpu.core_type = #tpu.core_type<sc_vector_subcore>, window_params = [{transform_indices = #map}, {transform_indices = #map1}, {transform_indices = #map1}, {transform_indices = #map1}, {transform_indices = #map1}]} {
    %mul3A = arith.constant 2 : i32
    %mul3A_0 = arith.muli %arg1, %mul3A : i32
    %add3A = arith.addi %mul3A_0, %arg0 : i32
    %mul3A_1 = arith.constant 632 : i32
    %mul3A_2 = arith.muli %arg1, %mul3A_1 : i32
    "tpu.region"() ({
      %run_scoped3A_158 = tpu.sem_alloc : memref<!tpu.dma_semaphore, #tpu.memory_space<semaphore_mem>>
      %dma_start3A_159 = arith.constant 0 : i32
      %dma_start3A_160 = arith.constant 0 : i32
      %dma_start3A_161 = tpu.memref_slice %arg4[%add3A, %dma_start3A_159, %dma_start3A_160] : memref<32x80x128xi32, #tpu.memory_space<hbm>> -> memref<1x80x128xi32, #tpu.memory_space<hbm>>
      %dma_start3A_162 = tpu.memref_squeeze %dma_start3A_161 : memref<1x80x128xi32, #tpu.memory_space<hbm>> -> memref<80x128xi32, #tpu.memory_space<hbm>>
      %dma_start3A_163 = arith.constant 0 : i32
      %dma_start3A_164 = arith.constant 0 : i32
      %dma_start3A_165 = tpu.memref_slice %arg4[%add3A, %dma_start3A_163, %dma_start3A_164] : memref<32x80x128xi32, #tpu.memory_space<hbm>> -> memref<1x80x128xi32, #tpu.memory_space<hbm>>
      %dma_start3A_166 = tpu.memref_squeeze %dma_start3A_165 : memref<1x80x128xi32, #tpu.memory_space<hbm>> -> memref<80x128xi32, #tpu.memory_space<hbm>>
      tpu.enqueue_dma source(%dma_start3A_166 : memref<80x128xi32, #tpu.memory_space<hbm>>) target(%arg7 : memref<80x128xi32, #tpu.memory_space<vmem>>) target_semaphore(%run_scoped3A_158 : memref<!tpu.dma_semaphore, #tpu.memory_space<semaphore_mem>>)
      %dma_wait3A_167 = arith.constant 0 : i32
      %dma_wait3A_168 = arith.constant 0 : i32
      %dma_wait3A_169 = tpu.memref_slice %arg4[%add3A, %dma_wait3A_167, %dma_wait3A_168] : memref<32x80x128xi32, #tpu.memory_space<hbm>> -> memref<1x80x128xi32, #tpu.memory_space<hbm>>
      %dma_wait3A_170 = tpu.memref_squeeze %dma_wait3A_169 : memref<1x80x128xi32, #tpu.memory_space<hbm>> -> memref<80x128xi32, #tpu.memory_space<hbm>>
      %dma_wait3A_171 = arith.constant 0 : i32
      %dma_wait3A_172 = arith.constant 0 : i32
      %dma_wait3A_173 = tpu.memref_slice %arg4[%add3A, %dma_wait3A_171, %dma_wait3A_172] : memref<32x80x128xi32, #tpu.memory_space<hbm>> -> memref<1x80x128xi32, #tpu.memory_space<hbm>>
      %dma_wait3A_174 = tpu.memref_squeeze %dma_wait3A_173 : memref<1x80x128xi32, #tpu.memory_space<hbm>> -> memref<80x128xi32, #tpu.memory_space<hbm>>
      tpu.wait_dma2 semaphore(%run_scoped3A_158 : memref<!tpu.dma_semaphore, #tpu.memory_space<semaphore_mem>>) src(%dma_wait3A_174 : memref<80x128xi32, #tpu.memory_space<hbm>>) dst(%arg7 : memref<80x128xi32, #tpu.memory_space<vmem>>)
      tpu.yield
    }) : () -> ()
    "tpu.region"() ({
      %run_scoped3A_158 = tpu.sem_alloc : memref<!tpu.dma_semaphore, #tpu.memory_space<semaphore_mem>>
      %dma_start3A_159 = arith.constant 0 : i32
      %dma_start3A_160 = arith.constant 0 : i32
      %dma_start3A_161 = tpu.memref_slice %arg5[%add3A, %dma_start3A_159, %dma_start3A_160] : memref<32x80x128xi32, #tpu.memory_space<hbm>> -> memref<1x80x128xi32, #tpu.memory_space<hbm>>
      %dma_start3A_162 = tpu.memref_squeeze %dma_start3A_161 : memref<1x80x128xi32, #tpu.memory_space<hbm>> -> memref<80x128xi32, #tpu.memory_space<hbm>>
      %dma_start3A_163 = arith.constant 0 : i32
      %dma_start3A_164 = arith.constant 0 : i32
      %dma_start3A_165 = tpu.memref_slice %arg5[%add3A, %dma_start3A_163, %dma_start3A_164] : memref<32x80x128xi32, #tpu.memory_space<hbm>> -> memref<1x80x128xi32, #tpu.memory_space<hbm>>
      %dma_start3A_166 = tpu.memref_squeeze %dma_start3A_165 : memref<1x80x128xi32, #tpu.memory_space<hbm>> -> memref<80x128xi32, #tpu.memory_space<hbm>>
      tpu.enqueue_dma source(%dma_start3A_166 : memref<80x128xi32, #tpu.memory_space<hbm>>) target(%arg8 : memref<80x128xi32, #tpu.memory_space<vmem>>) target_semaphore(%run_scoped3A_158 : memref<!tpu.dma_semaphore, #tpu.memory_space<semaphore_mem>>)
      %dma_wait3A_167 = arith.constant 0 : i32
      %dma_wait3A_168 = arith.constant 0 : i32
      %dma_wait3A_169 = tpu.memref_slice %arg5[%add3A, %dma_wait3A_167, %dma_wait3A_168] : memref<32x80x128xi32, #tpu.memory_space<hbm>> -> memref<1x80x128xi32, #tpu.memory_space<hbm>>
      %dma_wait3A_170 = tpu.memref_squeeze %dma_wait3A_169 : memref<1x80x128xi32, #tpu.memory_space<hbm>> -> memref<80x128xi32, #tpu.memory_space<hbm>>
      %dma_wait3A_171 = arith.constant 0 : i32
      %dma_wait3A_172 = arith.constant 0 : i32
      %dma_wait3A_173 = tpu.memref_slice %arg5[%add3A, %dma_wait3A_171, %dma_wait3A_172] : memref<32x80x128xi32, #tpu.memory_space<hbm>> -> memref<1x80x128xi32, #tpu.memory_space<hbm>>
      %dma_wait3A_174 = tpu.memref_squeeze %dma_wait3A_173 : memref<1x80x128xi32, #tpu.memory_space<hbm>> -> memref<80x128xi32, #tpu.memory_space<hbm>>
      tpu.wait_dma2 semaphore(%run_scoped3A_158 : memref<!tpu.dma_semaphore, #tpu.memory_space<semaphore_mem>>) src(%dma_wait3A_174 : memref<80x128xi32, #tpu.memory_space<hbm>>) dst(%arg8 : memref<80x128xi32, #tpu.memory_space<vmem>>)
      tpu.yield
    }) : () -> ()
    "tpu.region"() ({
      %run_scoped3A_158 = tpu.sem_alloc : memref<!tpu.dma_semaphore, #tpu.memory_space<semaphore_mem>>
      %dma_start3A_159 = arith.constant 0 : i32
      %dma_start3A_160 = tpu.memref_slice %arg2[%mul3A_2, %dma_start3A_159] : memref<10112x16xf32, #tpu.memory_space<hbm>> -> memref<632x16xf32, #tpu.memory_space<hbm>>
      %dma_start3A_161 = arith.constant 0 : i32
      %dma_start3A_162 = tpu.memref_slice %arg2[%mul3A_2, %dma_start3A_161] : memref<10112x16xf32, #tpu.memory_space<hbm>> -> memref<632x16xf32, #tpu.memory_space<hbm>>
      tpu.enqueue_dma source(%dma_start3A_162 : memref<632x16xf32, #tpu.memory_space<hbm>>) target(%arg13 : memref<632x16xf32, #tpu.memory_space<vmem>>) target_semaphore(%run_scoped3A_158 : memref<!tpu.dma_semaphore, #tpu.memory_space<semaphore_mem>>)
      %dma_wait3A_163 = arith.constant 0 : i32
      %dma_wait3A_164 = tpu.memref_slice %arg2[%mul3A_2, %dma_wait3A_163] : memref<10112x16xf32, #tpu.memory_space<hbm>> -> memref<632x16xf32, #tpu.memory_space<hbm>>
      %dma_wait3A_165 = arith.constant 0 : i32
      %dma_wait3A_166 = tpu.memref_slice %arg2[%mul3A_2, %dma_wait3A_165] : memref<10112x16xf32, #tpu.memory_space<hbm>> -> memref<632x16xf32, #tpu.memory_space<hbm>>
      tpu.wait_dma2 semaphore(%run_scoped3A_158 : memref<!tpu.dma_semaphore, #tpu.memory_space<semaphore_mem>>) src(%dma_wait3A_166 : memref<632x16xf32, #tpu.memory_space<hbm>>) dst(%arg13 : memref<632x16xf32, #tpu.memory_space<vmem>>)
      tpu.yield
    }) : () -> ()
    %run_scoped3A = arith.constant 0 : i32
    "tpu.region"() ({
      %run_scoped3A_158 = tpu.sem_alloc : memref<!tpu.dma_semaphore, #tpu.memory_space<semaphore_mem>>
      %dma_start3A_159 = arith.constant 0 : i32
      %dma_start3A_160 = tpu.memref_slice %arg3[%run_scoped3A, %mul3A_2, %dma_start3A_159] : memref<2x10112x16xf32, #tpu.memory_space<hbm>> -> memref<1x632x16xf32, #tpu.memory_space<hbm>>
      %dma_start3A_161 = tpu.memref_squeeze %dma_start3A_160 : memref<1x632x16xf32, #tpu.memory_space<hbm>> -> memref<632x16xf32, #tpu.memory_space<hbm>>
      %dma_start3A_162 = arith.constant 0 : i32
      %dma_start3A_163 = tpu.memref_slice %arg3[%run_scoped3A, %mul3A_2, %dma_start3A_162] : memref<2x10112x16xf32, #tpu.memory_space<hbm>> -> memref<1x632x16xf32, #tpu.memory_space<hbm>>
      %dma_start3A_164 = tpu.memref_squeeze %dma_start3A_163 : memref<1x632x16xf32, #tpu.memory_space<hbm>> -> memref<632x16xf32, #tpu.memory_space<hbm>>
      tpu.enqueue_dma source(%dma_start3A_164 : memref<632x16xf32, #tpu.memory_space<hbm>>) target(%arg14 : memref<632x16xf32, #tpu.memory_space<vmem>>) target_semaphore(%run_scoped3A_158 : memref<!tpu.dma_semaphore, #tpu.memory_space<semaphore_mem>>)
      %dma_wait3A_165 = arith.constant 0 : i32
      %dma_wait3A_166 = tpu.memref_slice %arg3[%run_scoped3A, %mul3A_2, %dma_wait3A_165] : memref<2x10112x16xf32, #tpu.memory_space<hbm>> -> memref<1x632x16xf32, #tpu.memory_space<hbm>>
      %dma_wait3A_167 = tpu.memref_squeeze %dma_wait3A_166 : memref<1x632x16xf32, #tpu.memory_space<hbm>> -> memref<632x16xf32, #tpu.memory_space<hbm>>
      %dma_wait3A_168 = arith.constant 0 : i32
      %dma_wait3A_169 = tpu.memref_slice %arg3[%run_scoped3A, %mul3A_2, %dma_wait3A_168] : memref<2x10112x16xf32, #tpu.memory_space<hbm>> -> memref<1x632x16xf32, #tpu.memory_space<hbm>>
      %dma_wait3A_170 = tpu.memref_squeeze %dma_wait3A_169 : memref<1x632x16xf32, #tpu.memory_space<hbm>> -> memref<632x16xf32, #tpu.memory_space<hbm>>
      tpu.wait_dma2 semaphore(%run_scoped3A_158 : memref<!tpu.dma_semaphore, #tpu.memory_space<semaphore_mem>>) src(%dma_wait3A_170 : memref<632x16xf32, #tpu.memory_space<hbm>>) dst(%arg14 : memref<632x16xf32, #tpu.memory_space<vmem>>)
      tpu.yield
    }) : () -> ()
    %run_scoped3A_3 = arith.constant 1 : i32
    "tpu.region"() ({
      %run_scoped3A_158 = tpu.sem_alloc : memref<!tpu.dma_semaphore, #tpu.memory_space<semaphore_mem>>
      %dma_start3A_159 = arith.constant 0 : i32
      %dma_start3A_160 = tpu.memref_slice %arg3[%run_scoped3A_3, %mul3A_2, %dma_start3A_159] : memref<2x10112x16xf32, #tpu.memory_space<hbm>> -> memref<1x632x16xf32, #tpu.memory_space<hbm>>
      %dma_start3A_161 = tpu.memref_squeeze %dma_start3A_160 : memref<1x632x16xf32, #tpu.memory_space<hbm>> -> memref<632x16xf32, #tpu.memory_space<hbm>>
      %dma_start3A_162 = arith.constant 0 : i32
      %dma_start3A_163 = tpu.memref_slice %arg3[%run_scoped3A_3, %mul3A_2, %dma_start3A_162] : memref<2x10112x16xf32, #tpu.memory_space<hbm>> -> memref<1x632x16xf32, #tpu.memory_space<hbm>>
      %dma_start3A_164 = tpu.memref_squeeze %dma_start3A_163 : memref<1x632x16xf32, #tpu.memory_space<hbm>> -> memref<632x16xf32, #tpu.memory_space<hbm>>
      tpu.enqueue_dma source(%dma_start3A_164 : memref<632x16xf32, #tpu.memory_space<hbm>>) target(%arg15 : memref<632x16xf32, #tpu.memory_space<vmem>>) target_semaphore(%run_scoped3A_158 : memref<!tpu.dma_semaphore, #tpu.memory_space<semaphore_mem>>)
      %dma_wait3A_165 = arith.constant 0 : i32
      %dma_wait3A_166 = tpu.memref_slice %arg3[%run_scoped3A_3, %mul3A_2, %dma_wait3A_165] : memref<2x10112x16xf32, #tpu.memory_space<hbm>> -> memref<1x632x16xf32, #tpu.memory_space<hbm>>
      %dma_wait3A_167 = tpu.memref_squeeze %dma_wait3A_166 : memref<1x632x16xf32, #tpu.memory_space<hbm>> -> memref<632x16xf32, #tpu.memory_space<hbm>>
      %dma_wait3A_168 = arith.constant 0 : i32
      %dma_wait3A_169 = tpu.memref_slice %arg3[%run_scoped3A_3, %mul3A_2, %dma_wait3A_168] : memref<2x10112x16xf32, #tpu.memory_space<hbm>> -> memref<1x632x16xf32, #tpu.memory_space<hbm>>
      %dma_wait3A_170 = tpu.memref_squeeze %dma_wait3A_169 : memref<1x632x16xf32, #tpu.memory_space<hbm>> -> memref<632x16xf32, #tpu.memory_space<hbm>>
      tpu.wait_dma2 semaphore(%run_scoped3A_158 : memref<!tpu.dma_semaphore, #tpu.memory_space<semaphore_mem>>) src(%dma_wait3A_170 : memref<632x16xf32, #tpu.memory_space<hbm>>) dst(%arg15 : memref<632x16xf32, #tpu.memory_space<vmem>>)
      tpu.yield
    }) : () -> ()
    %scan3A = arith.constant 0 : i32
    %scan3A_4 = arith.constant 632 : i32
    %scan3A_5 = arith.addi %scan3A, %scan3A_4 : i32
    %scan3A_6 = arith.constant 1 : i32
    scf.for %scan3A_158 = %scan3A to %scan3A_5 step %scan3A_6  : i32 {
      %mul3A_159 = arith.constant 1 : i32
      %mul3A_160 = arith.muli %scan3A_158, %mul3A_159 : i32
      %add3A_161 = arith.constant 0 : i32
      %add3A_162 = arith.addi %add3A_161, %mul3A_160 : i32
      %get3A = arith.index_cast %add3A_162 : i32 to index
      %get3A_163 = arith.constant 0 : index
      %get3A_164 = tpu.vector_load %arg14[%get3A, %get3A_163] {strides = array<i32>} : memref<632x16xf32, #tpu.memory_space<vmem>>, vector<1x16xf32>,
      %get3A_165 = vector.shape_cast %get3A_164 : vector<1x16xf32> to vector<16xf32>
      %add3A_166 = arith.constant 1.000000e+00 : f32
      %add3A_167 = vector.broadcast %add3A_166 : f32 to vector<16xf32>
      %add3A_168 = arith.addf %add3A_167, %get3A_165 : vector<16xf32>
      %get3A_169 = arith.index_cast %add3A_162 : i32 to index
      %get3A_170 = arith.constant 0 : index
      %get3A_171 = tpu.vector_load %arg15[%get3A_169, %get3A_170] {strides = array<i32>} : memref<632x16xf32, #tpu.memory_space<vmem>>, vector<1x16xf32>,
      %get3A_172 = vector.shape_cast %get3A_171 : vector<1x16xf32> to vector<16xf32>
      %add3A_173 = arith.addf %add3A_168, %get3A_172 : vector<16xf32>
      %bitcast_convert_type3A = tpu.bitcast %add3A_173 : vector<16xf32> -> vector<16xi32>
      %broadcast_in_dim3A_174 = arith.constant 1597463007 : i32
      %broadcast_in_dim3A_175 = vector.broadcast %broadcast_in_dim3A_174 : i32 to vector<16xi32>
      %shift_right_arithmetic3A = arith.constant 1 : i32
      %shift_right_arithmetic3A_176 = vector.broadcast %shift_right_arithmetic3A : i32 to vector<16xi32>
      %shift_right_arithmetic3A_177 = arith.shrsi %bitcast_convert_type3A, %shift_right_arithmetic3A_176 : vector<16xi32>
      %sub3A = arith.subi %broadcast_in_dim3A_175, %shift_right_arithmetic3A_177 : vector<16xi32>
      %bitcast_convert_type3A_178 = tpu.bitcast %sub3A : vector<16xi32> -> vector<16xf32>
      %mul3A_179 = arith.constant 5.000000e-01 : f32
      %mul3A_180 = vector.broadcast %mul3A_179 : f32 to vector<16xf32>
      %mul3A_181 = arith.mulf %mul3A_180, %add3A_173 : vector<16xf32>
      %mul3A_182 = arith.mulf %mul3A_181, %bitcast_convert_type3A_178 : vector<16xf32>
      %mul3A_183 = arith.mulf %mul3A_182, %bitcast_convert_type3A_178 : vector<16xf32>
      %sub3A_184 = arith.constant 1.500000e+00 : f32
      %sub3A_185 = vector.broadcast %sub3A_184 : f32 to vector<16xf32>
      %sub3A_186 = arith.subf %sub3A_185, %mul3A_183 : vector<16xf32>
      %mul3A_187 = arith.mulf %bitcast_convert_type3A_178, %sub3A_186 : vector<16xf32>
      %mul3A_188 = arith.constant 5.000000e-01 : f32
      %mul3A_189 = vector.broadcast %mul3A_188 : f32 to vector<16xf32>
      %mul3A_190 = arith.mulf %mul3A_189, %add3A_173 : vector<16xf32>
      %mul3A_191 = arith.mulf %mul3A_190, %mul3A_187 : vector<16xf32>
      %mul3A_192 = arith.mulf %mul3A_191, %mul3A_187 : vector<16xf32>
      %sub3A_193 = arith.constant 1.500000e+00 : f32
      %sub3A_194 = vector.broadcast %sub3A_193 : f32 to vector<16xf32>
      %sub3A_195 = arith.subf %sub3A_194, %mul3A_192 : vector<16xf32>
      %mul3A_196 = arith.mulf %mul3A_187, %sub3A_195 : vector<16xf32>
      %mul3A_197 = arith.constant 5.000000e-01 : f32
      %mul3A_198 = vector.broadcast %mul3A_197 : f32 to vector<16xf32>
      %mul3A_199 = arith.mulf %mul3A_198, %add3A_173 : vector<16xf32>
      %mul3A_200 = arith.mulf %mul3A_199, %mul3A_196 : vector<16xf32>
      %mul3A_201 = arith.mulf %mul3A_200, %mul3A_196 : vector<16xf32>
      %sub3A_202 = arith.constant 1.500000e+00 : f32
      %sub3A_203 = vector.broadcast %sub3A_202 : f32 to vector<16xf32>
      %sub3A_204 = arith.subf %sub3A_203, %mul3A_201 : vector<16xf32>
      %mul3A_205 = arith.mulf %mul3A_196, %sub3A_204 : vector<16xf32>
      %get3A_206 = arith.index_cast %add3A_162 : i32 to index
      %get3A_207 = arith.constant 0 : index
      %get3A_208 = tpu.vector_load %arg13[%get3A_206, %get3A_207] {strides = array<i32>} : memref<632x16xf32, #tpu.memory_space<vmem>>, vector<1x16xf32>,
      %get3A_209 = vector.shape_cast %get3A_208 : vector<1x16xf32> to vector<16xf32>
      %mul3A_210 = arith.mulf %mul3A_205, %get3A_209 : vector<16xf32>
      %swap3A = arith.index_cast %add3A_162 : i32 to index
      %swap3A_211 = arith.constant 0 : index
      %swap3A_212 = tpu.vector_load %arg16[%swap3A, %swap3A_211] {strides = array<i32>} : memref<632x16xf32, #tpu.memory_space<vmem>>, vector<1x16xf32>,
      %swap3A_213 = vector.shape_cast %swap3A_212 : vector<1x16xf32> to vector<16xf32>
      %swap3A_214 = vector.shape_cast %mul3A_210 : vector<16xf32> to vector<1x16xf32>
      tpu.vector_store %arg16[%swap3A, %swap3A_211], %swap3A_214 {strides = array<i32>} : memref<632x16xf32, #tpu.memory_space<vmem>>, vector<1x16xf32>,
    }
    %scan3A_7 = arith.constant 632 : i32
    "tpu.region"() ({
      %run_scoped3A_158 = tpu.sem_alloc : memref<!tpu.dma_semaphore, #tpu.memory_space<semaphore_mem>>
      %dma_start3A_159 = arith.constant 0 : i32
      %dma_start3A_160 = tpu.memref_slice %arg17[%mul3A_2, %dma_start3A_159] : memref<10112x16xf32, #tpu.memory_space<vmem_shared>> -> memref<632x16xf32, #tpu.memory_space<vmem_shared>>
      %dma_start3A_161 = arith.constant 0 : i32
      %dma_start3A_162 = tpu.memref_slice %arg17[%mul3A_2, %dma_start3A_161] : memref<10112x16xf32, #tpu.memory_space<vmem_shared>> -> memref<632x16xf32, #tpu.memory_space<vmem_shared>>
      tpu.enqueue_dma source(%arg16 : memref<632x16xf32, #tpu.memory_space<vmem>>) target(%dma_start3A_162 : memref<632x16xf32, #tpu.memory_space<vmem_shared>>) target_semaphore(%run_scoped3A_158 : memref<!tpu.dma_semaphore, #tpu.memory_space<semaphore_mem>>)
      %dma_wait3A_163 = arith.constant 0 : i32
      %dma_wait3A_164 = tpu.memref_slice %arg17[%mul3A_2, %dma_wait3A_163] : memref<10112x16xf32, #tpu.memory_space<vmem_shared>> -> memref<632x16xf32, #tpu.memory_space<vmem_shared>>
      %dma_wait3A_165 = arith.constant 0 : i32
      %dma_wait3A_166 = tpu.memref_slice %arg17[%mul3A_2, %dma_wait3A_165] : memref<10112x16xf32, #tpu.memory_space<vmem_shared>> -> memref<632x16xf32, #tpu.memory_space<vmem_shared>>
      tpu.wait_dma2 semaphore(%run_scoped3A_158 : memref<!tpu.dma_semaphore, #tpu.memory_space<semaphore_mem>>) src(%arg16 : memref<632x16xf32, #tpu.memory_space<vmem>>) dst(%dma_wait3A_166 : memref<632x16xf32, #tpu.memory_space<vmem_shared>>)
      tpu.yield
    }) : () -> ()
    %broadcast_in_dim3A = arith.constant 0.000000e+00 : f32
    %broadcast_in_dim3A_8 = vector.broadcast %broadcast_in_dim3A : f32 to vector<16xf32>
    %scan3A_9 = arith.constant 0 : i32
    %scan3A_10 = arith.constant 632 : i32
    %scan3A_11 = arith.addi %scan3A_9, %scan3A_10 : i32
    %scan3A_12 = arith.constant 1 : i32
    scf.for %scan3A_158 = %scan3A_9 to %scan3A_11 step %scan3A_12  : i32 {
      %mul3A_159 = arith.constant 1 : i32
      %mul3A_160 = arith.muli %scan3A_158, %mul3A_159 : i32
      %add3A_161 = arith.constant 0 : i32
      %add3A_162 = arith.addi %add3A_161, %mul3A_160 : i32
      %swap3A = arith.index_cast %add3A_162 : i32 to index
      %swap3A_163 = arith.constant 0 : index
      %swap3A_164 = tpu.vector_load %arg16[%swap3A, %swap3A_163] {strides = array<i32>} : memref<632x16xf32, #tpu.memory_space<vmem>>, vector<1x16xf32>,
      %swap3A_165 = vector.shape_cast %swap3A_164 : vector<1x16xf32> to vector<16xf32>
      %swap3A_166 = vector.shape_cast %broadcast_in_dim3A_8 : vector<16xf32> to vector<1x16xf32>
      tpu.vector_store %arg16[%swap3A, %swap3A_163], %swap3A_166 {strides = array<i32>} : memref<632x16xf32, #tpu.memory_space<vmem>>, vector<1x16xf32>,
    }
    %scan3A_13 = arith.constant 632 : i32
    "tpu.region"() ({
      %run_scoped3A_158 = tpu.sem_alloc : memref<!tpu.dma_semaphore, #tpu.memory_space<semaphore_mem>>
      %dma_start3A_159 = arith.constant 0 : i32
      %dma_start3A_160 = tpu.memref_slice %arg18[%mul3A_2, %dma_start3A_159] : memref<10112x16xf32, #tpu.memory_space<vmem_shared>> -> memref<632x16xf32, #tpu.memory_space<vmem_shared>>
      %dma_start3A_161 = arith.constant 0 : i32
      %dma_start3A_162 = tpu.memref_slice %arg18[%mul3A_2, %dma_start3A_161] : memref<10112x16xf32, #tpu.memory_space<vmem_shared>> -> memref<632x16xf32, #tpu.memory_space<vmem_shared>>
      tpu.enqueue_dma source(%arg16 : memref<632x16xf32, #tpu.memory_space<vmem>>) target(%dma_start3A_162 : memref<632x16xf32, #tpu.memory_space<vmem_shared>>) target_semaphore(%run_scoped3A_158 : memref<!tpu.dma_semaphore, #tpu.memory_space<semaphore_mem>>)
      %dma_wait3A_163 = arith.constant 0 : i32
      %dma_wait3A_164 = tpu.memref_slice %arg18[%mul3A_2, %dma_wait3A_163] : memref<10112x16xf32, #tpu.memory_space<vmem_shared>> -> memref<632x16xf32, #tpu.memory_space<vmem_shared>>
      %dma_wait3A_165 = arith.constant 0 : i32
      %dma_wait3A_166 = tpu.memref_slice %arg18[%mul3A_2, %dma_wait3A_165] : memref<10112x16xf32, #tpu.memory_space<vmem_shared>> -> memref<632x16xf32, #tpu.memory_space<vmem_shared>>
      tpu.wait_dma2 semaphore(%run_scoped3A_158 : memref<!tpu.dma_semaphore, #tpu.memory_space<semaphore_mem>>) src(%arg16 : memref<632x16xf32, #tpu.memory_space<vmem>>) dst(%dma_wait3A_166 : memref<632x16xf32, #tpu.memory_space<vmem_shared>>)
      tpu.yield
    }) : () -> ()
    %barrier3A = arith.constant 0 : index
    tpu.barrier barrier_id(%barrier3A)
    %dma_start3A = arith.constant 0 : i32
    %dma_start3A_14 = arith.constant 0 : i32
    %dma_start3A_15 = tpu.memref_slice %arg7[%dma_start3A, %dma_start3A_14] : memref<80x128xi32, #tpu.memory_space<vmem>> -> memref<1x128xi32, #tpu.memory_space<vmem>>
    %dma_start3A_16 = tpu.memref_squeeze %dma_start3A_15 : memref<1x128xi32, #tpu.memory_space<vmem>> -> memref<128xi32, #tpu.memory_space<vmem>>
    %dma_start3A_17 = arith.constant 0 : i32
    %dma_start3A_18 = arith.constant 0 : i32
    %dma_start3A_19 = tpu.memref_slice %arg17[%dma_start3A_17, %dma_start3A_18] : memref<10112x16xf32, #tpu.memory_space<vmem_shared>> -> memref<10112x16xf32, #tpu.memory_space<vmem_shared>>
    tpu.enqueue_indirect_dma source(%dma_start3A_19 : memref<10112x16xf32, #tpu.memory_space<vmem_shared>>) target(%arg9 : memref<128x16xf32, #tpu.memory_space<vmem>>) offsets(%dma_start3A_16 : memref<128xi32, #tpu.memory_space<vmem>>) semaphore(%arg19 : memref<!tpu.dma_semaphore, #tpu.memory_space<semaphore_mem>>)
    %dma_start3A_20 = arith.constant 1 : i32
    %dma_start3A_21 = arith.constant 0 : i32
    %dma_start3A_22 = tpu.memref_slice %arg7[%dma_start3A_20, %dma_start3A_21] : memref<80x128xi32, #tpu.memory_space<vmem>> -> memref<1x128xi32, #tpu.memory_space<vmem>>
    %dma_start3A_23 = tpu.memref_squeeze %dma_start3A_22 : memref<1x128xi32, #tpu.memory_space<vmem>> -> memref<128xi32, #tpu.memory_space<vmem>>
    %dma_start3A_24 = arith.constant 0 : i32
    %dma_start3A_25 = arith.constant 0 : i32
    %dma_start3A_26 = tpu.memref_slice %arg17[%dma_start3A_24, %dma_start3A_25] : memref<10112x16xf32, #tpu.memory_space<vmem_shared>> -> memref<10112x16xf32, #tpu.memory_space<vmem_shared>>
    tpu.enqueue_indirect_dma source(%dma_start3A_26 : memref<10112x16xf32, #tpu.memory_space<vmem_shared>>) target(%arg10 : memref<128x16xf32, #tpu.memory_space<vmem>>) offsets(%dma_start3A_23 : memref<128xi32, #tpu.memory_space<vmem>>) semaphore(%arg20 : memref<!tpu.dma_semaphore, #tpu.memory_space<semaphore_mem>>)
    %dma_wait3A = arith.constant 0 : i32
    %dma_wait3A_27 = arith.constant 0 : i32
    %dma_wait3A_28 = tpu.memref_slice %arg7[%dma_wait3A, %dma_wait3A_27] : memref<80x128xi32, #tpu.memory_space<vmem>> -> memref<1x128xi32, #tpu.memory_space<vmem>>
    %dma_wait3A_29 = tpu.memref_squeeze %dma_wait3A_28 : memref<1x128xi32, #tpu.memory_space<vmem>> -> memref<128xi32, #tpu.memory_space<vmem>>
    %dma_wait3A_30 = arith.constant 0 : i32
    %dma_wait3A_31 = arith.constant 0 : i32
    %dma_wait3A_32 = tpu.memref_slice %arg17[%dma_wait3A_30, %dma_wait3A_31] : memref<10112x16xf32, #tpu.memory_space<vmem_shared>> -> memref<10112x16xf32, #tpu.memory_space<vmem_shared>>
    tpu.wait_indirect_dma semaphore(%arg19 : memref<!tpu.dma_semaphore, #tpu.memory_space<semaphore_mem>>) src(%dma_wait3A_32 : memref<10112x16xf32, #tpu.memory_space<vmem_shared>>) dst(%arg9 : memref<128x16xf32, #tpu.memory_space<vmem>>)
    %dma_start3A_33 = arith.constant 0 : i32
    %dma_start3A_34 = arith.constant 0 : i32
    %dma_start3A_35 = tpu.memref_slice %arg8[%dma_start3A_33, %dma_start3A_34] : memref<80x128xi32, #tpu.memory_space<vmem>> -> memref<1x128xi32, #tpu.memory_space<vmem>>
    %dma_start3A_36 = tpu.memref_squeeze %dma_start3A_35 : memref<1x128xi32, #tpu.memory_space<vmem>> -> memref<128xi32, #tpu.memory_space<vmem>>
    %dma_start3A_37 = arith.constant 0 : i32
    %dma_start3A_38 = arith.constant 0 : i32
    %dma_start3A_39 = tpu.memref_slice %arg18[%dma_start3A_37, %dma_start3A_38] : memref<10112x16xf32, #tpu.memory_space<vmem_shared>> -> memref<10112x16xf32, #tpu.memory_space<vmem_shared>>
    tpu.enqueue_indirect_dma source(%arg9 : memref<128x16xf32, #tpu.memory_space<vmem>>) target(%dma_start3A_39 : memref<10112x16xf32, #tpu.memory_space<vmem_shared>>) offsets(%dma_start3A_36 : memref<128xi32, #tpu.memory_space<vmem>>) semaphore(%arg23 : memref<!tpu.dma_semaphore, #tpu.memory_space<semaphore_mem>>) {add = true}
    %dma_start3A_40 = arith.constant 2 : i32
    %dma_start3A_41 = arith.constant 0 : i32
    %dma_start3A_42 = tpu.memref_slice %arg7[%dma_start3A_40, %dma_start3A_41] : memref<80x128xi32, #tpu.memory_space<vmem>> -> memref<1x128xi32, #tpu.memory_space<vmem>>
    %dma_start3A_43 = tpu.memref_squeeze %dma_start3A_42 : memref<1x128xi32, #tpu.memory_space<vmem>> -> memref<128xi32, #tpu.memory_space<vmem>>
    %dma_start3A_44 = arith.constant 0 : i32
    %dma_start3A_45 = arith.constant 0 : i32
    %dma_start3A_46 = tpu.memref_slice %arg17[%dma_start3A_44, %dma_start3A_45] : memref<10112x16xf32, #tpu.memory_space<vmem_shared>> -> memref<10112x16xf32, #tpu.memory_space<vmem_shared>>
    tpu.enqueue_indirect_dma source(%dma_start3A_46 : memref<10112x16xf32, #tpu.memory_space<vmem_shared>>) target(%arg11 : memref<128x16xf32, #tpu.memory_space<vmem>>) offsets(%dma_start3A_43 : memref<128xi32, #tpu.memory_space<vmem>>) semaphore(%arg21 : memref<!tpu.dma_semaphore, #tpu.memory_space<semaphore_mem>>)
    %dma_wait3A_47 = arith.constant 1 : i32
    %dma_wait3A_48 = arith.constant 0 : i32
    %dma_wait3A_49 = tpu.memref_slice %arg7[%dma_wait3A_47, %dma_wait3A_48] : memref<80x128xi32, #tpu.memory_space<vmem>> -> memref<1x128xi32, #tpu.memory_space<vmem>>
    %dma_wait3A_50 = tpu.memref_squeeze %dma_wait3A_49 : memref<1x128xi32, #tpu.memory_space<vmem>> -> memref<128xi32, #tpu.memory_space<vmem>>
    %dma_wait3A_51 = arith.constant 0 : i32
    %dma_wait3A_52 = arith.constant 0 : i32
    %dma_wait3A_53 = tpu.memref_slice %arg17[%dma_wait3A_51, %dma_wait3A_52] : memref<10112x16xf32, #tpu.memory_space<vmem_shared>> -> memref<10112x16xf32, #tpu.memory_space<vmem_shared>>
    tpu.wait_indirect_dma semaphore(%arg20 : memref<!tpu.dma_semaphore, #tpu.memory_space<semaphore_mem>>) src(%dma_wait3A_53 : memref<10112x16xf32, #tpu.memory_space<vmem_shared>>) dst(%arg10 : memref<128x16xf32, #tpu.memory_space<vmem>>)
    %dma_start3A_54 = arith.constant 1 : i32
    %dma_start3A_55 = arith.constant 0 : i32
    %dma_start3A_56 = tpu.memref_slice %arg8[%dma_start3A_54, %dma_start3A_55] : memref<80x128xi32, #tpu.memory_space<vmem>> -> memref<1x128xi32, #tpu.memory_space<vmem>>
    %dma_start3A_57 = tpu.memref_squeeze %dma_start3A_56 : memref<1x128xi32, #tpu.memory_space<vmem>> -> memref<128xi32, #tpu.memory_space<vmem>>
    %dma_start3A_58 = arith.constant 0 : i32
    %dma_start3A_59 = arith.constant 0 : i32
    %dma_start3A_60 = tpu.memref_slice %arg18[%dma_start3A_58, %dma_start3A_59] : memref<10112x16xf32, #tpu.memory_space<vmem_shared>> -> memref<10112x16xf32, #tpu.memory_space<vmem_shared>>
    tpu.enqueue_indirect_dma source(%arg10 : memref<128x16xf32, #tpu.memory_space<vmem>>) target(%dma_start3A_60 : memref<10112x16xf32, #tpu.memory_space<vmem_shared>>) offsets(%dma_start3A_57 : memref<128xi32, #tpu.memory_space<vmem>>) semaphore(%arg24 : memref<!tpu.dma_semaphore, #tpu.memory_space<semaphore_mem>>) {add = true}
    %dma_start3A_61 = arith.constant 3 : i32
    %dma_start3A_62 = arith.constant 0 : i32
    %dma_start3A_63 = tpu.memref_slice %arg7[%dma_start3A_61, %dma_start3A_62] : memref<80x128xi32, #tpu.memory_space<vmem>> -> memref<1x128xi32, #tpu.memory_space<vmem>>
    %dma_start3A_64 = tpu.memref_squeeze %dma_start3A_63 : memref<1x128xi32, #tpu.memory_space<vmem>> -> memref<128xi32, #tpu.memory_space<vmem>>
    %dma_start3A_65 = arith.constant 0 : i32
    %dma_start3A_66 = arith.constant 0 : i32
    %dma_start3A_67 = tpu.memref_slice %arg17[%dma_start3A_65, %dma_start3A_66] : memref<10112x16xf32, #tpu.memory_space<vmem_shared>> -> memref<10112x16xf32, #tpu.memory_space<vmem_shared>>
    tpu.enqueue_indirect_dma source(%dma_start3A_67 : memref<10112x16xf32, #tpu.memory_space<vmem_shared>>) target(%arg12 : memref<128x16xf32, #tpu.memory_space<vmem>>) offsets(%dma_start3A_64 : memref<128xi32, #tpu.memory_space<vmem>>) semaphore(%arg22 : memref<!tpu.dma_semaphore, #tpu.memory_space<semaphore_mem>>)
    %dma_wait3A_68 = arith.constant 2 : i32
    %dma_wait3A_69 = arith.constant 0 : i32
    %dma_wait3A_70 = tpu.memref_slice %arg7[%dma_wait3A_68, %dma_wait3A_69] : memref<80x128xi32, #tpu.memory_space<vmem>> -> memref<1x128xi32, #tpu.memory_space<vmem>>
    %dma_wait3A_71 = tpu.memref_squeeze %dma_wait3A_70 : memref<1x128xi32, #tpu.memory_space<vmem>> -> memref<128xi32, #tpu.memory_space<vmem>>
    %dma_wait3A_72 = arith.constant 0 : i32
    %dma_wait3A_73 = arith.constant 0 : i32
    %dma_wait3A_74 = tpu.memref_slice %arg17[%dma_wait3A_72, %dma_wait3A_73] : memref<10112x16xf32, #tpu.memory_space<vmem_shared>> -> memref<10112x16xf32, #tpu.memory_space<vmem_shared>>
    tpu.wait_indirect_dma semaphore(%arg21 : memref<!tpu.dma_semaphore, #tpu.memory_space<semaphore_mem>>) src(%dma_wait3A_74 : memref<10112x16xf32, #tpu.memory_space<vmem_shared>>) dst(%arg11 : memref<128x16xf32, #tpu.memory_space<vmem>>)
    %dma_start3A_75 = arith.constant 2 : i32
    %dma_start3A_76 = arith.constant 0 : i32
    %dma_start3A_77 = tpu.memref_slice %arg8[%dma_start3A_75, %dma_start3A_76] : memref<80x128xi32, #tpu.memory_space<vmem>> -> memref<1x128xi32, #tpu.memory_space<vmem>>
    %dma_start3A_78 = tpu.memref_squeeze %dma_start3A_77 : memref<1x128xi32, #tpu.memory_space<vmem>> -> memref<128xi32, #tpu.memory_space<vmem>>
    %dma_start3A_79 = arith.constant 0 : i32
    %dma_start3A_80 = arith.constant 0 : i32
    %dma_start3A_81 = tpu.memref_slice %arg18[%dma_start3A_79, %dma_start3A_80] : memref<10112x16xf32, #tpu.memory_space<vmem_shared>> -> memref<10112x16xf32, #tpu.memory_space<vmem_shared>>
    tpu.enqueue_indirect_dma source(%arg11 : memref<128x16xf32, #tpu.memory_space<vmem>>) target(%dma_start3A_81 : memref<10112x16xf32, #tpu.memory_space<vmem_shared>>) offsets(%dma_start3A_78 : memref<128xi32, #tpu.memory_space<vmem>>) semaphore(%arg25 : memref<!tpu.dma_semaphore, #tpu.memory_space<semaphore_mem>>) {add = true}
    %dma_wait3A_82 = arith.constant 0 : i32
    %dma_wait3A_83 = arith.constant 0 : i32
    %dma_wait3A_84 = tpu.memref_slice %arg8[%dma_wait3A_82, %dma_wait3A_83] : memref<80x128xi32, #tpu.memory_space<vmem>> -> memref<1x128xi32, #tpu.memory_space<vmem>>
    %dma_wait3A_85 = tpu.memref_squeeze %dma_wait3A_84 : memref<1x128xi32, #tpu.memory_space<vmem>> -> memref<128xi32, #tpu.memory_space<vmem>>
    %dma_wait3A_86 = arith.constant 0 : i32
    %dma_wait3A_87 = arith.constant 0 : i32
    %dma_wait3A_88 = tpu.memref_slice %arg18[%dma_wait3A_86, %dma_wait3A_87] : memref<10112x16xf32, #tpu.memory_space<vmem_shared>> -> memref<10112x16xf32, #tpu.memory_space<vmem_shared>>
    tpu.wait_indirect_dma semaphore(%arg23 : memref<!tpu.dma_semaphore, #tpu.memory_space<semaphore_mem>>) src(%arg9 : memref<128x16xf32, #tpu.memory_space<vmem>>) dst(%dma_wait3A_88 : memref<10112x16xf32, #tpu.memory_space<vmem_shared>>)
    %dma_start3A_89 = arith.constant 4 : i32
    %dma_start3A_90 = arith.constant 0 : i32
    %dma_start3A_91 = tpu.memref_slice %arg7[%dma_start3A_89, %dma_start3A_90] : memref<80x128xi32, #tpu.memory_space<vmem>> -> memref<1x128xi32, #tpu.memory_space<vmem>>
    %dma_start3A_92 = tpu.memref_squeeze %dma_start3A_91 : memref<1x128xi32, #tpu.memory_space<vmem>> -> memref<128xi32, #tpu.memory_space<vmem>>
    %dma_start3A_93 = arith.constant 0 : i32
    %dma_start3A_94 = arith.constant 0 : i32
    %dma_start3A_95 = tpu.memref_slice %arg17[%dma_start3A_93, %dma_start3A_94] : memref<10112x16xf32, #tpu.memory_space<vmem_shared>> -> memref<10112x16xf32, #tpu.memory_space<vmem_shared>>
    tpu.enqueue_indirect_dma source(%dma_start3A_95 : memref<10112x16xf32, #tpu.memory_space<vmem_shared>>) target(%arg9 : memref<128x16xf32, #tpu.memory_space<vmem>>) offsets(%dma_start3A_92 : memref<128xi32, #tpu.memory_space<vmem>>) semaphore(%arg19 : memref<!tpu.dma_semaphore, #tpu.memory_space<semaphore_mem>>)
    %dma_wait3A_96 = arith.constant 3 : i32
    %dma_wait3A_97 = arith.constant 0 : i32
    %dma_wait3A_98 = tpu.memref_slice %arg7[%dma_wait3A_96, %dma_wait3A_97] : memref<80x128xi32, #tpu.memory_space<vmem>> -> memref<1x128xi32, #tpu.memory_space<vmem>>
    %dma_wait3A_99 = tpu.memref_squeeze %dma_wait3A_98 : memref<1x128xi32, #tpu.memory_space<vmem>> -> memref<128xi32, #tpu.memory_space<vmem>>
    %dma_wait3A_100 = arith.constant 0 : i32
    %dma_wait3A_101 = arith.constant 0 : i32
    %dma_wait3A_102 = tpu.memref_slice %arg17[%dma_wait3A_100, %dma_wait3A_101] : memref<10112x16xf32, #tpu.memory_space<vmem_shared>> -> memref<10112x16xf32, #tpu.memory_space<vmem_shared>>
    tpu.wait_indirect_dma semaphore(%arg22 : memref<!tpu.dma_semaphore, #tpu.memory_space<semaphore_mem>>) src(%dma_wait3A_102 : memref<10112x16xf32, #tpu.memory_space<vmem_shared>>) dst(%arg12 : memref<128x16xf32, #tpu.memory_space<vmem>>)
    %dma_start3A_103 = arith.constant 3 : i32
    %dma_start3A_104 = arith.constant 0 : i32
    %dma_start3A_105 = tpu.memref_slice %arg8[%dma_start3A_103, %dma_start3A_104] : memref<80x128xi32, #tpu.memory_space<vmem>> -> memref<1x128xi32, #tpu.memory_space<vmem>>
    %dma_start3A_106 = tpu.memref_squeeze %dma_start3A_105 : memref<1x128xi32, #tpu.memory_space<vmem>> -> memref<128xi32, #tpu.memory_space<vmem>>
    %dma_start3A_107 = arith.constant 0 : i32
    %dma_start3A_108 = arith.constant 0 : i32
    %dma_start3A_109 = tpu.memref_slice %arg18[%dma_start3A_107, %dma_start3A_108] : memref<10112x16xf32, #tpu.memory_space<vmem_shared>> -> memref<10112x16xf32, #tpu.memory_space<vmem_shared>>
    tpu.enqueue_indirect_dma source(%arg12 : memref<128x16xf32, #tpu.memory_space<vmem>>) target(%dma_start3A_109 : memref<10112x16xf32, #tpu.memory_space<vmem_shared>>) offsets(%dma_start3A_106 : memref<128xi32, #tpu.memory_space<vmem>>) semaphore(%arg26 : memref<!tpu.dma_semaphore, #tpu.memory_space<semaphore_mem>>) {add = true}
    %dma_wait3A_110 = arith.constant 1 : i32
    %dma_wait3A_111 = arith.constant 0 : i32
    %dma_wait3A_112 = tpu.memref_slice %arg8[%dma_wait3A_110, %dma_wait3A_111] : memref<80x128xi32, #tpu.memory_space<vmem>> -> memref<1x128xi32, #tpu.memory_space<vmem>>
    %dma_wait3A_113 = tpu.memref_squeeze %dma_wait3A_112 : memref<1x128xi32, #tpu.memory_space<vmem>> -> memref<128xi32, #tpu.memory_space<vmem>>
    %dma_wait3A_114 = arith.constant 0 : i32
    %dma_wait3A_115 = arith.constant 0 : i32
    %dma_wait3A_116 = tpu.memref_slice %arg18[%dma_wait3A_114, %dma_wait3A_115] : memref<10112x16xf32, #tpu.memory_space<vmem_shared>> -> memref<10112x16xf32, #tpu.memory_space<vmem_shared>>
    tpu.wait_indirect_dma semaphore(%arg24 : memref<!tpu.dma_semaphore, #tpu.memory_space<semaphore_mem>>) src(%arg10 : memref<128x16xf32, #tpu.memory_space<vmem>>) dst(%dma_wait3A_116 : memref<10112x16xf32, #tpu.memory_space<vmem_shared>>)
    %dma_start3A_117 = arith.constant 5 : i32
    %dma_start3A_118 = arith.constant 0 : i32
    %dma_start3A_119 = tpu.memref_slice %arg7[%dma_start3A_117, %dma_start3A_118] : memref<80x128xi32, #tpu.memory_space<vmem>> -> memref<1x128xi32, #tpu.memory_space<vmem>>
    %dma_start3A_120 = tpu.memref_squeeze %dma_start3A_119 : memref<1x128xi32, #tpu.memory_space<vmem>> -> memref<128xi32, #tpu.memory_space<vmem>>
    %dma_start3A_121 = arith.constant 0 : i32
    %dma_start3A_122 = arith.constant 0 : i32
    %dma_start3A_123 = tpu.memref_slice %arg17[%dma_start3A_121, %dma_start3A_122] : memref<10112x16xf32, #tpu.memory_space<vmem_shared>> -> memref<10112x16xf32, #tpu.memory_space<vmem_shared>>
    tpu.enqueue_indirect_dma source(%dma_start3A_123 : memref<10112x16xf32, #tpu.memory_space<vmem_shared>>) target(%arg10 : memref<128x16xf32, #tpu.memory_space<vmem>>) offsets(%dma_start3A_120 : memref<128xi32, #tpu.memory_space<vmem>>) semaphore(%arg20 : memref<!tpu.dma_semaphore, #tpu.memory_space<semaphore_mem>>)
    %scan3A_124 = arith.constant 0 : i32
    %scan3A_125 = arith.constant 19 : i32
    %scan3A_126 = arith.addi %scan3A_124, %scan3A_125 : i32
    %scan3A_127 = arith.constant 1 : i32
    scf.for %scan3A_158 = %scan3A_124 to %scan3A_126 step %scan3A_127  : i32 {
      %mul3A_159 = arith.constant 1 : i32
      %mul3A_160 = arith.muli %scan3A_158, %mul3A_159 : i32
      %add3A_161 = arith.constant 1 : i32
      %add3A_162 = arith.addi %add3A_161, %mul3A_160 : i32
      %mul3A_163 = arith.constant 4 : i32
      %mul3A_164 = arith.muli %mul3A_163, %add3A_162 : i32
      %add3A_165 = arith.constant 0 : i32
      %add3A_166 = arith.addi %mul3A_164, %add3A_165 : i32
      %dma_wait3A_167 = arith.constant 0 : i32
      %dma_wait3A_168 = tpu.memref_slice %arg7[%add3A_166, %dma_wait3A_167] : memref<80x128xi32, #tpu.memory_space<vmem>> -> memref<1x128xi32, #tpu.memory_space<vmem>>
      %dma_wait3A_169 = tpu.memref_squeeze %dma_wait3A_168 : memref<1x128xi32, #tpu.memory_space<vmem>> -> memref<128xi32, #tpu.memory_space<vmem>>
      %dma_wait3A_170 = arith.constant 0 : i32
      %dma_wait3A_171 = arith.constant 0 : i32
      %dma_wait3A_172 = tpu.memref_slice %arg17[%dma_wait3A_170, %dma_wait3A_171] : memref<10112x16xf32, #tpu.memory_space<vmem_shared>> -> memref<10112x16xf32, #tpu.memory_space<vmem_shared>>
      tpu.wait_indirect_dma semaphore(%arg19 : memref<!tpu.dma_semaphore, #tpu.memory_space<semaphore_mem>>) src(%dma_wait3A_172 : memref<10112x16xf32, #tpu.memory_space<vmem_shared>>) dst(%arg9 : memref<128x16xf32, #tpu.memory_space<vmem>>)
      %dma_start3A_173 = arith.constant 0 : i32
      %dma_start3A_174 = tpu.memref_slice %arg8[%add3A_166, %dma_start3A_173] : memref<80x128xi32, #tpu.memory_space<vmem>> -> memref<1x128xi32, #tpu.memory_space<vmem>>
      %dma_start3A_175 = tpu.memref_squeeze %dma_start3A_174 : memref<1x128xi32, #tpu.memory_space<vmem>> -> memref<128xi32, #tpu.memory_space<vmem>>
      %dma_start3A_176 = arith.constant 0 : i32
      %dma_start3A_177 = arith.constant 0 : i32
      %dma_start3A_178 = tpu.memref_slice %arg18[%dma_start3A_176, %dma_start3A_177] : memref<10112x16xf32, #tpu.memory_space<vmem_shared>> -> memref<10112x16xf32, #tpu.memory_space<vmem_shared>>
      tpu.enqueue_indirect_dma source(%arg9 : memref<128x16xf32, #tpu.memory_space<vmem>>) target(%dma_start3A_178 : memref<10112x16xf32, #tpu.memory_space<vmem_shared>>) offsets(%dma_start3A_175 : memref<128xi32, #tpu.memory_space<vmem>>) semaphore(%arg23 : memref<!tpu.dma_semaphore, #tpu.memory_space<semaphore_mem>>) {add = true}
      %sub3A = arith.constant 2 : i32
      %sub3A_179 = arith.subi %add3A_166, %sub3A : i32
      %dma_wait3A_180 = arith.constant 0 : i32
      %dma_wait3A_181 = tpu.memref_slice %arg8[%sub3A_179, %dma_wait3A_180] : memref<80x128xi32, #tpu.memory_space<vmem>> -> memref<1x128xi32, #tpu.memory_space<vmem>>
      %dma_wait3A_182 = tpu.memref_squeeze %dma_wait3A_181 : memref<1x128xi32, #tpu.memory_space<vmem>> -> memref<128xi32, #tpu.memory_space<vmem>>
      %dma_wait3A_183 = arith.constant 0 : i32
      %dma_wait3A_184 = arith.constant 0 : i32
      %dma_wait3A_185 = tpu.memref_slice %arg18[%dma_wait3A_183, %dma_wait3A_184] : memref<10112x16xf32, #tpu.memory_space<vmem_shared>> -> memref<10112x16xf32, #tpu.memory_space<vmem_shared>>
      tpu.wait_indirect_dma semaphore(%arg25 : memref<!tpu.dma_semaphore, #tpu.memory_space<semaphore_mem>>) src(%arg11 : memref<128x16xf32, #tpu.memory_space<vmem>>) dst(%dma_wait3A_185 : memref<10112x16xf32, #tpu.memory_space<vmem_shared>>)
      %add3A_186 = arith.constant 2 : i32
      %add3A_187 = arith.addi %add3A_166, %add3A_186 : i32
      %min3A = arith.constant 79 : i32
      %min3A_188 = arith.minsi %add3A_187, %min3A : i32
      %dma_start3A_189 = arith.constant 0 : i32
      %dma_start3A_190 = tpu.memref_slice %arg7[%min3A_188, %dma_start3A_189] : memref<80x128xi32, #tpu.memory_space<vmem>> -> memref<1x128xi32, #tpu.memory_space<vmem>>
      %dma_start3A_191 = tpu.memref_squeeze %dma_start3A_190 : memref<1x128xi32, #tpu.memory_space<vmem>> -> memref<128xi32, #tpu.memory_space<vmem>>
      %dma_start3A_192 = arith.constant 0 : i32
      %dma_start3A_193 = arith.constant 0 : i32
      %dma_start3A_194 = tpu.memref_slice %arg17[%dma_start3A_192, %dma_start3A_193] : memref<10112x16xf32, #tpu.memory_space<vmem_shared>> -> memref<10112x16xf32, #tpu.memory_space<vmem_shared>>
      tpu.enqueue_indirect_dma source(%dma_start3A_194 : memref<10112x16xf32, #tpu.memory_space<vmem_shared>>) target(%arg11 : memref<128x16xf32, #tpu.memory_space<vmem>>) offsets(%dma_start3A_191 : memref<128xi32, #tpu.memory_space<vmem>>) semaphore(%arg21 : memref<!tpu.dma_semaphore, #tpu.memory_space<semaphore_mem>>)
      %add3A_195 = arith.constant 1 : i32
      %add3A_196 = arith.addi %mul3A_164, %add3A_195 : i32
      %dma_wait3A_197 = arith.constant 0 : i32
      %dma_wait3A_198 = tpu.memref_slice %arg7[%add3A_196, %dma_wait3A_197] : memref<80x128xi32, #tpu.memory_space<vmem>> -> memref<1x128xi32, #tpu.memory_space<vmem>>
      %dma_wait3A_199 = tpu.memref_squeeze %dma_wait3A_198 : memref<1x128xi32, #tpu.memory_space<vmem>> -> memref<128xi32, #tpu.memory_space<vmem>>
      %dma_wait3A_200 = arith.constant 0 : i32
      %dma_wait3A_201 = arith.constant 0 : i32
      %dma_wait3A_202 = tpu.memref_slice %arg17[%dma_wait3A_200, %dma_wait3A_201] : memref<10112x16xf32, #tpu.memory_space<vmem_shared>> -> memref<10112x16xf32, #tpu.memory_space<vmem_shared>>
      tpu.wait_indirect_dma semaphore(%arg20 : memref<!tpu.dma_semaphore, #tpu.memory_space<semaphore_mem>>) src(%dma_wait3A_202 : memref<10112x16xf32, #tpu.memory_space<vmem_shared>>) dst(%arg10 : memref<128x16xf32, #tpu.memory_space<vmem>>)
      %dma_start3A_203 = arith.constant 0 : i32
      %dma_start3A_204 = tpu.memref_slice %arg8[%add3A_196, %dma_start3A_203] : memref<80x128xi32, #tpu.memory_space<vmem>> -> memref<1x128xi32, #tpu.memory_space<vmem>>
      %dma_start3A_205 = tpu.memref_squeeze %dma_start3A_204 : memref<1x128xi32, #tpu.memory_space<vmem>> -> memref<128xi32, #tpu.memory_space<vmem>>
      %dma_start3A_206 = arith.constant 0 : i32
      %dma_start3A_207 = arith.constant 0 : i32
      %dma_start3A_208 = tpu.memref_slice %arg18[%dma_start3A_206, %dma_start3A_207] : memref<10112x16xf32, #tpu.memory_space<vmem_shared>> -> memref<10112x16xf32, #tpu.memory_space<vmem_shared>>
      tpu.enqueue_indirect_dma source(%arg10 : memref<128x16xf32, #tpu.memory_space<vmem>>) target(%dma_start3A_208 : memref<10112x16xf32, #tpu.memory_space<vmem_shared>>) offsets(%dma_start3A_205 : memref<128xi32, #tpu.memory_space<vmem>>) semaphore(%arg24 : memref<!tpu.dma_semaphore, #tpu.memory_space<semaphore_mem>>) {add = true}
      %sub3A_209 = arith.constant 2 : i32
      %sub3A_210 = arith.subi %add3A_196, %sub3A_209 : i32
      %dma_wait3A_211 = arith.constant 0 : i32
      %dma_wait3A_212 = tpu.memref_slice %arg8[%sub3A_210, %dma_wait3A_211] : memref<80x128xi32, #tpu.memory_space<vmem>> -> memref<1x128xi32, #tpu.memory_space<vmem>>
      %dma_wait3A_213 = tpu.memref_squeeze %dma_wait3A_212 : memref<1x128xi32, #tpu.memory_space<vmem>> -> memref<128xi32, #tpu.memory_space<vmem>>
      %dma_wait3A_214 = arith.constant 0 : i32
      %dma_wait3A_215 = arith.constant 0 : i32
      %dma_wait3A_216 = tpu.memref_slice %arg18[%dma_wait3A_214, %dma_wait3A_215] : memref<10112x16xf32, #tpu.memory_space<vmem_shared>> -> memref<10112x16xf32, #tpu.memory_space<vmem_shared>>
      tpu.wait_indirect_dma semaphore(%arg26 : memref<!tpu.dma_semaphore, #tpu.memory_space<semaphore_mem>>) src(%arg12 : memref<128x16xf32, #tpu.memory_space<vmem>>) dst(%dma_wait3A_216 : memref<10112x16xf32, #tpu.memory_space<vmem_shared>>)
      %add3A_217 = arith.constant 2 : i32
      %add3A_218 = arith.addi %add3A_196, %add3A_217 : i32
      %min3A_219 = arith.constant 79 : i32
      %min3A_220 = arith.minsi %add3A_218, %min3A_219 : i32
      %dma_start3A_221 = arith.constant 0 : i32
      %dma_start3A_222 = tpu.memref_slice %arg7[%min3A_220, %dma_start3A_221] : memref<80x128xi32, #tpu.memory_space<vmem>> -> memref<1x128xi32, #tpu.memory_space<vmem>>
      %dma_start3A_223 = tpu.memref_squeeze %dma_start3A_222 : memref<1x128xi32, #tpu.memory_space<vmem>> -> memref<128xi32, #tpu.memory_space<vmem>>
      %dma_start3A_224 = arith.constant 0 : i32
      %dma_start3A_225 = arith.constant 0 : i32
      %dma_start3A_226 = tpu.memref_slice %arg17[%dma_start3A_224, %dma_start3A_225] : memref<10112x16xf32, #tpu.memory_space<vmem_shared>> -> memref<10112x16xf32, #tpu.memory_space<vmem_shared>>
      tpu.enqueue_indirect_dma source(%dma_start3A_226 : memref<10112x16xf32, #tpu.memory_space<vmem_shared>>) target(%arg12 : memref<128x16xf32, #tpu.memory_space<vmem>>) offsets(%dma_start3A_223 : memref<128xi32, #tpu.memory_space<vmem>>) semaphore(%arg22 : memref<!tpu.dma_semaphore, #tpu.memory_space<semaphore_mem>>)
      %add3A_227 = arith.constant 2 : i32
      %add3A_228 = arith.addi %mul3A_164, %add3A_227 : i32
      %dma_wait3A_229 = arith.constant 0 : i32
      %dma_wait3A_230 = tpu.memref_slice %arg7[%add3A_228, %dma_wait3A_229] : memref<80x128xi32, #tpu.memory_space<vmem>> -> memref<1x128xi32, #tpu.memory_space<vmem>>
      %dma_wait3A_231 = tpu.memref_squeeze %dma_wait3A_230 : memref<1x128xi32, #tpu.memory_space<vmem>> -> memref<128xi32, #tpu.memory_space<vmem>>
      %dma_wait3A_232 = arith.constant 0 : i32
      %dma_wait3A_233 = arith.constant 0 : i32
      %dma_wait3A_234 = tpu.memref_slice %arg17[%dma_wait3A_232, %dma_wait3A_233] : memref<10112x16xf32, #tpu.memory_space<vmem_shared>> -> memref<10112x16xf32, #tpu.memory_space<vmem_shared>>
      tpu.wait_indirect_dma semaphore(%arg21 : memref<!tpu.dma_semaphore, #tpu.memory_space<semaphore_mem>>) src(%dma_wait3A_234 : memref<10112x16xf32, #tpu.memory_space<vmem_shared>>) dst(%arg11 : memref<128x16xf32, #tpu.memory_space<vmem>>)
      %dma_start3A_235 = arith.constant 0 : i32
      %dma_start3A_236 = tpu.memref_slice %arg8[%add3A_228, %dma_start3A_235] : memref<80x128xi32, #tpu.memory_space<vmem>> -> memref<1x128xi32, #tpu.memory_space<vmem>>
      %dma_start3A_237 = tpu.memref_squeeze %dma_start3A_236 : memref<1x128xi32, #tpu.memory_space<vmem>> -> memref<128xi32, #tpu.memory_space<vmem>>
      %dma_start3A_238 = arith.constant 0 : i32
      %dma_start3A_239 = arith.constant 0 : i32
      %dma_start3A_240 = tpu.memref_slice %arg18[%dma_start3A_238, %dma_start3A_239] : memref<10112x16xf32, #tpu.memory_space<vmem_shared>> -> memref<10112x16xf32, #tpu.memory_space<vmem_shared>>
      tpu.enqueue_indirect_dma source(%arg11 : memref<128x16xf32, #tpu.memory_space<vmem>>) target(%dma_start3A_240 : memref<10112x16xf32, #tpu.memory_space<vmem_shared>>) offsets(%dma_start3A_237 : memref<128xi32, #tpu.memory_space<vmem>>) semaphore(%arg25 : memref<!tpu.dma_semaphore, #tpu.memory_space<semaphore_mem>>) {add = true}
      %sub3A_241 = arith.constant 2 : i32
      %sub3A_242 = arith.subi %add3A_228, %sub3A_241 : i32
      %dma_wait3A_243 = arith.constant 0 : i32
      %dma_wait3A_244 = tpu.memref_slice %arg8[%sub3A_242, %dma_wait3A_243] : memref<80x128xi32, #tpu.memory_space<vmem>> -> memref<1x128xi32, #tpu.memory_space<vmem>>
      %dma_wait3A_245 = tpu.memref_squeeze %dma_wait3A_244 : memref<1x128xi32, #tpu.memory_space<vmem>> -> memref<128xi32, #tpu.memory_space<vmem>>
      %dma_wait3A_246 = arith.constant 0 : i32
      %dma_wait3A_247 = arith.constant 0 : i32
      %dma_wait3A_248 = tpu.memref_slice %arg18[%dma_wait3A_246, %dma_wait3A_247] : memref<10112x16xf32, #tpu.memory_space<vmem_shared>> -> memref<10112x16xf32, #tpu.memory_space<vmem_shared>>
      tpu.wait_indirect_dma semaphore(%arg23 : memref<!tpu.dma_semaphore, #tpu.memory_space<semaphore_mem>>) src(%arg9 : memref<128x16xf32, #tpu.memory_space<vmem>>) dst(%dma_wait3A_248 : memref<10112x16xf32, #tpu.memory_space<vmem_shared>>)
      %add3A_249 = arith.constant 2 : i32
      %add3A_250 = arith.addi %add3A_228, %add3A_249 : i32
      %min3A_251 = arith.constant 79 : i32
      %min3A_252 = arith.minsi %add3A_250, %min3A_251 : i32
      %dma_start3A_253 = arith.constant 0 : i32
      %dma_start3A_254 = tpu.memref_slice %arg7[%min3A_252, %dma_start3A_253] : memref<80x128xi32, #tpu.memory_space<vmem>> -> memref<1x128xi32, #tpu.memory_space<vmem>>
      %dma_start3A_255 = tpu.memref_squeeze %dma_start3A_254 : memref<1x128xi32, #tpu.memory_space<vmem>> -> memref<128xi32, #tpu.memory_space<vmem>>
      %dma_start3A_256 = arith.constant 0 : i32
      %dma_start3A_257 = arith.constant 0 : i32
      %dma_start3A_258 = tpu.memref_slice %arg17[%dma_start3A_256, %dma_start3A_257] : memref<10112x16xf32, #tpu.memory_space<vmem_shared>> -> memref<10112x16xf32, #tpu.memory_space<vmem_shared>>
      tpu.enqueue_indirect_dma source(%dma_start3A_258 : memref<10112x16xf32, #tpu.memory_space<vmem_shared>>) target(%arg9 : memref<128x16xf32, #tpu.memory_space<vmem>>) offsets(%dma_start3A_255 : memref<128xi32, #tpu.memory_space<vmem>>) semaphore(%arg19 : memref<!tpu.dma_semaphore, #tpu.memory_space<semaphore_mem>>)
      %add3A_259 = arith.constant 3 : i32
      %add3A_260 = arith.addi %mul3A_164, %add3A_259 : i32
      %dma_wait3A_261 = arith.constant 0 : i32
      %dma_wait3A_262 = tpu.memref_slice %arg7[%add3A_260, %dma_wait3A_261] : memref<80x128xi32, #tpu.memory_space<vmem>> -> memref<1x128xi32, #tpu.memory_space<vmem>>
      %dma_wait3A_263 = tpu.memref_squeeze %dma_wait3A_262 : memref<1x128xi32, #tpu.memory_space<vmem>> -> memref<128xi32, #tpu.memory_space<vmem>>
      %dma_wait3A_264 = arith.constant 0 : i32
      %dma_wait3A_265 = arith.constant 0 : i32
      %dma_wait3A_266 = tpu.memref_slice %arg17[%dma_wait3A_264, %dma_wait3A_265] : memref<10112x16xf32, #tpu.memory_space<vmem_shared>> -> memref<10112x16xf32, #tpu.memory_space<vmem_shared>>
      tpu.wait_indirect_dma semaphore(%arg22 : memref<!tpu.dma_semaphore, #tpu.memory_space<semaphore_mem>>) src(%dma_wait3A_266 : memref<10112x16xf32, #tpu.memory_space<vmem_shared>>) dst(%arg12 : memref<128x16xf32, #tpu.memory_space<vmem>>)
      %dma_start3A_267 = arith.constant 0 : i32
      %dma_start3A_268 = tpu.memref_slice %arg8[%add3A_260, %dma_start3A_267] : memref<80x128xi32, #tpu.memory_space<vmem>> -> memref<1x128xi32, #tpu.memory_space<vmem>>
      %dma_start3A_269 = tpu.memref_squeeze %dma_start3A_268 : memref<1x128xi32, #tpu.memory_space<vmem>> -> memref<128xi32, #tpu.memory_space<vmem>>
      %dma_start3A_270 = arith.constant 0 : i32
      %dma_start3A_271 = arith.constant 0 : i32
      %dma_start3A_272 = tpu.memref_slice %arg18[%dma_start3A_270, %dma_start3A_271] : memref<10112x16xf32, #tpu.memory_space<vmem_shared>> -> memref<10112x16xf32, #tpu.memory_space<vmem_shared>>
      tpu.enqueue_indirect_dma source(%arg12 : memref<128x16xf32, #tpu.memory_space<vmem>>) target(%dma_start3A_272 : memref<10112x16xf32, #tpu.memory_space<vmem_shared>>) offsets(%dma_start3A_269 : memref<128xi32, #tpu.memory_space<vmem>>) semaphore(%arg26 : memref<!tpu.dma_semaphore, #tpu.memory_space<semaphore_mem>>) {add = true}
      %sub3A_273 = arith.constant 2 : i32
      %sub3A_274 = arith.subi %add3A_260, %sub3A_273 : i32
      %dma_wait3A_275 = arith.constant 0 : i32
      %dma_wait3A_276 = tpu.memref_slice %arg8[%sub3A_274, %dma_wait3A_275] : memref<80x128xi32, #tpu.memory_space<vmem>> -> memref<1x128xi32, #tpu.memory_space<vmem>>
      %dma_wait3A_277 = tpu.memref_squeeze %dma_wait3A_276 : memref<1x128xi32, #tpu.memory_space<vmem>> -> memref<128xi32, #tpu.memory_space<vmem>>
      %dma_wait3A_278 = arith.constant 0 : i32
      %dma_wait3A_279 = arith.constant 0 : i32
      %dma_wait3A_280 = tpu.memref_slice %arg18[%dma_wait3A_278, %dma_wait3A_279] : memref<10112x16xf32, #tpu.memory_space<vmem_shared>> -> memref<10112x16xf32, #tpu.memory_space<vmem_shared>>
      tpu.wait_indirect_dma semaphore(%arg24 : memref<!tpu.dma_semaphore, #tpu.memory_space<semaphore_mem>>) src(%arg10 : memref<128x16xf32, #tpu.memory_space<vmem>>) dst(%dma_wait3A_280 : memref<10112x16xf32, #tpu.memory_space<vmem_shared>>)
      %add3A_281 = arith.constant 2 : i32
      %add3A_282 = arith.addi %add3A_260, %add3A_281 : i32
      %min3A_283 = arith.constant 79 : i32
      %min3A_284 = arith.minsi %add3A_282, %min3A_283 : i32
      %dma_start3A_285 = arith.constant 0 : i32
      %dma_start3A_286 = tpu.memref_slice %arg7[%min3A_284, %dma_start3A_285] : memref<80x128xi32, #tpu.memory_space<vmem>> -> memref<1x128xi32, #tpu.memory_space<vmem>>
      %dma_start3A_287 = tpu.memref_squeeze %dma_start3A_286 : memref<1x128xi32, #tpu.memory_space<vmem>> -> memref<128xi32, #tpu.memory_space<vmem>>
      %dma_start3A_288 = arith.constant 0 : i32
      %dma_start3A_289 = arith.constant 0 : i32
      %dma_start3A_290 = tpu.memref_slice %arg17[%dma_start3A_288, %dma_start3A_289] : memref<10112x16xf32, #tpu.memory_space<vmem_shared>> -> memref<10112x16xf32, #tpu.memory_space<vmem_shared>>
      tpu.enqueue_indirect_dma source(%dma_start3A_290 : memref<10112x16xf32, #tpu.memory_space<vmem_shared>>) target(%arg10 : memref<128x16xf32, #tpu.memory_space<vmem>>) offsets(%dma_start3A_287 : memref<128xi32, #tpu.memory_space<vmem>>) semaphore(%arg20 : memref<!tpu.dma_semaphore, #tpu.memory_space<semaphore_mem>>)
    }
    %scan3A_128 = arith.constant 19 : i32
    %dma_wait3A_129 = arith.constant 78 : i32
    %dma_wait3A_130 = arith.constant 0 : i32
    %dma_wait3A_131 = tpu.memref_slice %arg8[%dma_wait3A_129, %dma_wait3A_130] : memref<80x128xi32, #tpu.memory_space<vmem>> -> memref<1x128xi32, #tpu.memory_space<vmem>>
    %dma_wait3A_132 = tpu.memref_squeeze %dma_wait3A_131 : memref<1x128xi32, #tpu.memory_space<vmem>> -> memref<128xi32, #tpu.memory_space<vmem>>
    %dma_wait3A_133 = arith.constant 0 : i32
    %dma_wait3A_134 = arith.constant 0 : i32
    %dma_wait3A_135 = tpu.memref_slice %arg18[%dma_wait3A_133, %dma_wait3A_134] : memref<10112x16xf32, #tpu.memory_space<vmem_shared>> -> memref<10112x16xf32, #tpu.memory_space<vmem_shared>>
    tpu.wait_indirect_dma semaphore(%arg25 : memref<!tpu.dma_semaphore, #tpu.memory_space<semaphore_mem>>) src(%arg11 : memref<128x16xf32, #tpu.memory_space<vmem>>) dst(%dma_wait3A_135 : memref<10112x16xf32, #tpu.memory_space<vmem_shared>>)
    %dma_wait3A_136 = arith.constant 79 : i32
    %dma_wait3A_137 = arith.constant 0 : i32
    %dma_wait3A_138 = tpu.memref_slice %arg8[%dma_wait3A_136, %dma_wait3A_137] : memref<80x128xi32, #tpu.memory_space<vmem>> -> memref<1x128xi32, #tpu.memory_space<vmem>>
    %dma_wait3A_139 = tpu.memref_squeeze %dma_wait3A_138 : memref<1x128xi32, #tpu.memory_space<vmem>> -> memref<128xi32, #tpu.memory_space<vmem>>
    %dma_wait3A_140 = arith.constant 0 : i32
    %dma_wait3A_141 = arith.constant 0 : i32
    %dma_wait3A_142 = tpu.memref_slice %arg18[%dma_wait3A_140, %dma_wait3A_141] : memref<10112x16xf32, #tpu.memory_space<vmem_shared>> -> memref<10112x16xf32, #tpu.memory_space<vmem_shared>>
    tpu.wait_indirect_dma semaphore(%arg26 : memref<!tpu.dma_semaphore, #tpu.memory_space<semaphore_mem>>) src(%arg12 : memref<128x16xf32, #tpu.memory_space<vmem>>) dst(%dma_wait3A_142 : memref<10112x16xf32, #tpu.memory_space<vmem_shared>>)
    %dma_wait3A_143 = arith.constant 79 : i32
    %dma_wait3A_144 = arith.constant 0 : i32
    %dma_wait3A_145 = tpu.memref_slice %arg7[%dma_wait3A_143, %dma_wait3A_144] : memref<80x128xi32, #tpu.memory_space<vmem>> -> memref<1x128xi32, #tpu.memory_space<vmem>>
    %dma_wait3A_146 = tpu.memref_squeeze %dma_wait3A_145 : memref<1x128xi32, #tpu.memory_space<vmem>> -> memref<128xi32, #tpu.memory_space<vmem>>
    %dma_wait3A_147 = arith.constant 0 : i32
    %dma_wait3A_148 = arith.constant 0 : i32
    %dma_wait3A_149 = tpu.memref_slice %arg17[%dma_wait3A_147, %dma_wait3A_148] : memref<10112x16xf32, #tpu.memory_space<vmem_shared>> -> memref<10112x16xf32, #tpu.memory_space<vmem_shared>>
    tpu.wait_indirect_dma semaphore(%arg19 : memref<!tpu.dma_semaphore, #tpu.memory_space<semaphore_mem>>) src(%dma_wait3A_149 : memref<10112x16xf32, #tpu.memory_space<vmem_shared>>) dst(%arg9 : memref<128x16xf32, #tpu.memory_space<vmem>>)
    %dma_wait3A_150 = arith.constant 79 : i32
    %dma_wait3A_151 = arith.constant 0 : i32
    %dma_wait3A_152 = tpu.memref_slice %arg7[%dma_wait3A_150, %dma_wait3A_151] : memref<80x128xi32, #tpu.memory_space<vmem>> -> memref<1x128xi32, #tpu.memory_space<vmem>>
    %dma_wait3A_153 = tpu.memref_squeeze %dma_wait3A_152 : memref<1x128xi32, #tpu.memory_space<vmem>> -> memref<128xi32, #tpu.memory_space<vmem>>
    %dma_wait3A_154 = arith.constant 0 : i32
    %dma_wait3A_155 = arith.constant 0 : i32
    %dma_wait3A_156 = tpu.memref_slice %arg17[%dma_wait3A_154, %dma_wait3A_155] : memref<10112x16xf32, #tpu.memory_space<vmem_shared>> -> memref<10112x16xf32, #tpu.memory_space<vmem_shared>>
    tpu.wait_indirect_dma semaphore(%arg20 : memref<!tpu.dma_semaphore, #tpu.memory_space<semaphore_mem>>) src(%dma_wait3A_156 : memref<10112x16xf32, #tpu.memory_space<vmem_shared>>) dst(%arg10 : memref<128x16xf32, #tpu.memory_space<vmem>>)
    %barrier3A_157 = arith.constant 0 : index
    tpu.barrier barrier_id(%barrier3A_157)
    "tpu.region"() ({
      %run_scoped3A_158 = tpu.sem_alloc : memref<!tpu.dma_semaphore, #tpu.memory_space<semaphore_mem>>
      %dma_start3A_159 = arith.constant 0 : i32
      %dma_start3A_160 = tpu.memref_slice %arg6[%arg0, %mul3A_2, %dma_start3A_159] : memref<2x10112x16xf32, #tpu.memory_space<hbm>> -> memref<1x632x16xf32, #tpu.memory_space<hbm>>
      %dma_start3A_161 = tpu.memref_squeeze %dma_start3A_160 : memref<1x632x16xf32, #tpu.memory_space<hbm>> -> memref<632x16xf32, #tpu.memory_space<hbm>>
      %dma_start3A_162 = arith.constant 0 : i32
      %dma_start3A_163 = tpu.memref_slice %arg18[%mul3A_2, %dma_start3A_162] : memref<10112x16xf32, #tpu.memory_space<vmem_shared>> -> memref<632x16xf32, #tpu.memory_space<vmem_shared>>
      tpu.enqueue_dma source(%dma_start3A_163 : memref<632x16xf32, #tpu.memory_space<vmem_shared>>) target(%dma_start3A_161 : memref<632x16xf32, #tpu.memory_space<hbm>>) target_semaphore(%run_scoped3A_158 : memref<!tpu.dma_semaphore, #tpu.memory_space<semaphore_mem>>)
      %dma_wait3A_164 = arith.constant 0 : i32
      %dma_wait3A_165 = tpu.memref_slice %arg6[%arg0, %mul3A_2, %dma_wait3A_164] : memref<2x10112x16xf32, #tpu.memory_space<hbm>> -> memref<1x632x16xf32, #tpu.memory_space<hbm>>
      %dma_wait3A_166 = tpu.memref_squeeze %dma_wait3A_165 : memref<1x632x16xf32, #tpu.memory_space<hbm>> -> memref<632x16xf32, #tpu.memory_space<hbm>>
      %dma_wait3A_167 = arith.constant 0 : i32
      %dma_wait3A_168 = tpu.memref_slice %arg18[%mul3A_2, %dma_wait3A_167] : memref<10112x16xf32, #tpu.memory_space<vmem_shared>> -> memref<632x16xf32, #tpu.memory_space<vmem_shared>>
      tpu.wait_dma2 semaphore(%run_scoped3A_158 : memref<!tpu.dma_semaphore, #tpu.memory_space<semaphore_mem>>) src(%dma_wait3A_168 : memref<632x16xf32, #tpu.memory_space<vmem_shared>>) dst(%dma_wait3A_166 : memref<632x16xf32, #tpu.memory_space<hbm>>)
      tpu.yield
    }) : () -> ()
    return
  }
}

module attributes {stable_mosaic.version = 14 : i64} {
  func.func @f(%arg0: memref<10000x128xf32, #tpu.memory_space<vmem>>, %arg1: memref<16x128xf32, #tpu.memory_space<vmem>>, %arg2: memref<10112x16xf32, #tpu.memory_space<vmem>>) attributes {dimension_semantics = [], scalar_prefetch = 0 : i64, scratch_operands = 0 : i64, tpu.core_type = #tpu.core_type<tc>} {
    %get3A = arith.constant 0 : index
    %get3A_0 = arith.constant 0 : index
    %get3A_1 = vector.load %arg0[%get3A, %get3A_0] : memref<10000x128xf32, #tpu.memory_space<vmem>>, vector<10000x128xf32>
    %get3A_2 = arith.constant 0 : index
    %get3A_3 = arith.constant 0 : index
    %get3A_4 = vector.load %arg1[%get3A_2, %get3A_3] : memref<16x128xf32, #tpu.memory_space<vmem>>, vector<16x128xf32>
    %dot_general3A = arith.constant dense<0.000000e+00> : vector<10000x16xf32>
    %dot_general3A_5 = tpu.matmul %get3A_1, %get3A_4, %dot_general3A {dimension_numbers = #tpu.dot_dimension_numbers<[1], [1], [0], [0], [0, 0, 1, 0], [], []>, transpose_lhs_hint = false} : vector<10000x128xf32>, vector<16x128xf32>, vector<10000x16xf32> -> vector<10000x16xf32>
    %swap3A = arith.constant 0 : index
    %swap3A_6 = arith.constant 0 : index
    %swap3A_7 = vector.load %arg2[%swap3A, %swap3A_6] : memref<10112x16xf32, #tpu.memory_space<vmem>>, vector<10000x16xf32>
    tpu.vector_store %arg2[%swap3A, %swap3A_6], %dot_general3A_5 {strides = array<i32>} : memref<10112x16xf32, #tpu.memory_space<vmem>>, vector<10000x16xf32>,
    %broadcast_in_dim3A = arith.constant 0.000000e+00 : f32
    %broadcast_in_dim3A_8 = vector.broadcast %broadcast_in_dim3A : f32 to vector<112x16xf32>
    %swap3A_9 = arith.constant 10000 : index
    %swap3A_10 = arith.constant 0 : index
    %swap3A_11 = vector.load %arg2[%swap3A_9, %swap3A_10] : memref<10112x16xf32, #tpu.memory_space<vmem>>, vector<112x16xf32>
    tpu.vector_store %arg2[%swap3A_9, %swap3A_10], %broadcast_in_dim3A_8 {strides = array<i32>} : memref<10112x16xf32, #tpu.memory_space<vmem>>, vector<112x16xf32>,
    return
  }
}

module attributes {stable_mosaic.version = 14 : i64} {
  func.func @f(%arg0: memref<2x10112x16xf32, #tpu.memory_space<vmem>>, %arg1: memref<10112x16xf32, #tpu.memory_space<vmem>>, %arg2: memref<2x10112x16xf32, #tpu.memory_space<vmem>>, %arg3: memref<2x10112x16xf32, #tpu.memory_space<vmem>>, %arg4: memref<1x16xf32, #tpu.memory_space<vmem>>, %arg5: memref<10112x16xf32, #tpu.memory_space<vmem>>) attributes {dimension_semantics = [], scalar_prefetch = 0 : i64, scratch_operands = 0 : i64, tpu.core_type = #tpu.core_type<tc>} {
    %get3A = arith.constant 0 : index
    %get3A_0 = arith.constant 0 : index
    %get3A_1 = arith.constant 0 : index
    %get3A_2 = vector.load %arg0[%get3A, %get3A_0, %get3A_1] : memref<2x10112x16xf32, #tpu.memory_space<vmem>>, vector<1x10112x16xf32>
    %get3A_3 = vector.shape_cast %get3A_2 : vector<1x10112x16xf32> to vector<10112x16xf32>
    %add3A = arith.constant 1.000000e+00 : f32
    %add3A_4 = vector.broadcast %add3A : f32 to vector<10112x16xf32>
    %add3A_5 = arith.addf %add3A_4, %get3A_3 : vector<10112x16xf32>
    %get3A_6 = arith.constant 1 : index
    %get3A_7 = arith.constant 0 : index
    %get3A_8 = arith.constant 0 : index
    %get3A_9 = vector.load %arg0[%get3A_6, %get3A_7, %get3A_8] : memref<2x10112x16xf32, #tpu.memory_space<vmem>>, vector<1x10112x16xf32>
    %get3A_10 = vector.shape_cast %get3A_9 : vector<1x10112x16xf32> to vector<10112x16xf32>
    %add3A_11 = arith.addf %add3A_5, %get3A_10 : vector<10112x16xf32>
    %rsqrt3A = math.rsqrt %add3A_11 : vector<10112x16xf32>
    %get3A_12 = arith.constant 0 : index
    %get3A_13 = arith.constant 0 : index
    %get3A_14 = vector.load %arg1[%get3A_12, %get3A_13] : memref<10112x16xf32, #tpu.memory_space<vmem>>, vector<10112x16xf32>
    %mul3A = arith.mulf %rsqrt3A, %get3A_14 : vector<10112x16xf32>
    %mul3A_15 = arith.mulf %rsqrt3A, %rsqrt3A : vector<10112x16xf32>
    %get3A_16 = arith.constant 0 : index
    %get3A_17 = arith.constant 0 : index
    %get3A_18 = arith.constant 0 : index
    %get3A_19 = vector.load %arg2[%get3A_16, %get3A_17, %get3A_18] : memref<2x10112x16xf32, #tpu.memory_space<vmem>>, vector<1x10112x16xf32>
    %get3A_20 = vector.shape_cast %get3A_19 : vector<1x10112x16xf32> to vector<10112x16xf32>
    %get3A_21 = arith.constant 1 : index
    %get3A_22 = arith.constant 0 : index
    %get3A_23 = arith.constant 0 : index
    %get3A_24 = vector.load %arg2[%get3A_21, %get3A_22, %get3A_23] : memref<2x10112x16xf32, #tpu.memory_space<vmem>>, vector<1x10112x16xf32>
    %get3A_25 = vector.shape_cast %get3A_24 : vector<1x10112x16xf32> to vector<10112x16xf32>
    %add3A_26 = arith.addf %get3A_20, %get3A_25 : vector<10112x16xf32>
    %add3A_27 = arith.addf %add3A_26, %mul3A : vector<10112x16xf32>
    %mul3A_28 = arith.mulf %mul3A_15, %add3A_27 : vector<10112x16xf32>
    %get3A_29 = arith.constant 0 : index
    %get3A_30 = arith.constant 0 : index
    %get3A_31 = arith.constant 0 : index
    %get3A_32 = vector.load %arg3[%get3A_29, %get3A_30, %get3A_31] : memref<2x10112x16xf32, #tpu.memory_space<vmem>>, vector<1x10112x16xf32>
    %get3A_33 = vector.shape_cast %get3A_32 : vector<1x10112x16xf32> to vector<10112x16xf32>
    %get3A_34 = arith.constant 1 : index
    %get3A_35 = arith.constant 0 : index
    %get3A_36 = arith.constant 0 : index
    %get3A_37 = vector.load %arg3[%get3A_34, %get3A_35, %get3A_36] : memref<2x10112x16xf32, #tpu.memory_space<vmem>>, vector<1x10112x16xf32>
    %get3A_38 = vector.shape_cast %get3A_37 : vector<1x10112x16xf32> to vector<10112x16xf32>
    %add3A_39 = arith.addf %get3A_33, %get3A_38 : vector<10112x16xf32>
    %add3A_40 = arith.addf %add3A_39, %mul3A_28 : vector<10112x16xf32>
    %mul3A_41 = arith.mulf %rsqrt3A, %add3A_40 : vector<10112x16xf32>
    %get3A_42 = arith.constant 0 : index
    %get3A_43 = arith.constant 0 : index
    %get3A_44 = vector.load %arg4[%get3A_42, %get3A_43] : memref<1x16xf32, #tpu.memory_space<vmem>>, vector<1x16xf32>
    %add3A_45 = vector.broadcast %get3A_44 : vector<1x16xf32> to vector<10112x16xf32>
    %add3A_46 = arith.addf %mul3A_41, %add3A_45 : vector<10112x16xf32>
    %reduce_max3A = arith.constant dense<0xFF800000> : vector<10112xf32>
    %reduce_max3A_47 = vector.multi_reduction <maximumf>, %add3A_46, %reduce_max3A [1] : vector<10112x16xf32> to vector<10112xf32>
    %broadcast_in_dim3A = vector.shape_cast %reduce_max3A_47 : vector<10112xf32> to vector<10112x1xf32>
    %sub3A = vector.broadcast %broadcast_in_dim3A : vector<10112x1xf32> to vector<10112x16xf32>
    %sub3A_48 = arith.subf %add3A_46, %sub3A : vector<10112x16xf32>
    %exp3A = math.exp %sub3A_48 : vector<10112x16xf32>
    %reduce_sum3A = arith.constant dense<0.000000e+00> : vector<10112xf32>
    %reduce_sum3A_49 = vector.multi_reduction <add>, %exp3A, %reduce_sum3A [1] : vector<10112x16xf32> to vector<10112xf32>
    %broadcast_in_dim3A_50 = vector.shape_cast %reduce_sum3A_49 : vector<10112xf32> to vector<10112x1xf32>
    %sub3A_51 = vector.broadcast %broadcast_in_dim3A : vector<10112x1xf32> to vector<10112x16xf32>
    %sub3A_52 = arith.subf %add3A_46, %sub3A_51 : vector<10112x16xf32>
    %log3A = math.log %broadcast_in_dim3A_50 : vector<10112x1xf32>
    %sub3A_53 = vector.broadcast %log3A : vector<10112x1xf32> to vector<10112x16xf32>
    %sub3A_54 = arith.subf %sub3A_52, %sub3A_53 : vector<10112x16xf32>
    %swap3A = arith.constant 0 : index
    %swap3A_55 = arith.constant 0 : index
    %swap3A_56 = vector.load %arg5[%swap3A, %swap3A_55] : memref<10112x16xf32, #tpu.memory_space<vmem>>, vector<10112x16xf32>
    tpu.vector_store %arg5[%swap3A, %swap3A_55], %sub3A_54 {strides = array<i32>} : memref<10112x16xf32, #tpu.memory_space<vmem>>, vector<10112x16xf32>,
    return
  }
}

</mosaic_0001>

<sc_bundles>
// kernel: kernel.10.cloned.1.call-start
scs
__scs_entry_jumppad:
0x0: {  	(pc) =	sbr.rel $0x88, $3  }
0x1: {  	(tag) =	ssettag $0x0;
	lr =	simm.s32 $0x1  }
0x2: {  	[smem:$0x3F9D] =	sst lr;
	_ =	strace $0xD0000000  }
0x3: {  	_ = 	snop  }
0x4: {  	_ = 	snop  }
0x5: {  	_ = 	snop  }
0x6: {  	_ = 	snop  }
0x7: {  	_ = 	snop  }
__scs_overlays_trampoline_lowered:
0x8: {  	[smem:$0x3FAC] =	sst s0  }
0x9: {  	[smem:$0x3FAD] =	sst s1  }
0xa: {  	[smem:$0x3FAE] =	sst s2  }
0xb: {  	[smem:$0x3FAF] =	sst s3  }
0xc: {  	[smem:$0x3FB0] =	sst s4  }
0xd: {  	[smem:$0x3FB1] =	sst s5  }
0xe: {  	[smem:$0x3FB2] =	sst s6  }
0xf: {  	[smem:$0x3FB3] =	sst s7  }
0x10: {  	[smem:$0x3FB4] =	sst s8  }
0x11: {  	[smem:$0x3FB5] =	sst s9;
	s0 =	simm.s32 @!p0 $0x0  }
0x12: {  	s1 =	sld [smem:$0x3F9B];
	s0 =	simm.s32 @p0 $0x1  }
0x13: {  	[smem:$0x3FB6] =	sst s0;
	s0 =	simm.s32 @!p1 $0x0  }
0x14: {  	s2 =	sld [smem:$0x3F9A];
	s0 =	simm.s32 @p1 $0x1  }
0x15: {  	[smem:$0x3FB7] =	sst s0;
	s0 =	simm.s32 @!p2 $0x0  }
0x16: {  	s3 =	sld [smem:$0x3FDB];
	s0 =	simm.s32 @p2 $0x1  }
0x17: {  	s4 =	simm.s32 $0x1BF5;
	[smem:$0x3FB9] =	sst s0  }
0x18: {  	s0 =	sld [smem:$0x3F9C];
	_ =	swait.ge [sflag:s4], $0x0  }
0x19: {  	s7 =	sld [smem:$0x3F9D]  }
0x1a: {  	s8 =	sadd.s32 $0xFFFFE003, lr  }
0x1b: {  	s9 =	sadd.s32 $0xFFFFFEF7, lr;
	s5 =	simm.s32 $0xFFFFFFFF;
	p2 =	slt.u32 s8, $0xFFFFF086  }
0x1c: {  	p1 =	slt.u32 s9, $0xF7A;
	s5 =	simm.s32 @!p2 $0x0  }
0x1d: {  	s5 =	simm.s32 @p1 $0x1;
	p0 =	seq.s32 s7, s2  }
0x1e: {  	s7 =	smul.u32 @!p0 $0xF7A, s2;
	p2 =	seq.s32 @!p0 s5, $0x0  }
0x1f: {  	s9 =	smul.u32 $0xF7A, s1;
	s8 =	simm.s32 @!p0 $0x1BF5;
	p2 =	por !p2, p0  }
0x20: {  	[sflag:s8] =	ssyncset.s32 @!p0 $0xFFFFF086;
	s6 =	sadd.s32 @!p0 s3, s7;
	s7 =	simm.s32 @!p0 $0x108  }
0x21: {  	s3 =	sadd.s32 s3, s9;
	s6 =	sadd.s32 @!p0 $0x88, s6;
	s7 =	simm.s32 @p2 $0x1082  }
0x22: {  	[simem:s7], [sflag:s8] =	dma.local @!p0 [hbm:s6], $0xF7A  }
0x23: {  	s9 =	sor.u32 $0xD0000000, s2;
	s6 =	simm.s32 $0x108;
	_ =	swait.ge @!p0 [sflag:s8], $0x0  }
0x24: {  	s3 =	sadd.s32 $0x88, s3;
	s6 =	simm.s32 @!p1 $0x1082;
	[sflag:s4] =	ssyncset.s32 $0xFFFFF086  }
0x25: {  	[simem:s6], [sflag:s4] =	dma.local [hbm:s3], $0xF7A  }
0x26: {  	[smem:$0x3F9D] =	sst s1;
	(tag) =	ssettag s2;
	_ =	strace s9  }
0x27: {  	s1 =	sld [smem:$0x3FAD]  }
0x28: {  	s2 =	sld [smem:$0x3FAE]  }
0x29: {  	s4 =	sld [smem:$0x3FB0]  }
0x2a: {  	p0 =	seq.s32 s5, $0x0;
	s5 =	sld [smem:$0x3FB1]  }
0x2b: {  	s6 =	sld [smem:$0x3FB2]  }
0x2c: {  	s7 =	sld [smem:$0x3FB3]  }
0x2d: {  	s3 =	simm.s32 $0x108;
	s8 =	sld [smem:$0x3FB4]  }
0x2e: {  	s3 =	simm.s32 @!p0 $0x1082;
	s9 =	sld [smem:$0x3FB5]  }
0x2f: {  	lr =	sadd.s32 s0, s3;
	s0 =	sld [smem:$0x3FAC]  }
0x30: {  	s3 =	sld [smem:$0x3FAF]  }
0x31: {  	[smem:$0x3FB8] =	sst s10  }
0x32: {  	s10 =	sld [smem:$0x3FB6];
	_ =	sdelay $0x3  }
0x33: {  	p0 =	seq.s32 s10, $0x1;
	s10 =	sld [smem:$0x3FB8];
	_ =	sdelay $0x3  }
0x34: {  	[smem:$0x3FB8] =	sst s10  }
0x35: {  	s10 =	sld [smem:$0x3FB7];
	_ =	sdelay $0x3  }
0x36: {  	p1 =	seq.s32 s10, $0x1;
	s10 =	sld [smem:$0x3FB8];
	_ =	sdelay $0x3  }
0x37: {  	[smem:$0x3FB8] =	sst s10  }
0x38: {  	s10 =	sld [smem:$0x3FB9]  }
0x39: {  	_ = 	snop;
	(pc) =	sbr.ind lr, $3  }
0x3a: {  	_ = 	snop  }
0x3b: {  	_ = 	snop  }
0x3c: {  	p2 =	seq.s32 s10, $0x1;
	s10 =	sld [smem:$0x3FB8]  }
0x3d: {  	_ =	shalt  }
0x3e: {  	_ =	shalt  }
0x3f: {  	_ =	shalt  }
0x40: {  	_ =	shalt  }
0x41: {  	_ =	shalt  }
0x42: {  	_ =	shalt  }
0x43: {  	_ =	shalt  }
0x44: {  	_ =	shalt  }
0x45: {  	_ =	shalt  }
0x46: {  	_ =	shalt  }
0x47: {  	_ =	shalt  }
0x48: {  	_ =	shalt  }
0x49: {  	_ =	shalt  }
0x4a: {  	_ =	shalt  }
0x4b: {  	_ =	shalt  }
0x4c: {  	_ =	shalt  }
0x4d: {  	_ =	shalt  }
0x4e: {  	_ =	shalt  }
0x4f: {  	_ =	shalt  }
0x50: {  	_ =	shalt  }
0x51: {  	_ =	shalt  }
0x52: {  	_ =	shalt  }
0x53: {  	_ =	shalt  }
0x54: {  	_ =	shalt  }
0x55: {  	_ =	shalt  }
0x56: {  	_ =	shalt  }
0x57: {  	_ =	shalt  }
0x58: {  	_ =	shalt  }
0x59: {  	_ =	shalt  }
0x5a: {  	_ =	shalt  }
0x5b: {  	_ =	shalt  }
0x5c: {  	_ =	shalt  }
0x5d: {  	_ =	shalt  }
0x5e: {  	_ =	shalt  }
0x5f: {  	_ =	shalt  }
0x60: {  	_ =	shalt  }
0x61: {  	_ =	shalt  }
0x62: {  	_ =	shalt  }
0x63: {  	_ =	shalt  }
0x64: {  	_ =	shalt  }
0x65: {  	_ =	shalt  }
0x66: {  	_ =	shalt  }
0x67: {  	_ =	shalt  }
0x68: {  	_ =	shalt  }
0x69: {  	_ =	shalt  }
0x6a: {  	_ =	shalt  }
0x6b: {  	_ =	shalt  }
0x6c: {  	_ =	shalt  }
0x6d: {  	_ =	shalt  }
0x6e: {  	_ =	shalt  }
0x6f: {  	_ =	shalt  }
0x70: {  	_ =	shalt  }
0x71: {  	_ =	shalt  }
0x72: {  	_ =	shalt  }
0x73: {  	_ =	shalt  }
0x74: {  	_ =	shalt  }
0x75: {  	_ =	shalt  }
0x76: {  	_ =	shalt  }
0x77: {  	_ =	shalt  }
0x78: {  	_ =	shalt  }
0x79: {  	_ =	shalt  }
0x7a: {  	_ =	shalt  }
0x7b: {  	_ =	shalt  }
0x7c: {  	_ =	shalt  }
0x7d: {  	_ =	shalt  }
0x7e: {  	_ =	shalt  }
0x7f: {  	_ =	shalt  }
0x80: {  	_ =	shalt  }
0x81: {  	_ =	shalt  }
0x82: {  	_ =	shalt  }
0x83: {  	_ =	shalt  }
0x84: {  	_ =	shalt  }
0x85: {  	_ =	shalt  }
0x86: {  	_ =	shalt  }
0x87: {  	_ =	shalt  }
.Lfunc_end0:
.L_simem_size_0:
called_computation.1_lowered:
.L_overlay_start_0:
0x88: {  	s2 =	sld [smem:$0x3FD9]  }
0x89: {  	s3 =	sld [smem:$0x3FFE];
	_ =	sdelay $0x1  }
0x8a: {  	s1 =	srdreg.scid  }
0x8b: {  	s0 =	sand.u32 $0x1, s1  }
0x8c: {  	s17 =	sshll.u32 s0, $0xA;
	s2 =	sadd.s32 s3, s2  }
0x8d: {  	s2 =	sadd.s32 s2, s17  }
0x8e: {  	[smem:$0x3FC4] =	sst s2  }
0x8f: {  	_ = 	snop  }
0x90: {  	s2 =	sld [smem:$0x3FD0];
	(tm) =	ssettm $0x1  }
0x91: {  	s18 =	sld [smem:$0x3FFB];
	_ =	sdelay $0x3  }
0x92: {  	_ =	strace s18  }
0x93: {  	s3 =	sld [smem:$0x3FFC];
	_ =	sdelay $0x3  }
0x94: {  	_ =	strace s3  }
0x95: {  	s3 =	sld [smem:$0x3FFD];
	_ =	sdelay $0x3  }
0x96: {  	_ =	strace s3  }
0x97: {  	_ =	strace $0x8FFFFFFF  }
0x98: {  	s19 =	sld [smem:$0x3FDB];
	_ =	sdelay $0x1  }
0x99: {  	s4 =	simm.s32 $_scs_section_size  }
0x9a: {  	s5 =	simm.s32 $_size__tile_overlayer_lowered;
	s6 =	simm.s32 $_tile_overlayer_lowered  }
0x9b: {  	s22 =	simm.s32 $0x1BFF;
	s21 =	sshll.u32 s6, $0x1;
	s3 =	sadd.s32 s4, s19  }
0x9c: {  	s7 =	simm.s32 $0x0;
	s20 =	sshll.u32 s5, $0x1;
	s5 =	sadd.s32 s21, s3  }
0x9d: {  	[timem:s7], [sflag:s22] =	dma.local [hbm:s5], s20  }
0x9e: {  	_ =	swait.ge [sflag:s22], s20  }
0x9f: {  	s4 =	ssub.s32 $0x0, s20;
	[sflag:s22] =	ssyncset.done $0x0  }
0xa0: {  	[sflag:s22] =	ssyncadd.s32 s4;
	_ =	sdelay $0x1  }
0xa1: {  	s23 =	simm.s32 $0x1B8B  }
0xa2: {  	_ =	swait.ge [sflag:s23], $0x1  }
0xa3: {  	[sflag:s23] =	ssyncset.done $0x0  }
0xa4: {  	s25 =	simm.s32 $0x1B8E;
	s24 =	sld [smem:$0x3FFE];
	[sflag:s23] =	ssyncadd.s32 $0xFFFFFFFF  }
0xa5: {  	s26 =	simm.s32 $execute0_lowered;
	[smem:$0x3FD2] =	sst s25  }
0xa6: {  	s5 =	sshll.u32 s26, $0x1;
	_ =	strace $0x80000049;
	[dreg:$0x1] =	wrdreg $0xFFFFFFFF  }
0xa7: {  	s28 =	simm.s32 $_size_execute0_lowered;
	s3 =	sadd.s32 s3, s5;
	[dreg:$0x0] =	wrdreg $0x0  }
0xa8: {  	s5 =	sshll.u32 s28, $0x1;
	[dreg:$0x2] =	wrdreg s3  }
0xa9: {  	[dreg:$0x3] =	wrdreg s5  }
0xaa: {  	[dreg:$0x4] =	wrdreg $0xC0  }
0xab: {  	_ =	task [dreg:s7], $0x5FFFF  }
0xac: {  	[dreg:$0x1] =	wrdreg $0xFFFFFFFF  }
0xad: {  	[dreg:$0x0] =	wrdreg $0x60  }
0xae: {  	[dreg:$0x2] =	wrdreg s2  }
0xaf: {  	[dreg:$0x3] =	wrdreg s24  }
0xb0: {  	[dreg:$0x4] =	wrdreg $0x10E000  }
0xb1: {  	[dreg:$0x5] =	wrdreg $0x135800  }
0xb2: {  	[dreg:$0x6] =	wrdreg $0x9  }
0xb3: {  	_ =	task.clear_ibuf [dreg:s7], $0x7FFFF;
	_ =	strace $0x90000049  }
0xb4: {  	s29 =	simm.s32 $0x9;
	_ =	strace $0x8000004B  }
0xb5: {  	_ =	swait.ge [sflag:s29], $0x1  }
0xb6: {  	[sflag:s29] =	ssyncadd.s32 $0xFFFFFFFF  }
0xb7: {  	_ =	strace $0x9000004B  }
0xb8: {  	_ =	sfence  }
0xb9: {  	s30 =	sld [smem:$0x0];
	_ =	sdelay $0x2  }
0xba: {  	s31 =	sshll.u32 s1, $0xD;
	s1 =	sshrl.u32 s1, $0x2  }
0xbb: {  	s3 =	sand.u32 $0x4000, s31;
	s1 =	sadd.s32 s1, s30  }
0xbc: {  	s0 =	sor.u32 s3, s0;
	s1 =	sshll.u32 s1, $0x11  }
0xbd: {  	s0 =	sor.u32 s1, s0  }
0xbe: {  	s0 =	sadd.s32 $0x8F2B, s0  }
0xbf: {  	[sflag:s0] =	ssyncadd.remote.s32 $0x1  }
0xc0: {  	_ =	sfence.sel $0xFFFF  }
0xc1: {  	[dreg:$0x0] =	wrdreg $0xFFFFFFFF;
	(pc) =	sbr.abs _section_cstart, $3  }
0xc2: {  	[dreg:$0x1] =	wrdreg $0xFFFFFFFF  }
0xc3: {  	_ =	task.clear_ibuf [dreg:s7], $0x2FFFF;
	_ =	strace $0x9FFFFFFF  }
0xc4: {  	(tm) =	ssettm $0x7FFFFFFF  }
0xc5: {  	_ =	shalt  }
tec
execute0_lowered:
.L_overlay_start_1:
0x0: {  	(tag) =	ssettag $0x1  }
0x1: {  	s0 =	rddreg [dreg:$0x0]  }
0x2: {  	s1 =	rddreg [dreg:$0x1]  }
0x3: {  	s2 =	rddreg [dreg:$0x2]  }
0x4: {  	s3 =	rddreg [dreg:$0x3];
	s7 =	stileid.u32  }
0x5: {  	s5 =	srdreg.scid;
	s4 =	simm.s32 $0x0;
	s14 =	simm.s32 $0x9  }
0x6: {  	s20 =	simm.s32 $0x80;
	s21 =	simm.s32 $0x5000;
	s22 =	simm.s32 $0x5800  }
0x7: {  	s30 =	simm.s32 $0x6800;
	s31 =	simm.s32 $0x3;
	s16 =	simm.s32 $0x5  }
0x8: {  	s18 =	simm.s32 $0x4;
	s28 =	simm.s32 $0x6;
	s29 =	simm.s32 $0x7  }
0x9: {  	s17 =	simm.s32 $0x2780;
	s6 =	smul.u32 $0x2780, s7;
	s5 =	sand.u32 $0x1, s5  }
0xa: {  	[smem:$0x7FF] =	sst s4;
	s7 =	sshll.u32 s7, $0x1;
	s8 =	smul.u32 $0x27800, s5  }
0xb: {  	_ =	strace $0x8000004A;
	s7 =	sor.u32 s5, s7;
	s5 =	ssub.s32 $0x2, s5  }
0xc: {  	s9 =	sshrl.u32 s6, $0x3;
	s7 =	smul.u32 $0x500, s7;
	s11 =	sshrl.u32 s5, $0x1  }
0xd: {  	s26 =	sadd.s32 s6, s2;
	s8 =	sadd.s32 s6, s8;
	s10 =	sadd.s32 s9, s1  }
0xe: {  	s5 =	ssub.s32 s5, s11;
	s0 =	sadd.s32 s0, s9;
	[dreg:$0xa] =	wrdreg s26  }
0xf: {  	s11 =	sadd.s32 s6, s3;
	s26 =	simm.s32 $0x2;
	s8 =	sshrl.u32 s8, $0x3  }
0x10: {  	s7 =	sadd.s32 s7, s1;
	[dreg:$0x7] =	wrdreg s0;
	s24 =	sadd.s32 $0xB400, s10  }
0x11: {  	s25 =	sadd.s32 $0x10300, s10;
	s13 =	smax.u32 s5, $0x1;
	[dreg:$0x8] =	wrdreg s24  }
0x12: {  	s0 =	simm.s32 $0x8;
	s23 =	sadd.s32 $0x15200, s7;
	[dreg:$0x9] =	wrdreg s25  }
0x13: {  	s1 =	sadd.s32 s8, s1;
	s7 =	sadd.s32 $0x1400, s7;
	[dreg:$0x5] =	wrdreg s23  }
0x14: {  	s25 =	simm.s32 $0x6000;
	s24 =	simm.s32 $0x0;
	[dreg:$0x6] =	wrdreg s7  }
0x15: {  	v0 =	vimm.f32 $0.0e+00;
	s12 =	sadd.s32 $0x1F200, s1;
	s7 =	simm.s32 $0x2800;
	s23 =	simm.s32 $0x1  }
.LBB2_1:
0x16: {  	s1 =	rddreg [dreg:$0x5]  }
0x17: {  	[tilespmem:s4], [sflag:$0x9] =	stream.linear.gather [hbm4b:s1+s4], $0x2800, $0x38;
	[tilespmem:$0x15D00] =	vst v63  }
0x18: {  	_ =	swait.ge [sflag:s14], $0x2800  }
0x19: {  	[sflag:s14] =	ssyncset.done $0x0  }
0x1a: {  	s6 =	rddreg [dreg:$0x6];
	[sflag:s14] =	ssyncadd.s32 $0xFFFFD800  }
0x1b: {  	[tilespmem:s7], [sflag:$0x9] =	stream.linear.gather [hbm4b:s6+s4], $0x2800, $0x38;
	[tilespmem:$0x15D00] =	vst v63  }
0x1c: {  	_ =	swait.ge [sflag:s14], $0x2800  }
0x1d: {  	[sflag:s14] =	ssyncset.done $0x0  }
0x1e: {  	s5 =	simm.s32 $0x7000;
	s8 =	rddreg [dreg:$0x7];
	[sflag:s14] =	ssyncadd.s32 $0xFFFFD800  }
0x1f: {  	[tilespmem:s5], [sflag:$0x9] =	stream.linear.gather [hbm4b:s8+s4], $0x2780, $0x38;
	[tilespmem:$0x15D00] =	vst v63  }
0x20: {  	_ =	swait.ge [sflag:s14], $0x2780  }
0x21: {  	[sflag:s14] =	ssyncset.done $0x0  }
0x22: {  	s10 =	simm.s32 $0x9780;
	s9 =	rddreg [dreg:$0x8];
	[sflag:s14] =	ssyncadd.s32 $0xFFFFD880  }
0x23: {  	[tilespmem:s10], [sflag:$0x9] =	stream.linear.gather [hbm4b:s9+s4], $0x2780, $0x38;
	[tilespmem:$0x15D00] =	vst v63  }
0x24: {  	_ =	swait.ge [sflag:s14], $0x2780  }
0x25: {  	[sflag:s14] =	ssyncset.done $0x0  }
0x26: {  	s19 =	simm.s32 $0xBF00;
	s15 =	rddreg [dreg:$0x9];
	[sflag:s14] =	ssyncadd.s32 $0xFFFFD880  }
0x27: {  	[tilespmem:s19], [sflag:$0x9] =	stream.linear.gather [hbm4b:s15+s4], $0x2780, $0x38;
	[tilespmem:$0x15D00] =	vst v63  }
0x28: {  	_ =	swait.ge [sflag:s14], $0x2780  }
0x29: {  	[sflag:s14] =	ssyncset.done $0x0  }
0x2a: {  	s8 =	simm.s32 $0x0;
	[sflag:s14] =	ssyncadd.s32 $0xFFFFD880  }
0x2b: {  	v1 =	vld [tilespmem:s8+$0x9780];
	_ =	sdelay $0x1  }
0x2c: {  	v2 =	vld [tilespmem:s8+$0xBF00];
	_ =	sdelay $0x2  }
0x2d: {  	s5 =	simm.s32 $0x10;
	v1 =	vadd.f32 $1.000000000e+00, v1  }
0x2e: {  	v3 =	vld [tilespmem:s5+$0x9780]  }
0x2f: {  	v1 =	vadd.f32 v2, v1  }
0x30: {  	v2 =	vld [tilespmem:s5+$0xBF00]  }
0x31: {  	v4 =	vshra.s32 v1, $0x1;
	v5 =	vmul.f32 $5.000000000e-01, v1  }
0x32: {  	s15 =	simm.s32 $0x20;
	v1 =	vsub.s32 $0x5F3759DF, v4  }
0x33: {  	v3 =	vadd.f32 $1.000000000e+00, v3;
	v4 =	vld [tilespmem:s15+$0x9780];
	v6 =	vmul.f32 v1, v5;
	_ =	sdelay $0x1  }
0x34: {  	v2 =	vadd.f32 v2, v3;
	v3 =	vld [tilespmem:s15+$0xBF00];
	v6 =	vmul.f32 v1, v6;
	_ =	sdelay $0x1  }
0x35: {  	v7 =	vshra.s32 v2, $0x1;
	v8 =	vmul.f32 $5.000000000e-01, v2;
	v2 =	vsub.f32 $1.500000000e+00, v6  }
0x36: {  	s1 =	simm.s32 $0x30;
	v4 =	vadd.f32 $1.000000000e+00, v4;
	v6 =	vsub.s32 $0x5F3759DF, v7  }
0x37: {  	v7 =	vld [tilespmem:s1+$0x9780];
	v9 =	vmul.f32 v6, v8;
	v1 =	vmul.f32 v1, v2  }
0x38: {  	v2 =	vadd.f32 v3, v4  }
0x39: {  	v3 =	vld [tilespmem:s1+$0xBF00];
	v4 =	vmul.f32 v6, v9;
	v9 =	vmul.f32 v1, v5  }
0x3a: {  	v11 =	vshra.s32 v2, $0x1;
	v2 =	vmul.f32 $5.000000000e-01, v2  }
0x3b: {  	s6 =	simm.s32 $0x40;
	v4 =	vsub.f32 $1.500000000e+00, v4;
	v11 =	vsub.s32 $0x5F3759DF, v11;
	v9 =	vmul.f32 v9, v1  }
0x3c: {  	v10 =	vld [tilespmem:s6+$0x9780];
	v7 =	vadd.f32 $1.000000000e+00, v7;
	v12 =	vmul.f32 v11, v2  }
0x3d: {  	v6 =	vmul.f32 v6, v4;
	v4 =	vsub.f32 $1.500000000e+00, v9  }
0x3e: {  	v3 =	vadd.f32 v3, v7;
	v7 =	vld [tilespmem:s6+$0xBF00];
	v9 =	vmul.f32 v11, v12  }
0x3f: {  	v12 =	vmul.f32 v6, v8;
	v14 =	vmul.f32 v4, v1  }
0x40: {  	v4 =	vshra.s32 v3, $0x1;
	v1 =	vmul.f32 $5.000000000e-01, v3;
	v3 =	vsub.f32 $1.500000000e+00, v9  }
0x41: {  	s7 =	simm.s32 $0x50;
	v10 =	vadd.f32 $1.000000000e+00, v10;
	v9 =	vmul.f32 v12, v6;
	v5 =	vmul.f32 v14, v5  }
0x42: {  	v13 =	vld [tilespmem:s7+$0x9780];
	v15 =	vsub.s32 $0x5F3759DF, v4;
	v4 =	vmul.f32 v11, v3  }
0x43: {  	v3 =	vadd.f32 v7, v10;
	v9 =	vsub.f32 $1.500000000e+00, v9;
	v10 =	vmul.f32 v5, v14  }
0x44: {  	v12 =	vmul.f32 v15, v1  }
0x45: {  	v7 =	vld [tilespmem:s7+$0xBF00];
	v5 =	vmul.f32 v9, v6;
	v9 =	vsub.f32 $1.500000000e+00, v10  }
0x46: {  	s9 =	simm.s32 $0x60;
	v16 =	vld [tilespmem:s8+$0x7000];
	v12 =	vmul.f32 v15, v12  }
0x47: {  	v11 =	vadd.f32 $1.000000000e+00, v13;
	v13 =	vmul.f32 v4, v2;
	v19 =	vmul.f32 v9, v14;
	v9 =	vld [tilespmem:s9+$0x9780]  }
0x48: {  	v17 =	vshra.s32 v3, $0x1;
	v3 =	vmul.f32 $5.000000000e-01, v3;
	v18 =	vsub.f32 $1.500000000e+00, v12  }
0x49: {  	v6 =	vsub.s32 $0x5F3759DF, v17;
	v13 =	vmul.f32 v13, v4;
	v63 =	vmul.f32 v5, v8  }
0x4a: {  	v12 =	vmul.f32 v6, v3;
	v10 =	vadd.f32 v7, v11;
	v8 =	vmul.f32 v15, v18  }
0x4b: {  	s10 =	simm.s32 $0x1C0;
	v7 =	vld [tilespmem:s9+$0xBF00];
	v13 =	vsub.f32 $1.500000000e+00, v13;
	v14 =	vmul.f32 v63, v5;
	v11 =	vmul.f32 v19, v16  }
.LBB2_2:
0x4c: {  	s19 =	sshra.s32 s10, $0x2;
	v15 =	vadd.f32 $1.000000000e+00, v9;
	v12 =	vmul.f32 v6, v12;
	v16 =	vmul.f32 v8, v1;
	v17 =	vld [tilespmem:s5+$0x7000];
	p0 =	sne.s32 s10, $0x9DC0  }
.Ltmp0:
0x4d: {  	v18 =	vshra.s32 v10, $0x1;
	v9 =	vld [tilespmem:s19+$0x9780];
	v13 =	vmul.f32 v13, v4;
	v14 =	vsub.f32 $1.500000000e+00, v14;
	[tilespmem:s8+$0xE680] =	vst v11;
	v4 =	vmovc v8;
	s8 =	smov.u32 s5;
	s5 =	smov.u32 s15;
	(pc) =	sbr.rel @p0 .LBB2_2-.Ltmp0, $4  }
0x4e: {  	v19 =	vmul.f32 $5.000000000e-01, v10;
	s15 =	smov.u32 s1;
	s1 =	smov.u32 s6;
	s6 =	smov.u32 s7;
	v8 =	vsub.f32 $1.500000000e+00, v12;
	v11 =	vmul.f32 v16, v4  }
0x4f: {  	s7 =	smov.u32 s9;
	s9 =	smov.u32 s19;
	v16 =	vsub.s32 $0x5F3759DF, v18;
	v18 =	vmul.f32 v13, v2;
	v20 =	vmul.f32 v14, v5;
	v5 =	vmovc v13;
	v2 =	vmovc v1  }
0x50: {  	v12 =	vmul.f32 v16, v19;
	v1 =	vmovc v3;
	v10 =	vadd.f32 v7, v15;
	v8 =	vmul.f32 v6, v8  }
0x51: {  	s10 =	sadd.s32 $0x40, s10;
	v3 =	vmovc v19;
	v13 =	vsub.f32 $1.500000000e+00, v11;
	v6 =	vmovc v16;
	v7 =	vld [tilespmem:s9+$0xBF00];
	v14 =	vmul.f32 v18, v5;
	v11 =	vmul.f32 v20, v17  }
0x52: {  	_ = 	snop  }
0x53: {  	v9 =	vadd.f32 $1.000000000e+00, v9;
	v12 =	vmul.f32 v6, v12;
	v15 =	vmul.f32 v8, v1  }
0x54: {  	v16 =	vshra.s32 v10, $0x1;
	v44 =	vmul.f32 $5.000000000e-01, v10;
	v4 =	vmul.f32 v13, v4  }
0x55: {  	v43 =	vsub.f32 $1.500000000e+00, v14;
	v46 =	vsub.s32 $0x5F3759DF, v16;
	v12 =	vsub.f32 $1.500000000e+00, v12  }
0x56: {  	v45 =	vmul.f32 v15, v8;
	v47 =	vmul.f32 v46, v44;
	v7 =	vadd.f32 v7, v9  }
0x57: {  	v2 =	vmul.f32 v4, v2;
	v5 =	vmul.f32 v43, v5  }
0x58: {  	v48 =	vld [tilespmem:s5+$0x7000];
	v49 =	vmul.f32 v6, v12;
	v50 =	vshra.s32 v7, $0x1;
	v7 =	vmul.f32 $5.000000000e-01, v7  }
0x59: {  	v14 =	vsub.f32 $1.500000000e+00, v45;
	v9 =	vmul.f32 v46, v47;
	v12 =	vsub.s32 $0x5F3759DF, v50  }
0x5a: {  	v51 =	vmul.f32 v49, v3;
	v17 =	vmul.f32 v12, v7  }
0x5b: {  	[tilespmem:s8+$0xE680] =	vst v11;
	v2 =	vmul.f32 v2, v4;
	v52 =	vmul.f32 v14, v8  }
0x5c: {  	v11 =	vld [tilespmem:s15+$0x7000];
	v9 =	vsub.f32 $1.500000000e+00, v9;
	v53 =	vmul.f32 v51, v49;
	v54 =	vmul.f32 v12, v17  }
0x5d: {  	v5 =	vmul.f32 v5, v48;
	v2 =	vsub.f32 $1.500000000e+00, v2;
	v1 =	vmul.f32 v52, v1  }
0x5e: {  	v9 =	vmul.f32 v46, v9;
	v55 =	vsub.f32 $1.500000000e+00, v53;
	v56 =	vsub.f32 $1.500000000e+00, v54  }
0x5f: {  	v2 =	vmul.f32 v2, v4;
	v1 =	vmul.f32 v1, v52  }
0x60: {  	v4 =	vmul.f32 v55, v49;
	v57 =	vmul.f32 v12, v56  }
0x61: {  	[tilespmem:s5+$0xE680] =	vst v5;
	v58 =	vmul.f32 v9, v44;
	v2 =	vmul.f32 v2, v11  }
0x62: {  	v59 =	vld [tilespmem:s1+$0x7000];
	v3 =	vmul.f32 v4, v3;
	v12 =	vmul.f32 v57, v7  }
0x63: {  	v1 =	vsub.f32 $1.500000000e+00, v1;
	v5 =	vmul.f32 v58, v9  }
0x64: {  	[tilespmem:s15+$0xE680] =	vst v2;
	v2 =	vmul.f32 v3, v4;
	v3 =	vmul.f32 v12, v57  }
0x65: {  	v1 =	vmul.f32 v1, v52;
	v5 =	vsub.f32 $1.500000000e+00, v5;
	v60 =	vld [tilespmem:s6+$0x7000]  }
0x66: {  	v2 =	vsub.f32 $1.500000000e+00, v2;
	v3 =	vsub.f32 $1.500000000e+00, v3  }
0x67: {  	v1 =	vmul.f32 v1, v59;
	v5 =	vmul.f32 v5, v9  }
0x68: {  	v2 =	vmul.f32 v2, v4;
	v3 =	vmul.f32 v3, v57  }
0x69: {  	v61 =	vmul.f32 v5, v44  }
0x6a: {  	[tilespmem:s1+$0xE680] =	vst v1;
	v1 =	vmul.f32 v2, v60;
	v2 =	vmul.f32 v3, v7  }
0x6b: {  	v4 =	vmul.f32 v61, v5  }
0x6c: {  	v62 =	vld [tilespmem:s7+$0x7000];
	[tilespmem:s6+$0xE680] =	vst v1;
	v1 =	vmul.f32 v2, v3  }
0x6d: {  	v63 =	vld [tilespmem:s9+$0x7000];
	v2 =	vsub.f32 $1.500000000e+00, v4  }
0x6e: {  	v1 =	vsub.f32 $1.500000000e+00, v1  }
0x6f: {  	v2 =	vmul.f32 v2, v5  }
0x70: {  	v1 =	vmul.f32 v1, v3  }
0x71: {  	v2 =	vmul.f32 v2, v62  }
0x72: {  	v1 =	vmul.f32 v1, v63  }
0x73: {  	[tilespmem:s7+$0xE680] =	vst v2  }
0x74: {  	s19 =	rddreg [dreg:$0xa];
	s6 =	simm.s32 $0xE680;
	[tilespmem:s9+$0xE680] =	vst v1  }
0x75: {  	[spmem:s19] =	stream.linear.scatter [tilespmem:s6], [sflag:$0x9], $0x2780, $0x38;
	[tilespmem:$0x15D00] =	vst v63  }
0x76: {  	_ =	swait.ge [sflag:s14], $0x2780  }
0x77: {  	[sflag:s14] =	ssyncset.done $0x0  }
0x78: {  	s5 =	simm.s32 $0x0;
	s1 =	simm.s32 $0x40;
	[sflag:s14] =	ssyncadd.s32 $0xFFFFD880  }
.LBB2_4:
0x79: {  	p0 =	sne.s32 s1, $0x9DC0;
	[tilespmem:s5+$0xE680] =	vst v0;
	s5 =	smov.u32 s1;
	s1 =	sadd.s32 $0x40, s1  }
.Ltmp1:
0x7a: {  	(pc) =	sbr.rel @p0 .LBB2_4-.Ltmp1, $2  }
0x7b: {  	_ =	sdelay $0x2  }
0x7c: {  	s5 =	sshra.s32 s5, $0x2  }
0x7d: {  	[tilespmem:s5+$0xE680] =	vst v0  }
0x7e: {  	[spmem:s11] =	stream.linear.scatter [tilespmem:s6], [sflag:$0x9], $0x2780, $0x38;
	[tilespmem:$0x15D00] =	vst v63  }
0x7f: {  	_ =	swait.ge [sflag:s14], $0x2780  }
0x80: {  	[sflag:s14] =	ssyncset.done $0x0  }
0x81: {  	[sflag:s14] =	ssyncadd.s32 $0xFFFFD880  }
0x82: {  	s1 =	simm.s32 $0x0;
	[bflag:$0x0] =	sbarrier.arrive $0xFFFF  }
0x83: {  	[tilespmem:s21], [sflag:$0x1] =	stream.indirect.gather [spmem:s2], $0x10, s1, s20, $0xb8;
	[tilespmem:$0x15D00] =	vst v63  }
0x84: {  	_ = 	snop  }
0x85: {  	[tilespmem:s22], [sflag:$0x2] =	stream.indirect.gather [spmem:s2], $0x10, s20, s20, $0xb8;
	[tilespmem:$0x15D00] =	vst v63  }
0x86: {  	_ =	swait.ge [sflag:s23], $0x800  }
0x87: {  	[sflag:s23] =	ssyncset.done $0x0  }
0x88: {  	s7 =	simm.s32 $0x2800;
	[sflag:s23] =	ssyncadd.s32 $0xFFFFF800  }
0x89: {  	[spmem:s3] =	stream.indirect.scatter.add.f32 [tilespmem:s21], [sflag:$0x5], $0x10, s7, s20, $0xb8;
	[tilespmem:$0x15D00] =	vst v63  }
0x8a: {  	s5 =	simm.s32 $0x100  }
0x8b: {  	[tilespmem:s25], [sflag:$0x3] =	stream.indirect.gather [spmem:s2], $0x10, s5, s20, $0xb8;
	[tilespmem:$0x15D00] =	vst v63  }
0x8c: {  	_ =	swait.ge [sflag:s26], $0x800  }
0x8d: {  	[sflag:s26] =	ssyncset.done $0x0  }
0x8e: {  	s6 =	simm.s32 $0x2880;
	[sflag:s26] =	ssyncadd.s32 $0xFFFFF800  }
0x8f: {  	[spmem:s3] =	stream.indirect.scatter.add.f32 [tilespmem:s22], [sflag:$0x6], $0x10, s6, s20, $0xb8;
	[tilespmem:$0x15D00] =	vst v63  }
0x90: {  	s8 =	simm.s32 $0x180  }
0x91: {  	[tilespmem:s30], [sflag:$0x4] =	stream.indirect.gather [spmem:s2], $0x10, s8, s20, $0xb8;
	[tilespmem:$0x15D00] =	vst v63  }
0x92: {  	_ =	swait.ge [sflag:s31], $0x800  }
0x93: {  	[sflag:s31] =	ssyncset.done $0x0  }
0x94: {  	s9 =	simm.s32 $0x2900;
	[sflag:s31] =	ssyncadd.s32 $0xFFFFF800  }
0x95: {  	[spmem:s3] =	stream.indirect.scatter.add.f32 [tilespmem:s25], [sflag:$0x7], $0x10, s9, s20, $0xb8;
	[tilespmem:$0x15D00] =	vst v63  }
0x96: {  	_ =	swait.ge [sflag:s16], $0x800  }
0x97: {  	[sflag:s16] =	ssyncset.done $0x0  }
0x98: {  	s10 =	simm.s32 $0x200;
	[sflag:s16] =	ssyncadd.s32 $0xFFFFF800  }
0x99: {  	[tilespmem:s21], [sflag:$0x1] =	stream.indirect.gather [spmem:s2], $0x10, s10, s20, $0xb8;
	[tilespmem:$0x15D00] =	vst v63  }
0x9a: {  	_ =	swait.ge [sflag:s18], $0x800  }
0x9b: {  	[sflag:s18] =	ssyncset.done $0x0  }
0x9c: {  	s15 =	simm.s32 $0x2980;
	[sflag:s18] =	ssyncadd.s32 $0xFFFFF800  }
0x9d: {  	[spmem:s3] =	stream.indirect.scatter.add.f32 [tilespmem:s30], [sflag:$0x8], $0x10, s15, s20, $0xb8;
	[tilespmem:$0x15D00] =	vst v63  }
0x9e: {  	_ =	swait.ge [sflag:s28], $0x800  }
0x9f: {  	[sflag:s28] =	ssyncset.done $0x0  }
0xa0: {  	s19 =	simm.s32 $0x280;
	[sflag:s28] =	ssyncadd.s32 $0xFFFFF800  }
0xa1: {  	[tilespmem:s22], [sflag:$0x2] =	stream.indirect.gather [spmem:s2], $0x10, s19, s20, $0xb8;
	[tilespmem:$0x15D00] =	vst v63  }
0xa2: {  	_ =	swait.ge [sflag:s23], $0x800  }
0xa3: {  	[sflag:s23] =	ssyncset.done $0x0  }
0xa4: {  	s5 =	simm.s32 $0x2A00;
	[sflag:s23] =	ssyncadd.s32 $0xFFFFF800  }
0xa5: {  	[spmem:s3] =	stream.indirect.scatter.add.f32 [tilespmem:s21], [sflag:$0x5], $0x10, s5, s20, $0xb8;
	[tilespmem:$0x15D00] =	vst v63  }
0xa6: {  	_ =	swait.ge [sflag:s29], $0x800  }
0xa7: {  	[sflag:s29] =	ssyncset.done $0x0  }
0xa8: {  	s6 =	simm.s32 $0x300;
	[sflag:s29] =	ssyncadd.s32 $0xFFFFF800  }
0xa9: {  	[tilespmem:s25], [sflag:$0x3] =	stream.indirect.gather [spmem:s2], $0x10, s6, s20, $0xb8;
	[tilespmem:$0x15D00] =	vst v63  }
0xaa: {  	_ =	swait.ge [sflag:s26], $0x800  }
0xab: {  	[sflag:s26] =	ssyncset.done $0x0  }
0xac: {  	s8 =	simm.s32 $0x2A80;
	[sflag:s26] =	ssyncadd.s32 $0xFFFFF800  }
0xad: {  	[spmem:s3] =	stream.indirect.scatter.add.f32 [tilespmem:s22], [sflag:$0x6], $0x10, s8, s20, $0xb8;
	[tilespmem:$0x15D00] =	vst v63  }
0xae: {  	_ =	swait.ge [sflag:s0], $0x800  }
0xaf: {  	[sflag:s0] =	ssyncset.done $0x0  }
0xb0: {  	s9 =	simm.s32 $0x380;
	[sflag:s0] =	ssyncadd.s32 $0xFFFFF800  }
0xb1: {  	[tilespmem:s30], [sflag:$0x4] =	stream.indirect.gather [spmem:s2], $0x10, s9, s20, $0xb8;
	[tilespmem:$0x15D00] =	vst v63  }
0xb2: {  	_ =	swait.ge [sflag:s31], $0x800  }
0xb3: {  	[sflag:s31] =	ssyncset.done $0x0  }
0xb4: {  	s10 =	simm.s32 $0x2B00;
	[sflag:s31] =	ssyncadd.s32 $0xFFFFF800  }
0xb5: {  	[spmem:s3] =	stream.indirect.scatter.add.f32 [tilespmem:s25], [sflag:$0x7], $0x10, s10, s20, $0xb8;
	[tilespmem:$0x15D00] =	vst v63  }
0xb6: {  	_ =	swait.ge [sflag:s16], $0x800  }
0xb7: {  	[sflag:s16] =	ssyncset.done $0x0  }
0xb8: {  	s15 =	simm.s32 $0x400;
	[sflag:s16] =	ssyncadd.s32 $0xFFFFF800  }
0xb9: {  	[tilespmem:s21], [sflag:$0x1] =	stream.indirect.gather [spmem:s2], $0x10, s15, s20, $0xb8;
	[tilespmem:$0x15D00] =	vst v63  }
0xba: {  	_ =	swait.ge [sflag:s18], $0x800  }
0xbb: {  	[sflag:s18] =	ssyncset.done $0x0  }
0xbc: {  	s19 =	simm.s32 $0x2B80;
	[sflag:s18] =	ssyncadd.s32 $0xFFFFF800  }
0xbd: {  	[spmem:s3] =	stream.indirect.scatter.add.f32 [tilespmem:s30], [sflag:$0x8], $0x10, s19, s20, $0xb8;
	[tilespmem:$0x15D00] =	vst v63  }
0xbe: {  	_ =	swait.ge [sflag:s28], $0x800  }
0xbf: {  	[sflag:s28] =	ssyncset.done $0x0  }
0xc0: {  	s1 =	simm.s32 $0x800;
	s5 =	simm.s32 $0x480;
	[sflag:s28] =	ssyncadd.s32 $0xFFFFF800  }
.LBB2_6:
0xc1: {  	[tilespmem:s22], [sflag:$0x2] =	stream.indirect.gather [spmem:s2], $0x10, s5, s20, $0xb8;
	[tilespmem:$0x15D00] =	vst v63  }
0xc2: {  	s5 =	smov.u32 s1  }
0xc3: {  	p0 =	sne.s32 s1, $0x8800;
	s1 =	sadd.s32 $0x800, s1;
	_ =	swait.ge [sflag:s23], $0x800  }
0xc4: {  	s5 =	sshra.s32 s5, $0x2;
	[sflag:s23] =	ssyncset.done $0x0  }
0xc5: {  	s6 =	sadd.s32 $0x2A00, s5;
	[sflag:s23] =	ssyncadd.s32 $0xFFFFF800  }
0xc6: {  	[spmem:s3] =	stream.indirect.scatter.add.f32 [tilespmem:s21], [sflag:$0x5], $0x10, s6, s20, $0xb8;
	[tilespmem:$0x15D00] =	vst v63  }
0xc7: {  	_ =	swait.ge [sflag:s29], $0x800  }
0xc8: {  	[sflag:s29] =	ssyncset.done $0x0  }
0xc9: {  	s6 =	sadd.s32 $0x300, s5;
	[sflag:s29] =	ssyncadd.s32 $0xFFFFF800  }
0xca: {  	[tilespmem:s25], [sflag:$0x3] =	stream.indirect.gather [spmem:s2], $0x10, s6, s20, $0xb8;
	[tilespmem:$0x15D00] =	vst v63  }
0xcb: {  	_ =	swait.ge [sflag:s26], $0x800  }
0xcc: {  	[sflag:s26] =	ssyncset.done $0x0  }
0xcd: {  	s6 =	sadd.s32 $0x2A80, s5;
	[sflag:s26] =	ssyncadd.s32 $0xFFFFF800  }
0xce: {  	[spmem:s3] =	stream.indirect.scatter.add.f32 [tilespmem:s22], [sflag:$0x6], $0x10, s6, s20, $0xb8;
	[tilespmem:$0x15D00] =	vst v63  }
0xcf: {  	_ =	swait.ge [sflag:s0], $0x800  }
0xd0: {  	[sflag:s0] =	ssyncset.done $0x0  }
0xd1: {  	s6 =	sadd.s32 $0x380, s5;
	[sflag:s0] =	ssyncadd.s32 $0xFFFFF800  }
0xd2: {  	[tilespmem:s30], [sflag:$0x4] =	stream.indirect.gather [spmem:s2], $0x10, s6, s20, $0xb8;
	[tilespmem:$0x15D00] =	vst v63  }
0xd3: {  	_ =	swait.ge [sflag:s31], $0x800  }
0xd4: {  	[sflag:s31] =	ssyncset.done $0x0  }
0xd5: {  	s6 =	sadd.s32 $0x2B00, s5;
	[sflag:s31] =	ssyncadd.s32 $0xFFFFF800  }
0xd6: {  	[spmem:s3] =	stream.indirect.scatter.add.f32 [tilespmem:s25], [sflag:$0x7], $0x10, s6, s20, $0xb8;
	[tilespmem:$0x15D00] =	vst v63  }
0xd7: {  	_ =	swait.ge [sflag:s16], $0x800  }
0xd8: {  	[sflag:s16] =	ssyncset.done $0x0  }
0xd9: {  	s6 =	sadd.s32 $0x400, s5;
	[sflag:s16] =	ssyncadd.s32 $0xFFFFF800  }
0xda: {  	[tilespmem:s21], [sflag:$0x1] =	stream.indirect.gather [spmem:s2], $0x10, s6, s20, $0xb8;
	[tilespmem:$0x15D00] =	vst v63  }
0xdb: {  	_ =	swait.ge [sflag:s18], $0x800  }
0xdc: {  	[sflag:s18] =	ssyncset.done $0x0  }
.Ltmp2:
0xdd: {  	s6 =	sadd.s32 $0x2B80, s5;
	[sflag:s18] =	ssyncadd.s32 $0xFFFFF800;
	(pc) =	sbr.rel @p0 .LBB2_6-.Ltmp2, $4  }
0xde: {  	[spmem:s3] =	stream.indirect.scatter.add.f32 [tilespmem:s30], [sflag:$0x8], $0x10, s6, s20, $0xb8;
	[tilespmem:$0x15D00] =	vst v63  }
0xdf: {  	_ =	swait.ge [sflag:s28], $0x800  }
0xe0: {  	[sflag:s28] =	ssyncset.done $0x0  }
0xe1: {  	s5 =	sadd.s32 $0x480, s5;
	[sflag:s28] =	ssyncadd.s32 $0xFFFFF800  }
0xe2: {  	[tilespmem:s22], [sflag:$0x2] =	stream.indirect.gather [spmem:s2], $0x10, s5, s20, $0xb8;
	[tilespmem:$0x15D00] =	vst v63  }
0xe3: {  	_ =	swait.ge [sflag:s23], $0x800  }
0xe4: {  	[sflag:s23] =	ssyncset.done $0x0  }
0xe5: {  	s1 =	simm.s32 $0x4E00;
	[sflag:s23] =	ssyncadd.s32 $0xFFFFF800  }
0xe6: {  	[spmem:s3] =	stream.indirect.scatter.add.f32 [tilespmem:s21], [sflag:$0x5], $0x10, s1, s20, $0xb8;
	[tilespmem:$0x15D00] =	vst v63  }
0xe7: {  	_ =	swait.ge [sflag:s29], $0x800  }
0xe8: {  	[sflag:s29] =	ssyncset.done $0x0  }
0xe9: {  	s6 =	simm.s32 $0x2700;
	[sflag:s29] =	ssyncadd.s32 $0xFFFFF800  }
0xea: {  	[tilespmem:s25], [sflag:$0x3] =	stream.indirect.gather [spmem:s2], $0x10, s6, s20, $0xb8;
	[tilespmem:$0x15D00] =	vst v63  }
0xeb: {  	_ =	swait.ge [sflag:s26], $0x800  }
0xec: {  	[sflag:s26] =	ssyncset.done $0x0  }
0xed: {  	s8 =	simm.s32 $0x4E80;
	[sflag:s26] =	ssyncadd.s32 $0xFFFFF800  }
0xee: {  	[spmem:s3] =	stream.indirect.scatter.add.f32 [tilespmem:s22], [sflag:$0x6], $0x10, s8, s20, $0xb8;
	[tilespmem:$0x15D00] =	vst v63  }
0xef: {  	_ =	swait.ge [sflag:s0], $0x800  }
0xf0: {  	[sflag:s0] =	ssyncset.done $0x0  }
0xf1: {  	[sflag:s0] =	ssyncadd.s32 $0xFFFFF800  }
0xf2: {  	[tilespmem:s30], [sflag:$0x4] =	stream.indirect.gather [spmem:s2], $0x10, s17, s20, $0xb8;
	[tilespmem:$0x15D00] =	vst v63  }
0xf3: {  	_ =	swait.ge [sflag:s31], $0x800  }
0xf4: {  	[sflag:s31] =	ssyncset.done $0x0  }
0xf5: {  	s9 =	simm.s32 $0x4F00;
	[sflag:s31] =	ssyncadd.s32 $0xFFFFF800  }
0xf6: {  	[spmem:s3] =	stream.indirect.scatter.add.f32 [tilespmem:s25], [sflag:$0x7], $0x10, s9, s20, $0xb8;
	[tilespmem:$0x15D00] =	vst v63  }
0xf7: {  	_ =	swait.ge [sflag:s16], $0x800  }
0xf8: {  	[sflag:s16] =	ssyncset.done $0x0  }
0xf9: {  	[sflag:s16] =	ssyncadd.s32 $0xFFFFF800  }
0xfa: {  	[tilespmem:s21], [sflag:$0x1] =	stream.indirect.gather [spmem:s2], $0x10, s17, s20, $0xb8;
	[tilespmem:$0x15D00] =	vst v63  }
0xfb: {  	_ =	swait.ge [sflag:s18], $0x800  }
0xfc: {  	[sflag:s18] =	ssyncset.done $0x0  }
0xfd: {  	s10 =	simm.s32 $0x4F80;
	[sflag:s18] =	ssyncadd.s32 $0xFFFFF800  }
0xfe: {  	[spmem:s3] =	stream.indirect.scatter.add.f32 [tilespmem:s30], [sflag:$0x8], $0x10, s10, s20, $0xb8;
	[tilespmem:$0x15D00] =	vst v63  }
0xff: {  	_ =	swait.ge [sflag:s28], $0x800  }
0x100: {  	[sflag:s28] =	ssyncset.done $0x0  }
0x101: {  	[sflag:s28] =	ssyncadd.s32 $0xFFFFF800  }
0x102: {  	[tilespmem:s22], [sflag:$0x2] =	stream.indirect.gather [spmem:s2], $0x10, s17, s20, $0xb8;
	[tilespmem:$0x15D00] =	vst v63  }
0x103: {  	_ =	swait.ge [sflag:s29], $0x800  }
0x104: {  	[sflag:s29] =	ssyncset.done $0x0  }
0x105: {  	[sflag:s29] =	ssyncadd.s32 $0xFFFFF800  }
0x106: {  	_ =	swait.ge [sflag:s0], $0x800  }
0x107: {  	[sflag:s0] =	ssyncset.done $0x0  }
0x108: {  	[sflag:s0] =	ssyncadd.s32 $0xFFFFF800  }
0x109: {  	_ =	swait.ge [sflag:s23], $0x800  }
0x10a: {  	[sflag:s23] =	ssyncset.done $0x0  }
0x10b: {  	[sflag:s23] =	ssyncadd.s32 $0xFFFFF800  }
0x10c: {  	s15 =	stileid.u32;
	_ =	swait.ge [sflag:s26], $0x800  }
0x10d: {  	s19 =	sshrl.u32 s11, $0x3;
	s24 =	sadd.s32 $0x1, s24;
	[sflag:s26] =	ssyncset.done $0x0  }
0x10e: {  	p0 =	sne.s32 s24, s13;
	s1 =	sshll.u32 s15, $0x6;
	[sflag:s26] =	ssyncadd.s32 $0xFFFFF800  }
.Ltmp3:
0x10f: {  	s1 =	sor.u32 $0x1C09, s1;
	[bflag:$0x0] =	sbarrier.arrive $0xFFFF;
	(pc) =	sbr.rel @p0 .LBB2_1-.Ltmp3, $4  }
0x110: {  	[hbm:s12], [sflag:s1] =	dma.local [spmem:s19], $0x4F0  }
0x111: {  	_ =	swait.ge [sflag:s14], $0x4F0  }
0x112: {  	[sflag:s14] =	ssyncset.done $0x0  }
0x113: {  	[sflag:s14] =	ssyncadd.s32 $0xFFFFFB10  }
0x114: {  	_ =	sfence.sel $0x180000  }
0x115: {  	[bflag:$0x0] =	sbarrier.arrive $0xFFFF  }
0x116: {  	_ =	strace $0x9000004A  }
0x117: {  	s0 =	stileid.u32;
	[bflag:$0x2] =	sbarrier.arrive $0xFFFF  }
0x118: {  	p0 =	sne.s32 s0, $0x0;
	s0 =	rddreg [dreg:$0x4]  }
0x119: {  	s0 =	sadd.s32 @!p0 $0x100000, s0  }
0x11a: {  	[sflag:s0] =	ssyncadd.tile.s32 @!p0 $0x1;
	_ =	shalt  }
.Lfunc_end2:
_tile_overlayer_lowered:
.L_overlay_start_2:
0x11b: {  	(tag) =	ssettag $0x2  }
0x11c: {  	s0 =	rddreg [dreg:$0x0];
	s2 =	stileid.u32  }
0x11d: {  	s1 =	rddreg [dreg:$0x1];
	p0 =	sne.s32 s2, $0x0  }
0x11e: {  	s3 =	rddreg [dreg:$0x2];
	[bflag:$0x3] =	sbarrier.arrive $0xFFFF;
	s2 =	simm.s32 @!p0 $0x1C09  }
0x11f: {  	[timem:s3], [sflag:s2] =	dma.local @!p0 [hbm:s0], s1  }
0x120: {  	s0 =	simm.s32 @!p0 $0x9  }
0x121: {  	_ =	swait.ge @!p0 [sflag:s0], s1  }
0x122: {  	s1 =	ssub.s32 @!p0 $0x0, s1;
	[sflag:s0] =	ssyncset.done @!p0 $0x0  }
0x123: {  	[sflag:s0] =	ssyncadd.s32 @!p0 s1  }
0x124: {  	[bflag:$0x3] =	sbarrier.arrive $0xFFFF  }
0x125: {  	_ =	shalt  }

// kernel: kernel.13.cloned.1.call-start
scs
__scs_entry_jumppad:
0x0: {  	(pc) =	sbr.rel $0x88, $3  }
0x1: {  	(tag) =	ssettag $0x0;
	lr =	simm.s32 $0x1  }
0x2: {  	[smem:$0x3F9D] =	sst lr;
	_ =	strace $0xD0000000  }
0x3: {  	_ = 	snop  }
0x4: {  	_ = 	snop  }
0x5: {  	_ = 	snop  }
0x6: {  	_ = 	snop  }
0x7: {  	_ = 	snop  }
__scs_overlays_trampoline_lowered:
0x8: {  	[smem:$0x3FAC] =	sst s0  }
0x9: {  	[smem:$0x3FAD] =	sst s1  }
0xa: {  	[smem:$0x3FAE] =	sst s2  }
0xb: {  	[smem:$0x3FAF] =	sst s3  }
0xc: {  	[smem:$0x3FB0] =	sst s4  }
0xd: {  	[smem:$0x3FB1] =	sst s5  }
0xe: {  	[smem:$0x3FB2] =	sst s6  }
0xf: {  	[smem:$0x3FB3] =	sst s7  }
0x10: {  	[smem:$0x3FB4] =	sst s8  }
0x11: {  	[smem:$0x3FB5] =	sst s9;
	s0 =	simm.s32 @!p0 $0x0  }
0x12: {  	s1 =	sld [smem:$0x3F9B];
	s0 =	simm.s32 @p0 $0x1  }
0x13: {  	[smem:$0x3FB6] =	sst s0;
	s0 =	simm.s32 @!p1 $0x0  }
0x14: {  	s2 =	sld [smem:$0x3F9A];
	s0 =	simm.s32 @p1 $0x1  }
0x15: {  	[smem:$0x3FB7] =	sst s0;
	s0 =	simm.s32 @!p2 $0x0  }
0x16: {  	s3 =	sld [smem:$0x3FDB];
	s0 =	simm.s32 @p2 $0x1  }
0x17: {  	s4 =	simm.s32 $0x1BF5;
	[smem:$0x3FB9] =	sst s0  }
0x18: {  	s0 =	sld [smem:$0x3F9C];
	_ =	swait.ge [sflag:s4], $0x0  }
0x19: {  	s7 =	sld [smem:$0x3F9D]  }
0x1a: {  	s8 =	sadd.s32 $0xFFFFE003, lr  }
0x1b: {  	s9 =	sadd.s32 $0xFFFFFEF7, lr;
	s5 =	simm.s32 $0xFFFFFFFF;
	p2 =	slt.u32 s8, $0xFFFFF086  }
0x1c: {  	p1 =	slt.u32 s9, $0xF7A;
	s5 =	simm.s32 @!p2 $0x0  }
0x1d: {  	s5 =	simm.s32 @p1 $0x1;
	p0 =	seq.s32 s7, s2  }
0x1e: {  	s7 =	smul.u32 @!p0 $0xF7A, s2;
	p2 =	seq.s32 @!p0 s5, $0x0  }
0x1f: {  	s9 =	smul.u32 $0xF7A, s1;
	s8 =	simm.s32 @!p0 $0x1BF5;
	p2 =	por !p2, p0  }
0x20: {  	[sflag:s8] =	ssyncset.s32 @!p0 $0xFFFFF086;
	s6 =	sadd.s32 @!p0 s3, s7;
	s7 =	simm.s32 @!p0 $0x108  }
0x21: {  	s3 =	sadd.s32 s3, s9;
	s6 =	sadd.s32 @!p0 $0x88, s6;
	s7 =	simm.s32 @p2 $0x1082  }
0x22: {  	[simem:s7], [sflag:s8] =	dma.local @!p0 [hbm:s6], $0xF7A  }
0x23: {  	s9 =	sor.u32 $0xD0000000, s2;
	s6 =	simm.s32 $0x108;
	_ =	swait.ge @!p0 [sflag:s8], $0x0  }
0x24: {  	s3 =	sadd.s32 $0x88, s3;
	s6 =	simm.s32 @!p1 $0x1082;
	[sflag:s4] =	ssyncset.s32 $0xFFFFF086  }
0x25: {  	[simem:s6], [sflag:s4] =	dma.local [hbm:s3], $0xF7A  }
0x26: {  	[smem:$0x3F9D] =	sst s1;
	(tag) =	ssettag s2;
	_ =	strace s9  }
0x27: {  	s1 =	sld [smem:$0x3FAD]  }
0x28: {  	s2 =	sld [smem:$0x3FAE]  }
0x29: {  	s4 =	sld [smem:$0x3FB0]  }
0x2a: {  	p0 =	seq.s32 s5, $0x0;
	s5 =	sld [smem:$0x3FB1]  }
0x2b: {  	s6 =	sld [smem:$0x3FB2]  }
0x2c: {  	s7 =	sld [smem:$0x3FB3]  }
0x2d: {  	s3 =	simm.s32 $0x108;
	s8 =	sld [smem:$0x3FB4]  }
0x2e: {  	s3 =	simm.s32 @!p0 $0x1082;
	s9 =	sld [smem:$0x3FB5]  }
0x2f: {  	lr =	sadd.s32 s0, s3;
	s0 =	sld [smem:$0x3FAC]  }
0x30: {  	s3 =	sld [smem:$0x3FAF]  }
0x31: {  	[smem:$0x3FB8] =	sst s10  }
0x32: {  	s10 =	sld [smem:$0x3FB6];
	_ =	sdelay $0x3  }
0x33: {  	p0 =	seq.s32 s10, $0x1;
	s10 =	sld [smem:$0x3FB8];
	_ =	sdelay $0x3  }
0x34: {  	[smem:$0x3FB8] =	sst s10  }
0x35: {  	s10 =	sld [smem:$0x3FB7];
	_ =	sdelay $0x3  }
0x36: {  	p1 =	seq.s32 s10, $0x1;
	s10 =	sld [smem:$0x3FB8];
	_ =	sdelay $0x3  }
0x37: {  	[smem:$0x3FB8] =	sst s10  }
0x38: {  	s10 =	sld [smem:$0x3FB9]  }
0x39: {  	_ = 	snop;
	(pc) =	sbr.ind lr, $3  }
0x3a: {  	_ = 	snop  }
0x3b: {  	_ = 	snop  }
0x3c: {  	p2 =	seq.s32 s10, $0x1;
	s10 =	sld [smem:$0x3FB8]  }
0x3d: {  	_ =	shalt  }
0x3e: {  	_ =	shalt  }
0x3f: {  	_ =	shalt  }
0x40: {  	_ =	shalt  }
0x41: {  	_ =	shalt  }
0x42: {  	_ =	shalt  }
0x43: {  	_ =	shalt  }
0x44: {  	_ =	shalt  }
0x45: {  	_ =	shalt  }
0x46: {  	_ =	shalt  }
0x47: {  	_ =	shalt  }
0x48: {  	_ =	shalt  }
0x49: {  	_ =	shalt  }
0x4a: {  	_ =	shalt  }
0x4b: {  	_ =	shalt  }
0x4c: {  	_ =	shalt  }
0x4d: {  	_ =	shalt  }
0x4e: {  	_ =	shalt  }
0x4f: {  	_ =	shalt  }
0x50: {  	_ =	shalt  }
0x51: {  	_ =	shalt  }
0x52: {  	_ =	shalt  }
0x53: {  	_ =	shalt  }
0x54: {  	_ =	shalt  }
0x55: {  	_ =	shalt  }
0x56: {  	_ =	shalt  }
0x57: {  	_ =	shalt  }
0x58: {  	_ =	shalt  }
0x59: {  	_ =	shalt  }
0x5a: {  	_ =	shalt  }
0x5b: {  	_ =	shalt  }
0x5c: {  	_ =	shalt  }
0x5d: {  	_ =	shalt  }
0x5e: {  	_ =	shalt  }
0x5f: {  	_ =	shalt  }
0x60: {  	_ =	shalt  }
0x61: {  	_ =	shalt  }
0x62: {  	_ =	shalt  }
0x63: {  	_ =	shalt  }
0x64: {  	_ =	shalt  }
0x65: {  	_ =	shalt  }
0x66: {  	_ =	shalt  }
0x67: {  	_ =	shalt  }
0x68: {  	_ =	shalt  }
0x69: {  	_ =	shalt  }
0x6a: {  	_ =	shalt  }
0x6b: {  	_ =	shalt  }
0x6c: {  	_ =	shalt  }
0x6d: {  	_ =	shalt  }
0x6e: {  	_ =	shalt  }
0x6f: {  	_ =	shalt  }
0x70: {  	_ =	shalt  }
0x71: {  	_ =	shalt  }
0x72: {  	_ =	shalt  }
0x73: {  	_ =	shalt  }
0x74: {  	_ =	shalt  }
0x75: {  	_ =	shalt  }
0x76: {  	_ =	shalt  }
0x77: {  	_ =	shalt  }
0x78: {  	_ =	shalt  }
0x79: {  	_ =	shalt  }
0x7a: {  	_ =	shalt  }
0x7b: {  	_ =	shalt  }
0x7c: {  	_ =	shalt  }
0x7d: {  	_ =	shalt  }
0x7e: {  	_ =	shalt  }
0x7f: {  	_ =	shalt  }
0x80: {  	_ =	shalt  }
0x81: {  	_ =	shalt  }
0x82: {  	_ =	shalt  }
0x83: {  	_ =	shalt  }
0x84: {  	_ =	shalt  }
0x85: {  	_ =	shalt  }
0x86: {  	_ =	shalt  }
0x87: {  	_ =	shalt  }
.Lfunc_end0:
.L_simem_size_0:
called_computation.2_lowered:
.L_overlay_start_0:
0x88: {  	s2 =	sld [smem:$0x3FD9]  }
0x89: {  	s3 =	sld [smem:$0x3FFE];
	_ =	sdelay $0x1  }
0x8a: {  	s1 =	srdreg.scid  }
0x8b: {  	s0 =	sand.u32 $0x1, s1  }
0x8c: {  	s17 =	sshll.u32 s0, $0xA;
	s2 =	sadd.s32 s3, s2  }
0x8d: {  	s2 =	sadd.s32 s2, s17  }
0x8e: {  	[smem:$0x3FC4] =	sst s2  }
0x8f: {  	_ = 	snop  }
0x90: {  	s2 =	sld [smem:$0x3FD0];
	(tm) =	ssettm $0x1  }
0x91: {  	s18 =	sld [smem:$0x3FFB];
	_ =	sdelay $0x3  }
0x92: {  	_ =	strace s18  }
0x93: {  	s3 =	sld [smem:$0x3FFC];
	_ =	sdelay $0x3  }
0x94: {  	_ =	strace s3  }
0x95: {  	s3 =	sld [smem:$0x3FFD];
	_ =	sdelay $0x3  }
0x96: {  	_ =	strace s3  }
0x97: {  	_ =	strace $0x8FFFFFFF  }
0x98: {  	s19 =	sld [smem:$0x3FDB];
	_ =	sdelay $0x1  }
0x99: {  	s4 =	simm.s32 $_scs_section_size  }
0x9a: {  	s5 =	simm.s32 $_size__tile_overlayer_lowered;
	s6 =	simm.s32 $_tile_overlayer_lowered  }
0x9b: {  	s22 =	simm.s32 $0x1BFF;
	s21 =	sshll.u32 s6, $0x1;
	s3 =	sadd.s32 s4, s19  }
0x9c: {  	s7 =	simm.s32 $0x0;
	s20 =	sshll.u32 s5, $0x1;
	s5 =	sadd.s32 s21, s3  }
0x9d: {  	[timem:s7], [sflag:s22] =	dma.local [hbm:s5], s20  }
0x9e: {  	_ =	swait.ge [sflag:s22], s20  }
0x9f: {  	s4 =	ssub.s32 $0x0, s20;
	[sflag:s22] =	ssyncset.done $0x0  }
0xa0: {  	[sflag:s22] =	ssyncadd.s32 s4;
	_ =	sdelay $0x1  }
0xa1: {  	s23 =	simm.s32 $0x1B8B  }
0xa2: {  	_ =	swait.ge [sflag:s23], $0x1  }
0xa3: {  	[sflag:s23] =	ssyncset.done $0x0  }
0xa4: {  	s25 =	simm.s32 $0x1B8E;
	s24 =	sld [smem:$0x3FFE];
	[sflag:s23] =	ssyncadd.s32 $0xFFFFFFFF  }
0xa5: {  	s26 =	simm.s32 $execute0_lowered;
	[smem:$0x3FD2] =	sst s25  }
0xa6: {  	s5 =	sshll.u32 s26, $0x1;
	_ =	strace $0x8000004C;
	[dreg:$0x1] =	wrdreg $0xFFFFFFFF  }
0xa7: {  	s28 =	simm.s32 $_size_execute0_lowered;
	s3 =	sadd.s32 s3, s5;
	[dreg:$0x0] =	wrdreg $0x0  }
0xa8: {  	s5 =	sshll.u32 s28, $0x1;
	[dreg:$0x2] =	wrdreg s3  }
0xa9: {  	[dreg:$0x3] =	wrdreg s5  }
0xaa: {  	[dreg:$0x4] =	wrdreg $0xC0  }
0xab: {  	_ =	task [dreg:s7], $0x5FFFF  }
0xac: {  	[dreg:$0x1] =	wrdreg $0xFFFFFFFF  }
0xad: {  	[dreg:$0x0] =	wrdreg $0x60  }
0xae: {  	[dreg:$0x2] =	wrdreg s2  }
0xaf: {  	[dreg:$0x3] =	wrdreg s24  }
0xb0: {  	[dreg:$0x4] =	wrdreg $0x15D000  }
0xb1: {  	[dreg:$0x5] =	wrdreg $0x184800  }
0xb2: {  	[dreg:$0x6] =	wrdreg $0x9  }
0xb3: {  	_ =	task.clear_ibuf [dreg:s7], $0x7FFFF;
	_ =	strace $0x9000004C  }
0xb4: {  	s29 =	simm.s32 $0x9;
	_ =	strace $0x8000004E  }
0xb5: {  	_ =	swait.ge [sflag:s29], $0x1  }
0xb6: {  	[sflag:s29] =	ssyncadd.s32 $0xFFFFFFFF  }
0xb7: {  	_ =	strace $0x9000004E  }
0xb8: {  	_ =	sfence  }
0xb9: {  	s30 =	sld [smem:$0x0];
	_ =	sdelay $0x2  }
0xba: {  	s31 =	sshll.u32 s1, $0xD;
	s1 =	sshrl.u32 s1, $0x2  }
0xbb: {  	s3 =	sand.u32 $0x4000, s31;
	s1 =	sadd.s32 s1, s30  }
0xbc: {  	s0 =	sor.u32 s3, s0;
	s1 =	sshll.u32 s1, $0x11  }
0xbd: {  	s0 =	sor.u32 s1, s0  }
0xbe: {  	s0 =	sadd.s32 $0x8F2B, s0  }
0xbf: {  	[sflag:s0] =	ssyncadd.remote.s32 $0x1  }
0xc0: {  	_ =	sfence.sel $0xFFFF  }
0xc1: {  	[dreg:$0x0] =	wrdreg $0xFFFFFFFF;
	(pc) =	sbr.abs _section_cstart, $3  }
0xc2: {  	[dreg:$0x1] =	wrdreg $0xFFFFFFFF  }
0xc3: {  	_ =	task.clear_ibuf [dreg:s7], $0x2FFFF;
	_ =	strace $0x9FFFFFFF  }
0xc4: {  	(tm) =	ssettm $0x7FFFFFFF  }
0xc5: {  	_ =	shalt  }
tec
execute0_lowered:
.L_overlay_start_1:
0x0: {  	(tag) =	ssettag $0x1  }
0x1: {  	s0 =	rddreg [dreg:$0x0]  }
0x2: {  	s1 =	rddreg [dreg:$0x1]  }
0x3: {  	s2 =	rddreg [dreg:$0x2]  }
0x4: {  	s3 =	rddreg [dreg:$0x3];
	s5 =	srdreg.scid  }
0x5: {  	s7 =	stileid.u32;
	s4 =	simm.s32 $0x0;
	s16 =	simm.s32 $0x9  }
0x6: {  	s28 =	simm.s32 $0x1;
	s30 =	simm.s32 $0x6000;
	s31 =	simm.s32 $0x2  }
0x7: {  	s19 =	simm.s32 $0x6800;
	s20 =	simm.s32 $0x3;
	s18 =	simm.s32 $0x6  }
0x8: {  	s29 =	simm.s32 $0x7;
	s21 =	simm.s32 $0x2780;
	s5 =	sand.u32 $0x1, s5  }
0x9: {  	s6 =	smul.u32 $0x2780, s7;
	[smem:$0x7FF] =	sst s4;
	s7 =	sshll.u32 s7, $0x1  }
0xa: {  	s9 =	sadd.s32 $0xB400, s1;
	s10 =	sadd.s32 $0x1F200, s1;
	s8 =	smul.u32 $0x27800, s5  }
0xb: {  	_ =	strace $0x8000004D;
	s7 =	sor.u32 s5, s7;
	s5 =	ssub.s32 $0x2, s5  }
0xc: {  	s7 =	smul.u32 $0x500, s7;
	s11 =	sshrl.u32 s5, $0x1;
	s23 =	sshrl.u32 s6, $0x3  }
0xd: {  	s12 =	sadd.s32 s6, s2;
	s13 =	sadd.s32 s6, s3;
	s8 =	sadd.s32 s6, s8  }
0xe: {  	s5 =	ssub.s32 s5, s11;
	s0 =	sadd.s32 s0, s23;
	s24 =	sadd.s32 s9, s23  }
0xf: {  	s25 =	sadd.s32 $0x4F00, s23;
	s8 =	sshrl.u32 s8, $0x3;
	[dreg:$0x7] =	wrdreg s0  }
0x10: {  	s7 =	sadd.s32 s7, s1;
	[dreg:$0x8] =	wrdreg s24;
	s26 =	sadd.s32 s9, s25  }
0x11: {  	s0 =	sadd.s32 s10, s25;
	s15 =	smax.u32 s5, $0x1;
	s9 =	simm.s32 $0x2800  }
0x12: {  	s24 =	simm.s32 $0x80;
	s25 =	simm.s32 $0x5000;
	[dreg:$0x9] =	wrdreg s26  }
0x13: {  	s5 =	simm.s32 $0x0;
	s22 =	sadd.s32 $0x15200, s7;
	[dreg:$0xb] =	wrdreg s0  }
0x14: {  	s1 =	sadd.s32 s8, s1;
	s7 =	sadd.s32 $0x1400, s7;
	[dreg:$0x5] =	wrdreg s22  }
0x15: {  	s26 =	simm.s32 $0x5800;
	s0 =	simm.s32 $0x8;
	[dreg:$0x6] =	wrdreg s7  }
0x16: {  	s7 =	sadd.s32 s10, s23;
	s14 =	sadd.s32 $0x29000, s1;
	s23 =	simm.s32 $0xE680  }
0x17: {  	v0 =	vimm.f32 $0.0e+00;
	s22 =	simm.s32 $0x5;
	s1 =	simm.s32 $0x4;
	[dreg:$0xa] =	wrdreg s7  }
.LBB2_1:
0x18: {  	s6 =	rddreg [dreg:$0x5]  }
0x19: {  	[tilespmem:s4], [sflag:$0x9] =	stream.linear.gather [hbm4b:s6+s4], $0x2800, $0x38;
	[tilespmem:$0x1AC00] =	vst v63  }
0x1a: {  	_ =	swait.ge [sflag:s16], $0x2800  }
0x1b: {  	[sflag:s16] =	ssyncset.done $0x0  }
0x1c: {  	s8 =	rddreg [dreg:$0x6];
	[sflag:s16] =	ssyncadd.s32 $0xFFFFD800  }
0x1d: {  	[tilespmem:s9], [sflag:$0x9] =	stream.linear.gather [hbm4b:s8+s4], $0x2800, $0x38;
	[tilespmem:$0x1AC00] =	vst v63  }
0x1e: {  	_ =	swait.ge [sflag:s16], $0x2800  }
0x1f: {  	[sflag:s16] =	ssyncset.done $0x0  }
0x20: {  	s7 =	simm.s32 $0x7000;
	s10 =	rddreg [dreg:$0x7];
	[sflag:s16] =	ssyncadd.s32 $0xFFFFD800  }
0x21: {  	[tilespmem:s7], [sflag:$0x9] =	stream.linear.gather [hbm4b:s10+s4], $0x2780, $0x38;
	[tilespmem:$0x1AC00] =	vst v63  }
0x22: {  	_ =	swait.ge [sflag:s16], $0x2780  }
0x23: {  	[sflag:s16] =	ssyncset.done $0x0  }
0x24: {  	s17 =	simm.s32 $0x9780;
	s11 =	rddreg [dreg:$0x8];
	[sflag:s16] =	ssyncadd.s32 $0xFFFFD880  }
0x25: {  	[tilespmem:s17], [sflag:$0x9] =	stream.linear.gather [hbm4b:s11+s4], $0x2780, $0x38;
	[tilespmem:$0x1AC00] =	vst v63  }
0x26: {  	_ =	swait.ge [sflag:s16], $0x2780  }
0x27: {  	[sflag:s16] =	ssyncset.done $0x0  }
0x28: {  	s8 =	simm.s32 $0xBF00;
	s7 =	rddreg [dreg:$0x9];
	[sflag:s16] =	ssyncadd.s32 $0xFFFFD880  }
0x29: {  	[tilespmem:s8], [sflag:$0x9] =	stream.linear.gather [hbm4b:s7+s4], $0x2780, $0x38;
	[tilespmem:$0x1AC00] =	vst v63  }
0x2a: {  	_ =	swait.ge [sflag:s16], $0x2780  }
0x2b: {  	[sflag:s16] =	ssyncset.done $0x0  }
0x2c: {  	s10 =	simm.s32 $0x10E00;
	s9 =	rddreg [dreg:$0xa];
	[sflag:s16] =	ssyncadd.s32 $0xFFFFD880  }
0x2d: {  	[tilespmem:s10], [sflag:$0x9] =	stream.linear.gather [hbm4b:s9+s4], $0x2780, $0x38;
	[tilespmem:$0x1AC00] =	vst v63  }
0x2e: {  	_ =	swait.ge [sflag:s16], $0x2780  }
0x2f: {  	[sflag:s16] =	ssyncset.done $0x0  }
0x30: {  	s17 =	simm.s32 $0x13580;
	s11 =	rddreg [dreg:$0xb];
	[sflag:s16] =	ssyncadd.s32 $0xFFFFD880  }
0x31: {  	[tilespmem:s17], [sflag:$0x9] =	stream.linear.gather [hbm4b:s11+s4], $0x2780, $0x38;
	[tilespmem:$0x1AC00] =	vst v63  }
0x32: {  	_ =	swait.ge [sflag:s16], $0x2780  }
0x33: {  	[sflag:s16] =	ssyncset.done $0x0  }
0x34: {  	s9 =	simm.s32 $0x0;
	[sflag:s16] =	ssyncadd.s32 $0xFFFFD880  }
0x35: {  	v1 =	vld [tilespmem:s9+$0x9780];
	_ =	sdelay $0x1  }
0x36: {  	v2 =	vld [tilespmem:s9+$0xBF00];
	_ =	sdelay $0x2  }
0x37: {  	v1 =	vadd.f32 $1.000000000e+00, v1;
	_ =	sdelay $0x1  }
0x38: {  	s17 =	simm.s32 $0x10;
	v1 =	vadd.f32 v2, v1  }
0x39: {  	v2 =	vld [tilespmem:s17+$0x9780]  }
0x3a: {  	v3 =	vshra.s32 v1, $0x1;
	v4 =	vmul.f32 $5.000000000e-01, v1  }
0x3b: {  	v1 =	vld [tilespmem:s17+$0xBF00];
	v3 =	vsub.s32 $0x5F3759DF, v3  }
0x3c: {  	v5 =	vmul.f32 v3, v4;
	_ =	sdelay $0x1  }
0x3d: {  	v2 =	vadd.f32 $1.000000000e+00, v2;
	v5 =	vmul.f32 v3, v5  }
0x3e: {  	s6 =	simm.s32 $0x20  }
0x3f: {  	v1 =	vadd.f32 v1, v2;
	v2 =	vsub.f32 $1.500000000e+00, v5;
	v5 =	vld [tilespmem:s6+$0x9780];
	_ =	sdelay $0x1  }
0x40: {  	v6 =	vshra.s32 v1, $0x1;
	v7 =	vmul.f32 $5.000000000e-01, v1;
	v1 =	vld [tilespmem:s6+$0xBF00];
	v2 =	vmul.f32 v3, v2  }
0x41: {  	v3 =	vsub.s32 $0x5F3759DF, v6  }
0x42: {  	v6 =	vmul.f32 v3, v7;
	v8 =	vmul.f32 v2, v4  }
0x43: {  	v5 =	vadd.f32 $1.000000000e+00, v5  }
0x44: {  	v6 =	vmul.f32 v3, v6;
	v8 =	vmul.f32 v8, v2  }
0x45: {  	s8 =	simm.s32 $0x30;
	v1 =	vadd.f32 v1, v5  }
0x46: {  	v5 =	vsub.f32 $1.500000000e+00, v6;
	v6 =	vld [tilespmem:s8+$0x9780];
	v8 =	vsub.f32 $1.500000000e+00, v8  }
0x47: {  	v9 =	vshra.s32 v1, $0x1;
	v1 =	vmul.f32 $5.000000000e-01, v1  }
0x48: {  	v10 =	vmul.f32 v3, v5;
	v3 =	vld [tilespmem:s8+$0xBF00];
	v5 =	vsub.s32 $0x5F3759DF, v9;
	v8 =	vmul.f32 v8, v2  }
0x49: {  	v2 =	vmul.f32 v5, v1  }
0x4a: {  	v9 =	vmul.f32 v10, v7;
	v4 =	vmul.f32 v8, v4  }
0x4b: {  	v11 =	vld [tilespmem:s9+$0x7000];
	v6 =	vadd.f32 $1.000000000e+00, v6;
	v2 =	vmul.f32 v5, v2  }
0x4c: {  	v12 =	vld [tilespmem:s9+$0x10E00];
	v9 =	vmul.f32 v9, v10;
	v4 =	vmul.f32 v4, v8  }
0x4d: {  	s7 =	simm.s32 $0x40;
	v13 =	vld [tilespmem:s9+$0x13580];
	v3 =	vadd.f32 v3, v6;
	v6 =	vsub.f32 $1.500000000e+00, v2  }
0x4e: {  	v14 =	vld [tilespmem:s7+$0x9780];
	v9 =	vsub.f32 $1.500000000e+00, v9;
	v15 =	vsub.f32 $1.500000000e+00, v4  }
0x4f: {  	v4 =	vshra.s32 v3, $0x1;
	v2 =	vmul.f32 $5.000000000e-01, v3;
	v3 =	vmul.f32 v5, v6  }
0x50: {  	v16 =	vld [tilespmem:s7+$0xBF00];
	v5 =	vsub.s32 $0x5F3759DF, v4;
	v4 =	vmul.f32 v9, v10;
	v8 =	vmul.f32 v15, v8  }
0x51: {  	v6 =	vmul.f32 v5, v2;
	v9 =	vmul.f32 v3, v1  }
0x52: {  	v7 =	vmul.f32 v4, v7;
	v10 =	vmul.f32 v8, v11;
	v11 =	vadd.f32 v13, v12  }
0x53: {  	v12 =	vadd.f32 $1.000000000e+00, v14;
	v13 =	vmul.f32 v5, v6;
	v6 =	vld [tilespmem:s17+$0x7000];
	v17 =	vmul.f32 v8, v8  }
0x54: {  	v8 =	vld [tilespmem:s17+$0x13580];
	v14 =	vmul.f32 v9, v3;
	v15 =	vmul.f32 v7, v4;
	v10 =	vadd.f32 v10, v11  }
0x55: {  	s10 =	simm.s32 $0x50;
	v7 =	vld [tilespmem:s17+$0x10E00];
	v11 =	vadd.f32 v16, v12;
	v13 =	vsub.f32 $1.500000000e+00, v13  }
0x56: {  	s11 =	simm.s32 $0x180;
	v9 =	vld [tilespmem:s10+$0x9780];
	v12 =	vsub.f32 $1.500000000e+00, v14;
	v14 =	vsub.f32 $1.500000000e+00, v15;
	v10 =	vmul.f32 v10, v17  }
.LBB2_2:
0x57: {  	p0 =	sne.s32 s11, $0x9DC0;
	v15 =	vshra.s32 v11, $0x1;
	v11 =	vmul.f32 $5.000000000e-01, v11;
	v13 =	vmul.f32 v5, v13  }
0x58: {  	v16 =	vld [tilespmem:s10+$0xBF00];
	v5 =	vsub.s32 $0x5F3759DF, v15;
	v14 =	vmul.f32 v14, v4;
	v4 =	vmul.f32 v12, v3;
	[tilespmem:s9+$0xE680] =	vst v10;
	s9 =	smov.u32 s17;
	s17 =	smov.u32 s6;
	s6 =	smov.u32 s8  }
0x59: {  	s8 =	smov.u32 s7;
	s7 =	smov.u32 s10;
	v10 =	vmul.f32 v5, v11;
	v12 =	vmul.f32 v13, v2;
	v3 =	vmov v13  }
.Ltmp0:
0x5a: {  	v13 =	vmul.f32 v4, v1;
	v15 =	vmul.f32 v14, v6;
	v8 =	vadd.f32 v8, v7;
	v1 =	vmovc v2;
	(pc) =	sbr.rel @p0 .LBB2_2-.Ltmp0, $4  }
0x5b: {  	v2 =	vmovc v11;
	v9 =	vadd.f32 $1.000000000e+00, v9;
	v10 =	vmul.f32 v5, v10;
	v12 =	vmul.f32 v12, v3;
	v6 =	vld [tilespmem:s17+$0x7000]  }
0x5c: {  	v18 =	vmul.f32 v14, v14;
	v17 =	vmul.f32 v13, v4;
	v7 =	vld [tilespmem:s17+$0x10E00];
	v15 =	vadd.f32 v15, v8  }
0x5d: {  	s10 =	sshra.s32 s11, $0x2;
	v11 =	vadd.f32 v16, v9;
	v13 =	vsub.f32 $1.500000000e+00, v10;
	v8 =	vld [tilespmem:s17+$0x13580]  }
0x5e: {  	s11 =	sadd.s32 $0x40, s11;
	v12 =	vsub.f32 $1.500000000e+00, v12;
	v9 =	vld [tilespmem:s10+$0x9780];
	v14 =	vsub.f32 $1.500000000e+00, v17;
	v10 =	vmul.f32 v15, v18  }
0x5f: {  	_ = 	snop  }
0x60: {  	v15 =	vld [tilespmem:s10+$0xBF00]  }
0x61: {  	v5 =	vmul.f32 v5, v13  }
0x62: {  	v36 =	vshra.s32 v11, $0x1;
	v37 =	vmul.f32 $5.000000000e-01, v11;
	v4 =	vmul.f32 v14, v4  }
0x63: {  	v13 =	vsub.s32 $0x5F3759DF, v36;
	v38 =	vmul.f32 v5, v2;
	v9 =	vadd.f32 $1.000000000e+00, v9  }
0x64: {  	v3 =	vmul.f32 v12, v3;
	v6 =	vmul.f32 v4, v6;
	v7 =	vadd.f32 v8, v7  }
0x65: {  	v39 =	vmul.f32 v13, v37;
	v40 =	vmul.f32 v38, v5;
	v9 =	vadd.f32 v15, v9  }
0x66: {  	[tilespmem:s9+$0xE680] =	vst v10;
	v1 =	vmul.f32 v3, v1;
	v4 =	vmul.f32 v4, v4;
	v6 =	vadd.f32 v6, v7  }
0x67: {  	v41 =	vld [tilespmem:s6+$0x7000];
	v42 =	vsub.f32 $1.500000000e+00, v40;
	v43 =	vshra.s32 v9, $0x1;
	v9 =	vmul.f32 $5.000000000e-01, v9  }
0x68: {  	v44 =	vld [tilespmem:s6+$0x10E00];
	v1 =	vmul.f32 v1, v3;
	v4 =	vmul.f32 v6, v4;
	v45 =	vsub.s32 $0x5F3759DF, v43  }
0x69: {  	v46 =	vld [tilespmem:s6+$0x13580];
	v5 =	vmul.f32 v42, v5;
	v47 =	vmul.f32 v45, v9  }
0x6a: {  	v8 =	vmul.f32 v13, v39;
	v1 =	vsub.f32 $1.500000000e+00, v1  }
0x6b: {  	[tilespmem:s17+$0xE680] =	vst v4;
	v2 =	vmul.f32 v5, v2;
	v48 =	vmul.f32 v45, v47  }
0x6c: {  	v8 =	vsub.f32 $1.500000000e+00, v8;
	v1 =	vmul.f32 v1, v3;
	v3 =	vld [tilespmem:s8+$0x7000]  }
0x6d: {  	v49 =	vld [tilespmem:s8+$0x10E00];
	v2 =	vmul.f32 v2, v5;
	v4 =	vsub.f32 $1.500000000e+00, v48  }
0x6e: {  	v12 =	vadd.f32 v46, v44;
	v8 =	vmul.f32 v13, v8;
	v50 =	vld [tilespmem:s8+$0x13580];
	v7 =	vmul.f32 v1, v41  }
0x6f: {  	v2 =	vsub.f32 $1.500000000e+00, v2;
	v4 =	vmul.f32 v45, v4  }
0x70: {  	v51 =	vmul.f32 v8, v37;
	v1 =	vmul.f32 v1, v1;
	v7 =	vadd.f32 v7, v12  }
0x71: {  	v2 =	vmul.f32 v2, v5;
	v52 =	vmul.f32 v4, v9  }
0x72: {  	v6 =	vmul.f32 v51, v8;
	v1 =	vmul.f32 v7, v1  }
0x73: {  	v53 =	vadd.f32 v50, v49;
	v3 =	vmul.f32 v2, v3;
	v5 =	vmul.f32 v52, v4  }
0x74: {  	v6 =	vsub.f32 $1.500000000e+00, v6  }
0x75: {  	[tilespmem:s6+$0xE680] =	vst v1;
	v1 =	vmul.f32 v2, v2;
	v2 =	vadd.f32 v3, v53;
	v3 =	vsub.f32 $1.500000000e+00, v5  }
0x76: {  	v54 =	vmul.f32 v6, v8  }
0x77: {  	v55 =	vld [tilespmem:s7+$0x7000];
	v1 =	vmul.f32 v2, v1;
	v2 =	vmul.f32 v3, v4  }
0x78: {  	v56 =	vld [tilespmem:s7+$0x10E00];
	v3 =	vmul.f32 v54, v37  }
0x79: {  	v57 =	vld [tilespmem:s7+$0x13580];
	[tilespmem:s8+$0xE680] =	vst v1;
	v1 =	vmul.f32 v2, v9  }
0x7a: {  	v58 =	vld [tilespmem:s10+$0x7000];
	v3 =	vmul.f32 v3, v54  }
0x7b: {  	v59 =	vld [tilespmem:s10+$0x10E00];
	v1 =	vmul.f32 v1, v2  }
0x7c: {  	v60 =	vld [tilespmem:s10+$0x13580];
	v3 =	vsub.f32 $1.500000000e+00, v3  }
0x7d: {  	v1 =	vsub.f32 $1.500000000e+00, v1  }
0x7e: {  	v3 =	vmul.f32 v3, v54  }
0x7f: {  	v1 =	vmul.f32 v1, v2  }
0x80: {  	v4 =	vadd.f32 v57, v56;
	v2 =	vmul.f32 v3, v55  }
0x81: {  	v62 =	vadd.f32 v60, v59;
	v61 =	vmul.f32 v1, v58  }
0x82: {  	v3 =	vmul.f32 v3, v3;
	v2 =	vadd.f32 v2, v4  }
0x83: {  	v1 =	vmul.f32 v1, v1;
	v63 =	vadd.f32 v61, v62  }
0x84: {  	v2 =	vmul.f32 v2, v3  }
0x85: {  	v1 =	vmul.f32 v63, v1  }
0x86: {  	[tilespmem:s7+$0xE680] =	vst v2  }
0x87: {  	[tilespmem:s10+$0xE680] =	vst v1  }
0x88: {  	[spmem:s12] =	stream.linear.scatter [tilespmem:s23], [sflag:$0x9], $0x2780, $0x38;
	[tilespmem:$0x1AC00] =	vst v63  }
0x89: {  	_ =	swait.ge [sflag:s16], $0x2780  }
0x8a: {  	[sflag:s16] =	ssyncset.done $0x0  }
0x8b: {  	s6 =	simm.s32 $0x40;
	s7 =	simm.s32 $0x0;
	[sflag:s16] =	ssyncadd.s32 $0xFFFFD880  }
.LBB2_4:
0x8c: {  	p0 =	sne.s32 s6, $0x9DC0;
	[tilespmem:s7+$0xE680] =	vst v0;
	s7 =	smov.u32 s6;
	s6 =	sadd.s32 $0x40, s6  }
.Ltmp1:
0x8d: {  	(pc) =	sbr.rel @p0 .LBB2_4-.Ltmp1, $2  }
0x8e: {  	_ =	sdelay $0x2  }
0x8f: {  	s7 =	sshra.s32 s7, $0x2  }
0x90: {  	[tilespmem:s7+$0xE680] =	vst v0  }
0x91: {  	[spmem:s13] =	stream.linear.scatter [tilespmem:s23], [sflag:$0x9], $0x2780, $0x38;
	[tilespmem:$0x1AC00] =	vst v63  }
0x92: {  	_ =	swait.ge [sflag:s16], $0x2780  }
0x93: {  	[sflag:s16] =	ssyncset.done $0x0  }
0x94: {  	[sflag:s16] =	ssyncadd.s32 $0xFFFFD880  }
0x95: {  	s6 =	simm.s32 $0x0;
	[bflag:$0x0] =	sbarrier.arrive $0xFFFF  }
0x96: {  	[tilespmem:s25], [sflag:$0x1] =	stream.indirect.gather [spmem:s2], $0x10, s6, s24, $0xb8;
	[tilespmem:$0x1AC00] =	vst v63  }
0x97: {  	_ = 	snop  }
0x98: {  	[tilespmem:s26], [sflag:$0x2] =	stream.indirect.gather [spmem:s2], $0x10, s24, s24, $0xb8;
	[tilespmem:$0x1AC00] =	vst v63  }
0x99: {  	_ =	swait.ge [sflag:s28], $0x800  }
0x9a: {  	[sflag:s28] =	ssyncset.done $0x0  }
0x9b: {  	s9 =	simm.s32 $0x2800;
	[sflag:s28] =	ssyncadd.s32 $0xFFFFF800  }
0x9c: {  	[spmem:s3] =	stream.indirect.scatter.add.f32 [tilespmem:s25], [sflag:$0x5], $0x10, s9, s24, $0xb8;
	[tilespmem:$0x1AC00] =	vst v63  }
0x9d: {  	s8 =	simm.s32 $0x100  }
0x9e: {  	[tilespmem:s30], [sflag:$0x3] =	stream.indirect.gather [spmem:s2], $0x10, s8, s24, $0xb8;
	[tilespmem:$0x1AC00] =	vst v63  }
0x9f: {  	_ =	swait.ge [sflag:s31], $0x800  }
0xa0: {  	[sflag:s31] =	ssyncset.done $0x0  }
0xa1: {  	s10 =	simm.s32 $0x2880;
	[sflag:s31] =	ssyncadd.s32 $0xFFFFF800  }
0xa2: {  	[spmem:s3] =	stream.indirect.scatter.add.f32 [tilespmem:s26], [sflag:$0x6], $0x10, s10, s24, $0xb8;
	[tilespmem:$0x1AC00] =	vst v63  }
0xa3: {  	s11 =	simm.s32 $0x180  }
0xa4: {  	[tilespmem:s19], [sflag:$0x4] =	stream.indirect.gather [spmem:s2], $0x10, s11, s24, $0xb8;
	[tilespmem:$0x1AC00] =	vst v63  }
0xa5: {  	_ =	swait.ge [sflag:s20], $0x800  }
0xa6: {  	[sflag:s20] =	ssyncset.done $0x0  }
0xa7: {  	s17 =	simm.s32 $0x2900;
	[sflag:s20] =	ssyncadd.s32 $0xFFFFF800  }
0xa8: {  	[spmem:s3] =	stream.indirect.scatter.add.f32 [tilespmem:s30], [sflag:$0x7], $0x10, s17, s24, $0xb8;
	[tilespmem:$0x1AC00] =	vst v63  }
0xa9: {  	_ =	swait.ge [sflag:s22], $0x800  }
0xaa: {  	[sflag:s22] =	ssyncset.done $0x0  }
0xab: {  	s7 =	simm.s32 $0x200;
	[sflag:s22] =	ssyncadd.s32 $0xFFFFF800  }
0xac: {  	[tilespmem:s25], [sflag:$0x1] =	stream.indirect.gather [spmem:s2], $0x10, s7, s24, $0xb8;
	[tilespmem:$0x1AC00] =	vst v63  }
0xad: {  	_ =	swait.ge [sflag:s1], $0x800  }
0xae: {  	[sflag:s1] =	ssyncset.done $0x0  }
0xaf: {  	s8 =	simm.s32 $0x2980;
	[sflag:s1] =	ssyncadd.s32 $0xFFFFF800  }
0xb0: {  	[spmem:s3] =	stream.indirect.scatter.add.f32 [tilespmem:s19], [sflag:$0x8], $0x10, s8, s24, $0xb8;
	[tilespmem:$0x1AC00] =	vst v63  }
0xb1: {  	_ =	swait.ge [sflag:s18], $0x800  }
0xb2: {  	[sflag:s18] =	ssyncset.done $0x0  }
0xb3: {  	s10 =	simm.s32 $0x280;
	[sflag:s18] =	ssyncadd.s32 $0xFFFFF800  }
0xb4: {  	[tilespmem:s26], [sflag:$0x2] =	stream.indirect.gather [spmem:s2], $0x10, s10, s24, $0xb8;
	[tilespmem:$0x1AC00] =	vst v63  }
0xb5: {  	_ =	swait.ge [sflag:s28], $0x800  }
0xb6: {  	[sflag:s28] =	ssyncset.done $0x0  }
0xb7: {  	s11 =	simm.s32 $0x2A00;
	[sflag:s28] =	ssyncadd.s32 $0xFFFFF800  }
0xb8: {  	[spmem:s3] =	stream.indirect.scatter.add.f32 [tilespmem:s25], [sflag:$0x5], $0x10, s11, s24, $0xb8;
	[tilespmem:$0x1AC00] =	vst v63  }
0xb9: {  	_ =	swait.ge [sflag:s29], $0x800  }
0xba: {  	[sflag:s29] =	ssyncset.done $0x0  }
0xbb: {  	s17 =	simm.s32 $0x300;
	[sflag:s29] =	ssyncadd.s32 $0xFFFFF800  }
0xbc: {  	[tilespmem:s30], [sflag:$0x3] =	stream.indirect.gather [spmem:s2], $0x10, s17, s24, $0xb8;
	[tilespmem:$0x1AC00] =	vst v63  }
0xbd: {  	_ =	swait.ge [sflag:s31], $0x800  }
0xbe: {  	[sflag:s31] =	ssyncset.done $0x0  }
0xbf: {  	s7 =	simm.s32 $0x2A80;
	[sflag:s31] =	ssyncadd.s32 $0xFFFFF800  }
0xc0: {  	[spmem:s3] =	stream.indirect.scatter.add.f32 [tilespmem:s26], [sflag:$0x6], $0x10, s7, s24, $0xb8;
	[tilespmem:$0x1AC00] =	vst v63  }
0xc1: {  	_ =	swait.ge [sflag:s0], $0x800  }
0xc2: {  	[sflag:s0] =	ssyncset.done $0x0  }
0xc3: {  	s8 =	simm.s32 $0x380;
	[sflag:s0] =	ssyncadd.s32 $0xFFFFF800  }
0xc4: {  	[tilespmem:s19], [sflag:$0x4] =	stream.indirect.gather [spmem:s2], $0x10, s8, s24, $0xb8;
	[tilespmem:$0x1AC00] =	vst v63  }
0xc5: {  	_ =	swait.ge [sflag:s20], $0x800  }
0xc6: {  	[sflag:s20] =	ssyncset.done $0x0  }
0xc7: {  	s10 =	simm.s32 $0x2B00;
	[sflag:s20] =	ssyncadd.s32 $0xFFFFF800  }
0xc8: {  	[spmem:s3] =	stream.indirect.scatter.add.f32 [tilespmem:s30], [sflag:$0x7], $0x10, s10, s24, $0xb8;
	[tilespmem:$0x1AC00] =	vst v63  }
0xc9: {  	_ =	swait.ge [sflag:s22], $0x800  }
0xca: {  	[sflag:s22] =	ssyncset.done $0x0  }
0xcb: {  	s11 =	simm.s32 $0x400;
	[sflag:s22] =	ssyncadd.s32 $0xFFFFF800  }
0xcc: {  	[tilespmem:s25], [sflag:$0x1] =	stream.indirect.gather [spmem:s2], $0x10, s11, s24, $0xb8;
	[tilespmem:$0x1AC00] =	vst v63  }
0xcd: {  	_ =	swait.ge [sflag:s1], $0x800  }
0xce: {  	[sflag:s1] =	ssyncset.done $0x0  }
0xcf: {  	s17 =	simm.s32 $0x2B80;
	[sflag:s1] =	ssyncadd.s32 $0xFFFFF800  }
0xd0: {  	[spmem:s3] =	stream.indirect.scatter.add.f32 [tilespmem:s19], [sflag:$0x8], $0x10, s17, s24, $0xb8;
	[tilespmem:$0x1AC00] =	vst v63  }
0xd1: {  	_ =	swait.ge [sflag:s18], $0x800  }
0xd2: {  	[sflag:s18] =	ssyncset.done $0x0  }
0xd3: {  	s6 =	simm.s32 $0x800;
	s7 =	simm.s32 $0x480;
	[sflag:s18] =	ssyncadd.s32 $0xFFFFF800  }
.LBB2_6:
0xd4: {  	[tilespmem:s26], [sflag:$0x2] =	stream.indirect.gather [spmem:s2], $0x10, s7, s24, $0xb8;
	[tilespmem:$0x1AC00] =	vst v63  }
0xd5: {  	s7 =	smov.u32 s6  }
0xd6: {  	p0 =	sne.s32 s6, $0x8800;
	s6 =	sadd.s32 $0x800, s6;
	_ =	swait.ge [sflag:s28], $0x800  }
0xd7: {  	s7 =	sshra.s32 s7, $0x2;
	[sflag:s28] =	ssyncset.done $0x0  }
0xd8: {  	s8 =	sadd.s32 $0x2A00, s7;
	[sflag:s28] =	ssyncadd.s32 $0xFFFFF800  }
0xd9: {  	[spmem:s3] =	stream.indirect.scatter.add.f32 [tilespmem:s25], [sflag:$0x5], $0x10, s8, s24, $0xb8;
	[tilespmem:$0x1AC00] =	vst v63  }
0xda: {  	_ =	swait.ge [sflag:s29], $0x800  }
0xdb: {  	[sflag:s29] =	ssyncset.done $0x0  }
0xdc: {  	s8 =	sadd.s32 $0x300, s7;
	[sflag:s29] =	ssyncadd.s32 $0xFFFFF800  }
0xdd: {  	[tilespmem:s30], [sflag:$0x3] =	stream.indirect.gather [spmem:s2], $0x10, s8, s24, $0xb8;
	[tilespmem:$0x1AC00] =	vst v63  }
0xde: {  	_ =	swait.ge [sflag:s31], $0x800  }
0xdf: {  	[sflag:s31] =	ssyncset.done $0x0  }
0xe0: {  	s8 =	sadd.s32 $0x2A80, s7;
	[sflag:s31] =	ssyncadd.s32 $0xFFFFF800  }
0xe1: {  	[spmem:s3] =	stream.indirect.scatter.add.f32 [tilespmem:s26], [sflag:$0x6], $0x10, s8, s24, $0xb8;
	[tilespmem:$0x1AC00] =	vst v63  }
0xe2: {  	_ =	swait.ge [sflag:s0], $0x800  }
0xe3: {  	[sflag:s0] =	ssyncset.done $0x0  }
0xe4: {  	s8 =	sadd.s32 $0x380, s7;
	[sflag:s0] =	ssyncadd.s32 $0xFFFFF800  }
0xe5: {  	[tilespmem:s19], [sflag:$0x4] =	stream.indirect.gather [spmem:s2], $0x10, s8, s24, $0xb8;
	[tilespmem:$0x1AC00] =	vst v63  }
0xe6: {  	_ =	swait.ge [sflag:s20], $0x800  }
0xe7: {  	[sflag:s20] =	ssyncset.done $0x0  }
0xe8: {  	s8 =	sadd.s32 $0x2B00, s7;
	[sflag:s20] =	ssyncadd.s32 $0xFFFFF800  }
0xe9: {  	[spmem:s3] =	stream.indirect.scatter.add.f32 [tilespmem:s30], [sflag:$0x7], $0x10, s8, s24, $0xb8;
	[tilespmem:$0x1AC00] =	vst v63  }
0xea: {  	_ =	swait.ge [sflag:s22], $0x800  }
0xeb: {  	[sflag:s22] =	ssyncset.done $0x0  }
0xec: {  	s8 =	sadd.s32 $0x400, s7;
	[sflag:s22] =	ssyncadd.s32 $0xFFFFF800  }
0xed: {  	[tilespmem:s25], [sflag:$0x1] =	stream.indirect.gather [spmem:s2], $0x10, s8, s24, $0xb8;
	[tilespmem:$0x1AC00] =	vst v63  }
0xee: {  	_ =	swait.ge [sflag:s1], $0x800  }
0xef: {  	[sflag:s1] =	ssyncset.done $0x0  }
.Ltmp2:
0xf0: {  	s8 =	sadd.s32 $0x2B80, s7;
	[sflag:s1] =	ssyncadd.s32 $0xFFFFF800;
	(pc) =	sbr.rel @p0 .LBB2_6-.Ltmp2, $4  }
0xf1: {  	[spmem:s3] =	stream.indirect.scatter.add.f32 [tilespmem:s19], [sflag:$0x8], $0x10, s8, s24, $0xb8;
	[tilespmem:$0x1AC00] =	vst v63  }
0xf2: {  	_ =	swait.ge [sflag:s18], $0x800  }
0xf3: {  	[sflag:s18] =	ssyncset.done $0x0  }
0xf4: {  	s7 =	sadd.s32 $0x480, s7;
	[sflag:s18] =	ssyncadd.s32 $0xFFFFF800  }
0xf5: {  	[tilespmem:s26], [sflag:$0x2] =	stream.indirect.gather [spmem:s2], $0x10, s7, s24, $0xb8;
	[tilespmem:$0x1AC00] =	vst v63  }
0xf6: {  	_ =	swait.ge [sflag:s28], $0x800  }
0xf7: {  	[sflag:s28] =	ssyncset.done $0x0  }
0xf8: {  	s6 =	simm.s32 $0x4E00;
	[sflag:s28] =	ssyncadd.s32 $0xFFFFF800  }
0xf9: {  	[spmem:s3] =	stream.indirect.scatter.add.f32 [tilespmem:s25], [sflag:$0x5], $0x10, s6, s24, $0xb8;
	[tilespmem:$0x1AC00] =	vst v63  }
0xfa: {  	_ =	swait.ge [sflag:s29], $0x800  }
0xfb: {  	[sflag:s29] =	ssyncset.done $0x0  }
0xfc: {  	s17 =	simm.s32 $0x2700;
	[sflag:s29] =	ssyncadd.s32 $0xFFFFF800  }
0xfd: {  	[tilespmem:s30], [sflag:$0x3] =	stream.indirect.gather [spmem:s2], $0x10, s17, s24, $0xb8;
	[tilespmem:$0x1AC00] =	vst v63  }
0xfe: {  	_ =	swait.ge [sflag:s31], $0x800  }
0xff: {  	[sflag:s31] =	ssyncset.done $0x0  }
0x100: {  	s7 =	simm.s32 $0x4E80;
	[sflag:s31] =	ssyncadd.s32 $0xFFFFF800  }
0x101: {  	[spmem:s3] =	stream.indirect.scatter.add.f32 [tilespmem:s26], [sflag:$0x6], $0x10, s7, s24, $0xb8;
	[tilespmem:$0x1AC00] =	vst v63  }
0x102: {  	_ =	swait.ge [sflag:s0], $0x800  }
0x103: {  	[sflag:s0] =	ssyncset.done $0x0  }
0x104: {  	[sflag:s0] =	ssyncadd.s32 $0xFFFFF800  }
0x105: {  	[tilespmem:s19], [sflag:$0x4] =	stream.indirect.gather [spmem:s2], $0x10, s21, s24, $0xb8;
	[tilespmem:$0x1AC00] =	vst v63  }
0x106: {  	_ =	swait.ge [sflag:s20], $0x800  }
0x107: {  	[sflag:s20] =	ssyncset.done $0x0  }
0x108: {  	s8 =	simm.s32 $0x4F00;
	[sflag:s20] =	ssyncadd.s32 $0xFFFFF800  }
0x109: {  	[spmem:s3] =	stream.indirect.scatter.add.f32 [tilespmem:s30], [sflag:$0x7], $0x10, s8, s24, $0xb8;
	[tilespmem:$0x1AC00] =	vst v63  }
0x10a: {  	_ =	swait.ge [sflag:s22], $0x800  }
0x10b: {  	[sflag:s22] =	ssyncset.done $0x0  }
0x10c: {  	[sflag:s22] =	ssyncadd.s32 $0xFFFFF800  }
0x10d: {  	[tilespmem:s25], [sflag:$0x1] =	stream.indirect.gather [spmem:s2], $0x10, s21, s24, $0xb8;
	[tilespmem:$0x1AC00] =	vst v63  }
0x10e: {  	_ =	swait.ge [sflag:s1], $0x800  }
0x10f: {  	[sflag:s1] =	ssyncset.done $0x0  }
0x110: {  	s10 =	simm.s32 $0x4F80;
	[sflag:s1] =	ssyncadd.s32 $0xFFFFF800  }
0x111: {  	[spmem:s3] =	stream.indirect.scatter.add.f32 [tilespmem:s19], [sflag:$0x8], $0x10, s10, s24, $0xb8;
	[tilespmem:$0x1AC00] =	vst v63  }
0x112: {  	_ =	swait.ge [sflag:s18], $0x800  }
0x113: {  	[sflag:s18] =	ssyncset.done $0x0  }
0x114: {  	[sflag:s18] =	ssyncadd.s32 $0xFFFFF800  }
0x115: {  	[tilespmem:s26], [sflag:$0x2] =	stream.indirect.gather [spmem:s2], $0x10, s21, s24, $0xb8;
	[tilespmem:$0x1AC00] =	vst v63  }
0x116: {  	_ =	swait.ge [sflag:s29], $0x800  }
0x117: {  	[sflag:s29] =	ssyncset.done $0x0  }
0x118: {  	[sflag:s29] =	ssyncadd.s32 $0xFFFFF800  }
0x119: {  	_ =	swait.ge [sflag:s0], $0x800  }
0x11a: {  	[sflag:s0] =	ssyncset.done $0x0  }
0x11b: {  	[sflag:s0] =	ssyncadd.s32 $0xFFFFF800  }
0x11c: {  	_ =	swait.ge [sflag:s28], $0x800  }
0x11d: {  	[sflag:s28] =	ssyncset.done $0x0  }
0x11e: {  	[sflag:s28] =	ssyncadd.s32 $0xFFFFF800  }
0x11f: {  	s11 =	stileid.u32;
	_ =	swait.ge [sflag:s31], $0x800  }
0x120: {  	s5 =	sadd.s32 $0x1, s5;
	s6 =	sshll.u32 s11, $0x6;
	[sflag:s31] =	ssyncset.done $0x0  }
0x121: {  	p0 =	sne.s32 s5, s15;
	s6 =	sor.u32 $0x1C09, s6;
	[sflag:s31] =	ssyncadd.s32 $0xFFFFF800  }
.Ltmp3:
0x122: {  	s17 =	sshrl.u32 s13, $0x3;
	[bflag:$0x0] =	sbarrier.arrive $0xFFFF;
	(pc) =	sbr.rel @p0 .LBB2_1-.Ltmp3, $4  }
0x123: {  	[hbm:s14], [sflag:s6] =	dma.local [spmem:s17], $0x4F0  }
0x124: {  	_ =	swait.ge [sflag:s16], $0x4F0  }
0x125: {  	[sflag:s16] =	ssyncset.done $0x0  }
0x126: {  	[sflag:s16] =	ssyncadd.s32 $0xFFFFFB10  }
0x127: {  	_ =	sfence.sel $0x180000  }
0x128: {  	[bflag:$0x0] =	sbarrier.arrive $0xFFFF  }
0x129: {  	_ =	strace $0x9000004D  }
0x12a: {  	s0 =	stileid.u32;
	[bflag:$0x2] =	sbarrier.arrive $0xFFFF  }
0x12b: {  	p0 =	sne.s32 s0, $0x0;
	s0 =	rddreg [dreg:$0x4]  }
0x12c: {  	s0 =	sadd.s32 @!p0 $0x100000, s0  }
0x12d: {  	[sflag:s0] =	ssyncadd.tile.s32 @!p0 $0x1;
	_ =	shalt  }
.Lfunc_end2:
_tile_overlayer_lowered:
.L_overlay_start_2:
0x12e: {  	(tag) =	ssettag $0x2  }
0x12f: {  	s0 =	rddreg [dreg:$0x0];
	s2 =	stileid.u32  }
0x130: {  	s1 =	rddreg [dreg:$0x1];
	p0 =	sne.s32 s2, $0x0  }
0x131: {  	s3 =	rddreg [dreg:$0x2];
	[bflag:$0x3] =	sbarrier.arrive $0xFFFF;
	s2 =	simm.s32 @!p0 $0x1C09  }
0x132: {  	[timem:s3], [sflag:s2] =	dma.local @!p0 [hbm:s0], s1  }
0x133: {  	s0 =	simm.s32 @!p0 $0x9  }
0x134: {  	_ =	swait.ge @!p0 [sflag:s0], s1  }
0x135: {  	s1 =	ssub.s32 @!p0 $0x0, s1;
	[sflag:s0] =	ssyncset.done @!p0 $0x0  }
0x136: {  	[sflag:s0] =	ssyncadd.s32 @!p0 s1  }
0x137: {  	[bflag:$0x3] =	sbarrier.arrive $0xFFFF  }
0x138: {  	_ =	shalt  }

// kernel: kernel.7.cloned.1.call-start
scs
__scs_entry_jumppad:
0x0: {  	(pc) =	sbr.rel $0x88, $3  }
0x1: {  	(tag) =	ssettag $0x0;
	lr =	simm.s32 $0x1  }
0x2: {  	[smem:$0x3F9D] =	sst lr;
	_ =	strace $0xD0000000  }
0x3: {  	_ = 	snop  }
0x4: {  	_ = 	snop  }
0x5: {  	_ = 	snop  }
0x6: {  	_ = 	snop  }
0x7: {  	_ = 	snop  }
__scs_overlays_trampoline_lowered:
0x8: {  	[smem:$0x3FAC] =	sst s0  }
0x9: {  	[smem:$0x3FAD] =	sst s1  }
0xa: {  	[smem:$0x3FAE] =	sst s2  }
0xb: {  	[smem:$0x3FAF] =	sst s3  }
0xc: {  	[smem:$0x3FB0] =	sst s4  }
0xd: {  	[smem:$0x3FB1] =	sst s5  }
0xe: {  	[smem:$0x3FB2] =	sst s6  }
0xf: {  	[smem:$0x3FB3] =	sst s7  }
0x10: {  	[smem:$0x3FB4] =	sst s8  }
0x11: {  	[smem:$0x3FB5] =	sst s9;
	s0 =	simm.s32 @!p0 $0x0  }
0x12: {  	s1 =	sld [smem:$0x3F9B];
	s0 =	simm.s32 @p0 $0x1  }
0x13: {  	[smem:$0x3FB6] =	sst s0;
	s0 =	simm.s32 @!p1 $0x0  }
0x14: {  	s2 =	sld [smem:$0x3F9A];
	s0 =	simm.s32 @p1 $0x1  }
0x15: {  	[smem:$0x3FB7] =	sst s0;
	s0 =	simm.s32 @!p2 $0x0  }
0x16: {  	s3 =	sld [smem:$0x3FDB];
	s0 =	simm.s32 @p2 $0x1  }
0x17: {  	s4 =	simm.s32 $0x1BF5;
	[smem:$0x3FB9] =	sst s0  }
0x18: {  	s0 =	sld [smem:$0x3F9C];
	_ =	swait.ge [sflag:s4], $0x0  }
0x19: {  	s7 =	sld [smem:$0x3F9D]  }
0x1a: {  	s8 =	sadd.s32 $0xFFFFE003, lr  }
0x1b: {  	s9 =	sadd.s32 $0xFFFFFEF7, lr;
	s5 =	simm.s32 $0xFFFFFFFF;
	p2 =	slt.u32 s8, $0xFFFFF086  }
0x1c: {  	p1 =	slt.u32 s9, $0xF7A;
	s5 =	simm.s32 @!p2 $0x0  }
0x1d: {  	s5 =	simm.s32 @p1 $0x1;
	p0 =	seq.s32 s7, s2  }
0x1e: {  	s7 =	smul.u32 @!p0 $0xF7A, s2;
	p2 =	seq.s32 @!p0 s5, $0x0  }
0x1f: {  	s9 =	smul.u32 $0xF7A, s1;
	s8 =	simm.s32 @!p0 $0x1BF5;
	p2 =	por !p2, p0  }
0x20: {  	[sflag:s8] =	ssyncset.s32 @!p0 $0xFFFFF086;
	s6 =	sadd.s32 @!p0 s3, s7;
	s7 =	simm.s32 @!p0 $0x108  }
0x21: {  	s3 =	sadd.s32 s3, s9;
	s6 =	sadd.s32 @!p0 $0x88, s6;
	s7 =	simm.s32 @p2 $0x1082  }
0x22: {  	[simem:s7], [sflag:s8] =	dma.local @!p0 [hbm:s6], $0xF7A  }
0x23: {  	s9 =	sor.u32 $0xD0000000, s2;
	s6 =	simm.s32 $0x108;
	_ =	swait.ge @!p0 [sflag:s8], $0x0  }
0x24: {  	s3 =	sadd.s32 $0x88, s3;
	s6 =	simm.s32 @!p1 $0x1082;
	[sflag:s4] =	ssyncset.s32 $0xFFFFF086  }
0x25: {  	[simem:s6], [sflag:s4] =	dma.local [hbm:s3], $0xF7A  }
0x26: {  	[smem:$0x3F9D] =	sst s1;
	(tag) =	ssettag s2;
	_ =	strace s9  }
0x27: {  	s1 =	sld [smem:$0x3FAD]  }
0x28: {  	s2 =	sld [smem:$0x3FAE]  }
0x29: {  	s4 =	sld [smem:$0x3FB0]  }
0x2a: {  	p0 =	seq.s32 s5, $0x0;
	s5 =	sld [smem:$0x3FB1]  }
0x2b: {  	s6 =	sld [smem:$0x3FB2]  }
0x2c: {  	s7 =	sld [smem:$0x3FB3]  }
0x2d: {  	s3 =	simm.s32 $0x108;
	s8 =	sld [smem:$0x3FB4]  }
0x2e: {  	s3 =	simm.s32 @!p0 $0x1082;
	s9 =	sld [smem:$0x3FB5]  }
0x2f: {  	lr =	sadd.s32 s0, s3;
	s0 =	sld [smem:$0x3FAC]  }
0x30: {  	s3 =	sld [smem:$0x3FAF]  }
0x31: {  	[smem:$0x3FB8] =	sst s10  }
0x32: {  	s10 =	sld [smem:$0x3FB6];
	_ =	sdelay $0x3  }
0x33: {  	p0 =	seq.s32 s10, $0x1;
	s10 =	sld [smem:$0x3FB8];
	_ =	sdelay $0x3  }
0x34: {  	[smem:$0x3FB8] =	sst s10  }
0x35: {  	s10 =	sld [smem:$0x3FB7];
	_ =	sdelay $0x3  }
0x36: {  	p1 =	seq.s32 s10, $0x1;
	s10 =	sld [smem:$0x3FB8];
	_ =	sdelay $0x3  }
0x37: {  	[smem:$0x3FB8] =	sst s10  }
0x38: {  	s10 =	sld [smem:$0x3FB9]  }
0x39: {  	_ = 	snop;
	(pc) =	sbr.ind lr, $3  }
0x3a: {  	_ = 	snop  }
0x3b: {  	_ = 	snop  }
0x3c: {  	p2 =	seq.s32 s10, $0x1;
	s10 =	sld [smem:$0x3FB8]  }
0x3d: {  	_ =	shalt  }
0x3e: {  	_ =	shalt  }
0x3f: {  	_ =	shalt  }
0x40: {  	_ =	shalt  }
0x41: {  	_ =	shalt  }
0x42: {  	_ =	shalt  }
0x43: {  	_ =	shalt  }
0x44: {  	_ =	shalt  }
0x45: {  	_ =	shalt  }
0x46: {  	_ =	shalt  }
0x47: {  	_ =	shalt  }
0x48: {  	_ =	shalt  }
0x49: {  	_ =	shalt  }
0x4a: {  	_ =	shalt  }
0x4b: {  	_ =	shalt  }
0x4c: {  	_ =	shalt  }
0x4d: {  	_ =	shalt  }
0x4e: {  	_ =	shalt  }
0x4f: {  	_ =	shalt  }
0x50: {  	_ =	shalt  }
0x51: {  	_ =	shalt  }
0x52: {  	_ =	shalt  }
0x53: {  	_ =	shalt  }
0x54: {  	_ =	shalt  }
0x55: {  	_ =	shalt  }
0x56: {  	_ =	shalt  }
0x57: {  	_ =	shalt  }
0x58: {  	_ =	shalt  }
0x59: {  	_ =	shalt  }
0x5a: {  	_ =	shalt  }
0x5b: {  	_ =	shalt  }
0x5c: {  	_ =	shalt  }
0x5d: {  	_ =	shalt  }
0x5e: {  	_ =	shalt  }
0x5f: {  	_ =	shalt  }
0x60: {  	_ =	shalt  }
0x61: {  	_ =	shalt  }
0x62: {  	_ =	shalt  }
0x63: {  	_ =	shalt  }
0x64: {  	_ =	shalt  }
0x65: {  	_ =	shalt  }
0x66: {  	_ =	shalt  }
0x67: {  	_ =	shalt  }
0x68: {  	_ =	shalt  }
0x69: {  	_ =	shalt  }
0x6a: {  	_ =	shalt  }
0x6b: {  	_ =	shalt  }
0x6c: {  	_ =	shalt  }
0x6d: {  	_ =	shalt  }
0x6e: {  	_ =	shalt  }
0x6f: {  	_ =	shalt  }
0x70: {  	_ =	shalt  }
0x71: {  	_ =	shalt  }
0x72: {  	_ =	shalt  }
0x73: {  	_ =	shalt  }
0x74: {  	_ =	shalt  }
0x75: {  	_ =	shalt  }
0x76: {  	_ =	shalt  }
0x77: {  	_ =	shalt  }
0x78: {  	_ =	shalt  }
0x79: {  	_ =	shalt  }
0x7a: {  	_ =	shalt  }
0x7b: {  	_ =	shalt  }
0x7c: {  	_ =	shalt  }
0x7d: {  	_ =	shalt  }
0x7e: {  	_ =	shalt  }
0x7f: {  	_ =	shalt  }
0x80: {  	_ =	shalt  }
0x81: {  	_ =	shalt  }
0x82: {  	_ =	shalt  }
0x83: {  	_ =	shalt  }
0x84: {  	_ =	shalt  }
0x85: {  	_ =	shalt  }
0x86: {  	_ =	shalt  }
0x87: {  	_ =	shalt  }
.Lfunc_end0:
.L_simem_size_0:
called_computation_lowered:
.L_overlay_start_0:
0x88: {  	s2 =	sld [smem:$0x3FD9]  }
0x89: {  	s3 =	sld [smem:$0x3FFE];
	_ =	sdelay $0x1  }
0x8a: {  	s1 =	srdreg.scid  }
0x8b: {  	s0 =	sand.u32 $0x1, s1  }
0x8c: {  	s16 =	sshll.u32 s0, $0xA;
	s2 =	sadd.s32 s3, s2  }
0x8d: {  	s2 =	sadd.s32 s2, s16  }
0x8e: {  	[smem:$0x3FC4] =	sst s2  }
0x8f: {  	_ = 	snop  }
0x90: {  	(tm) =	ssettm $0x1  }
0x91: {  	s17 =	sld [smem:$0x3FFB];
	_ =	sdelay $0x3  }
0x92: {  	_ =	strace s17  }
0x93: {  	s2 =	sld [smem:$0x3FFC];
	_ =	sdelay $0x3  }
0x94: {  	_ =	strace s2  }
0x95: {  	s2 =	sld [smem:$0x3FFD];
	_ =	sdelay $0x3  }
0x96: {  	_ =	strace s2  }
0x97: {  	_ =	strace $0x8FFFFFFF  }
0x98: {  	s18 =	sld [smem:$0x3FDB];
	_ =	sdelay $0x1  }
0x99: {  	s19 =	simm.s32 $_scs_section_size  }
0x9a: {  	s4 =	simm.s32 $_size__tile_overlayer_lowered;
	s5 =	simm.s32 $_tile_overlayer_lowered  }
0x9b: {  	s22 =	simm.s32 $0x1BFF;
	s21 =	sshll.u32 s5, $0x1;
	s2 =	sadd.s32 s19, s18  }
0x9c: {  	s6 =	simm.s32 $0x0;
	s20 =	sshll.u32 s4, $0x1;
	s4 =	sadd.s32 s21, s2  }
0x9d: {  	[timem:s6], [sflag:s22] =	dma.local [hbm:s4], s20  }
0x9e: {  	_ =	swait.ge [sflag:s22], s20  }
0x9f: {  	s3 =	ssub.s32 $0x0, s20;
	[sflag:s22] =	ssyncset.done $0x0  }
0xa0: {  	[sflag:s22] =	ssyncadd.s32 s3;
	_ =	sdelay $0x1  }
0xa1: {  	s23 =	simm.s32 $0x1B8B  }
0xa2: {  	_ =	swait.ge [sflag:s23], $0x1  }
0xa3: {  	[sflag:s23] =	ssyncset.done $0x0  }
0xa4: {  	s25 =	simm.s32 $0x1B8E;
	s24 =	sld [smem:$0x3FFE];
	[sflag:s23] =	ssyncadd.s32 $0xFFFFFFFF  }
0xa5: {  	s26 =	simm.s32 $execute0_lowered;
	[smem:$0x3FD2] =	sst s25  }
0xa6: {  	s4 =	sshll.u32 s26, $0x1;
	_ =	strace $0x80000046;
	[dreg:$0x1] =	wrdreg $0xFFFFFFFF  }
0xa7: {  	s28 =	simm.s32 $_size_execute0_lowered;
	s2 =	sadd.s32 s2, s4;
	[dreg:$0x0] =	wrdreg $0x0  }
0xa8: {  	s4 =	sshll.u32 s28, $0x1;
	[dreg:$0x2] =	wrdreg s2  }
0xa9: {  	[dreg:$0x3] =	wrdreg s4  }
0xaa: {  	[dreg:$0x4] =	wrdreg $0xC0  }
0xab: {  	_ =	task [dreg:s6], $0x5FFFF  }
0xac: {  	[dreg:$0x1] =	wrdreg $0xFFFFFFFF  }
0xad: {  	[dreg:$0x0] =	wrdreg $0x60  }
0xae: {  	[dreg:$0x2] =	wrdreg s24  }
0xaf: {  	[dreg:$0x3] =	wrdreg $0x57800  }
0xb0: {  	[dreg:$0x4] =	wrdreg $0x9  }
0xb1: {  	_ =	task.clear_ibuf [dreg:s6], $0x5FFFF;
	_ =	strace $0x90000046  }
0xb2: {  	s29 =	simm.s32 $0x9;
	_ =	strace $0x80000048  }
0xb3: {  	_ =	swait.ge [sflag:s29], $0x1  }
0xb4: {  	[sflag:s29] =	ssyncadd.s32 $0xFFFFFFFF  }
0xb5: {  	_ =	strace $0x90000048  }
0xb6: {  	_ =	sfence  }
0xb7: {  	s30 =	sld [smem:$0x0];
	_ =	sdelay $0x2  }
0xb8: {  	s31 =	sshll.u32 s1, $0xD;
	s1 =	sshrl.u32 s1, $0x2  }
0xb9: {  	s3 =	sand.u32 $0x4000, s31;
	s1 =	sadd.s32 s1, s30  }
0xba: {  	s0 =	sor.u32 s3, s0;
	s1 =	sshll.u32 s1, $0x11  }
0xbb: {  	s0 =	sor.u32 s1, s0  }
0xbc: {  	s0 =	sadd.s32 $0x8F2B, s0  }
0xbd: {  	[sflag:s0] =	ssyncadd.remote.s32 $0x1  }
0xbe: {  	_ =	sfence.sel $0xFFFF  }
0xbf: {  	[dreg:$0x0] =	wrdreg $0xFFFFFFFF;
	(pc) =	sbr.abs _section_cstart, $3  }
0xc0: {  	[dreg:$0x1] =	wrdreg $0xFFFFFFFF  }
0xc1: {  	_ =	task.clear_ibuf [dreg:s6], $0x2FFFF;
	_ =	strace $0x9FFFFFFF  }
0xc2: {  	(tm) =	ssettm $0x7FFFFFFF  }
0xc3: {  	_ =	shalt  }
tec
execute0_lowered:
.L_overlay_start_1:
0x0: {  	(tag) =	ssettag $0x1  }
0x1: {  	s4 =	rddreg [dreg:$0x0]  }
0x2: {  	s2 =	rddreg [dreg:$0x1]  }
0x3: {  	s0 =	rddreg [dreg:$0x2];
	s3 =	srdreg.scid  }
0x4: {  	s1 =	stileid.u32;
	s10 =	simm.s32 $0x80;
	s11 =	simm.s32 $0x2800  }
0x5: {  	s12 =	simm.s32 $0x1;
	s15 =	simm.s32 $0x0;
	s5 =	sand.u32 $0x1, s3  }
0x6: {  	s6 =	sshll.u32 s1, $0x1;
	s7 =	smul.u32 $0x2780, s1;
	s3 =	simm.s32 $0x0  }
0x7: {  	s13 =	sshll.u32 s1, $0x6;
	s6 =	sor.u32 s5, s6;
	s8 =	smul.u32 $0x27800, s5  }
0x8: {  	[smem:$0x7FF] =	sst s3;
	s5 =	ssub.s32 $0x2, s5;
	s13 =	sor.u32 $0x1C02, s13  }
0x9: {  	s6 =	smul.u32 $0x500, s6;
	_ =	strace $0x80000047;
	s9 =	sshrl.u32 s5, $0x1  }
0xa: {  	s8 =	sadd.s32 s7, s8;
	s9 =	ssub.s32 s5, s9;
	s5 =	sadd.s32 s7, s2  }
0xb: {  	s6 =	sadd.s32 s6, s4;
	s8 =	sshrl.u32 s8, $0x3;
	s7 =	smax.u32 s9, $0x1  }
0xc: {  	s9 =	simm.s32 $0x3000;
	s14 =	sshrl.u32 s5, $0x3;
	s8 =	sadd.s32 s8, s4  }
0xd: {  	v0 =	vimm.f32 $1.000000000e+00;
	v1 =	vimm.f32 $0.0e+00;
	s4 =	sadd.s32 $0x1400, s6;
	s6 =	sadd.s32 $0xB400, s8;
	s8 =	simm.s32 $0x2  }
.LBB2_1:
0xe: {  	[tilespmem:s3], [sflag:$0x2] =	stream.linear.gather [hbm4b:s4+s3], $0x2800, $0x38;
	[tilespmem:$0x7F00] =	vst v63  }
0xf: {  	_ =	swait.ge [sflag:s8], $0x2800  }
0x10: {  	[sflag:s8] =	ssyncset.done $0x0  }
0x11: {  	s16 =	simm.s32 $0x0;
	[sflag:s8] =	ssyncadd.s32 $0xFFFFD800  }
.LBB2_2:
0x12: {  	p0 =	sne.s32 s16, $0x1FC0  }
.Ltmp0:
0x13: {  	_ = 	snop;
	(pc) =	sbr.rel @p0 .LBB2_2-.Ltmp0, $3  }
0x14: {  	_ =	sdelay $0x1  }
0x15: {  	s17 =	sshra.s32 s16, $0x2  }
0x16: {  	s16 =	sadd.s32 $0x40, s16;
	[tilespmem:s17+$0x2800] =	vst v0  }
0x17: {  	s16 =	simm.s32 $0x40;
	s17 =	simm.s32 $0x0  }
.LBB2_4:
0x18: {  	p0 =	sne.s32 s16, $0x9DC0;
	[tilespmem:s17+$0x3000] =	vst v1;
	s17 =	smov.u32 s16;
	s16 =	sadd.s32 $0x40, s16  }
.Ltmp1:
0x19: {  	(pc) =	sbr.rel @p0 .LBB2_4-.Ltmp1, $2  }
0x1a: {  	_ =	sdelay $0x2  }
0x1b: {  	s17 =	sshra.s32 s17, $0x2  }
0x1c: {  	[tilespmem:s17+$0x3000] =	vst v1  }
0x1d: {  	[spmem:s5] =	stream.linear.scatter [tilespmem:s9], [sflag:$0x2], $0x2780, $0x38;
	[tilespmem:$0x7F00] =	vst v63  }
0x1e: {  	_ =	swait.ge [sflag:s8], $0x2780  }
0x1f: {  	[sflag:s8] =	ssyncset.done $0x0  }
0x20: {  	[sflag:s8] =	ssyncadd.s32 $0xFFFFD880  }
0x21: {  	s16 =	simm.s32 $0x0;
	[bflag:$0x0] =	sbarrier.arrive $0xFFFF  }
.LBB2_6:
0x22: {  	p0 =	sne.s32 s16, $0x9E00  }
.Ltmp2:
0x23: {  	_ = 	snop;
	(pc) =	sbr.rel @p0 .LBB2_6-.Ltmp2, $3  }
0x24: {  	_ =	sdelay $0x1  }
0x25: {  	s17 =	sshra.s32 s16, $0x2;
	s16 =	sadd.s32 $0x200, s16  }
0x26: {  	[spmem:s2] =	stream.indirect.scatter.add.f32 [tilespmem:s11], [sflag:$0x1], $0x10, s17, s10, $0xb8;
	[tilespmem:$0x7F00] =	vst v63  }
0x27: {  	_ =	swait.ge [sflag:s12], $0x800  }
0x28: {  	s16 =	simm.s32 $0x4F;
	[sflag:s12] =	ssyncset.done $0x0  }
.LBB2_8:
0x29: {  	p0 =	sne.s32 s16, $0x1;
	s16 =	sadd.s32 $0xFFFFFFFF, s16;
	[sflag:s12] =	ssyncadd.s32 $0xFFFFF800  }
.Ltmp3:
0x2a: {  	(pc) =	sbr.rel @p0 .LBB2_8-.Ltmp3, $3  }
0x2b: {  	_ =	sdelay $0x1  }
0x2c: {  	_ =	swait.ge [sflag:s12], $0x800  }
0x2d: {  	[sflag:s12] =	ssyncset.done $0x0  }
0x2e: {  	s15 =	sadd.s32 $0x1, s15  }
0x2f: {  	[sflag:s12] =	ssyncadd.s32 $0xFFFFF800;
	p0 =	sne.s32 s15, s7  }
.Ltmp4:
0x30: {  	[bflag:$0x0] =	sbarrier.arrive $0xFFFF;
	(pc) =	sbr.rel @p0 .LBB2_1-.Ltmp4, $4  }
0x31: {  	[hbm:s6], [sflag:s13] =	dma.local [spmem:s14], $0x4F0  }
0x32: {  	_ =	swait.ge [sflag:s8], $0x4F0  }
0x33: {  	[sflag:s8] =	ssyncset.done $0x0  }
0x34: {  	[sflag:s8] =	ssyncadd.s32 $0xFFFFFB10  }
0x35: {  	_ =	sfence.sel $0x180000  }
0x36: {  	[bflag:$0x0] =	sbarrier.arrive $0xFFFF  }
0x37: {  	p0 =	sne.s32 s1, $0x0;
	_ =	strace $0x90000047  }
0x38: {  	s0 =	sadd.s32 @!p0 $0x100000, s0;
	[bflag:$0x2] =	sbarrier.arrive $0xFFFF  }
0x39: {  	[sflag:s0] =	ssyncadd.tile.s32 @!p0 $0x1;
	_ =	shalt  }
.Lfunc_end2:
_tile_overlayer_lowered:
.L_overlay_start_2:
0x3a: {  	(tag) =	ssettag $0x2  }
0x3b: {  	s0 =	rddreg [dreg:$0x0];
	s2 =	stileid.u32  }
0x3c: {  	s1 =	rddreg [dreg:$0x1];
	p0 =	sne.s32 s2, $0x0  }
0x3d: {  	s3 =	rddreg [dreg:$0x2];
	[bflag:$0x3] =	sbarrier.arrive $0xFFFF;
	s2 =	simm.s32 @!p0 $0x1C02  }
0x3e: {  	[timem:s3], [sflag:s2] =	dma.local @!p0 [hbm:s0], s1  }
0x3f: {  	s0 =	simm.s32 @!p0 $0x2  }
0x40: {  	_ =	swait.ge @!p0 [sflag:s0], s1  }
0x41: {  	s1 =	ssub.s32 @!p0 $0x0, s1;
	[sflag:s0] =	ssyncset.done @!p0 $0x0  }
0x42: {  	[sflag:s0] =	ssyncadd.s32 @!p0 s1  }
0x43: {  	[bflag:$0x3] =	sbarrier.arrive $0xFFFF  }
0x44: {  	_ =	shalt  }

</sc_bundles>
